<compile_context>
chip_gen: v7x
topology: tpu7x:2x2x1
jax: 0.10.2.dev20260603
libtpu: 0.0.44.dev20260713+nightly
codegen_flags: <defaults>
</compile_context>

<pallas_src>
import jax
import jax.numpy as jnp
import numpy as np
from jax import lax
from jax.experimental import pallas as pl
from jax.experimental.pallas import tpu as pltpu
from jax.experimental.pallas import tpu_sc as plsc

_TT = 256
_CH = 128
_NF = 10000
_NB = 2000
_FPAD = 10752
_BPAD = 2560
_RBF = 8
_NW = 32
_BF = _FPAD // _NW
_BB = _BPAD // _NW
_L = 16


def _sc_gather_body(fx_hbm, fy_hbm, ffe_hbm, bx_hbm, by_hbm, bfe_hbm,
                    pf_hbm, pb_hbm,
                    ofx_hbm, ofy_hbm, off_hbm, obx_hbm, oby_hbm, obf_hbm,
                    colf_v, colb_v, idxf_v, idxb_v, outf_v, outb_v):
    wid = lax.axis_index("s") * 2 + lax.axis_index("c")
    basef = wid * _BF
    baseb = wid * _BB
    pltpu.sync_copy(pf_hbm.at[pl.ds(basef, _BF)], idxf_v)
    pltpu.sync_copy(pb_hbm.at[pl.ds(baseb, _BB)], idxb_v)

    def gather_col(col_hbm, out_hbm, col_v, idx_v, out_v, n, base):
        pltpu.sync_copy(col_hbm, col_v)
        for i in range(n // _L):
            vec = idx_v[pl.ds(i * _L, _L)]
            out_v[pl.ds(i * _L, _L)] = plsc.load_gather(col_v, [vec])
        pltpu.sync_copy(out_v, out_hbm.at[pl.ds(base, n)])

    gather_col(fx_hbm, ofx_hbm, colf_v, idxf_v, outf_v, _BF, basef)
    gather_col(fy_hbm, ofy_hbm, colf_v, idxf_v, outf_v, _BF, basef)
    gather_col(ffe_hbm, off_hbm, colf_v, idxf_v, outf_v, _BF, basef)
    gather_col(bx_hbm, obx_hbm, colb_v, idxb_v, outb_v, _BB, baseb)
    gather_col(by_hbm, oby_hbm, colb_v, idxb_v, outb_v, _BB, baseb)
    gather_col(bfe_hbm, obf_hbm, colb_v, idxb_v, outb_v, _BB, baseb)


def _sc_sorted_gather(fx, fy, ffe, bx, by, bfe, pf, pb):
    f32 = jnp.float32
    mesh = plsc.VectorSubcoreMesh(core_axis_name="c", subcore_axis_name="s",
                                  num_cores=2, num_subcores=16)
    return pl.kernel(
        _sc_gather_body,
        out_type=[jax.ShapeDtypeStruct((_FPAD,), f32)] * 3
                 + [jax.ShapeDtypeStruct((_BPAD,), f32)] * 3,
        mesh=mesh,
        scratch_types=[
            pltpu.VMEM((_FPAD,), f32),
            pltpu.VMEM((_BPAD,), f32),
            pltpu.VMEM((_BF,), jnp.int32),
            pltpu.VMEM((_BB,), jnp.int32),
            pltpu.VMEM((_BF,), f32),
            pltpu.VMEM((_BB,), f32),
        ],
        compiler_params=pltpu.CompilerParams(needs_layout_passes=False),
    )(fx, fy, ffe, bx, by, bfe, pf, pb)


_ATAN_C = (0.9999772197188205, -0.3326228337800521, 0.19354039031965328,
           -0.1164264883950182, 0.05264734009558123, -0.011719126877656156)


def _atan2(dy, dx):
    ax = jnp.abs(dx)
    ay = jnp.abs(dy)
    hi = jnp.maximum(ax, ay)
    lo = jnp.minimum(ax, ay)
    a = lo / jnp.maximum(hi, jnp.float32(1e-30))
    s = a * a
    p = jnp.float32(_ATAN_C[5])
    for c in _ATAN_C[4::-1]:
        p = p * s + jnp.float32(c)
    p = p * a
    r = jnp.where(ay > ax, jnp.float32(np.pi / 2) - p, p)
    r = jnp.where(dx < 0.0, jnp.float32(np.pi) - r, r)
    return jnp.where(dy < 0.0, -r, r)


def _pair_acc(acc, tx, ty, sx, sy, sf, wflat, rsq, inv_s):
    dx = sx - tx
    dy = sy - ty
    d2 = dx * dx + dy * dy
    mask = (d2 < rsq).astype(jnp.float32)
    h_inv = jnp.float32((_RBF - 1) / 2.0)
    tu = jnp.minimum(jnp.sqrt(d2) * (2.0 * h_inv * inv_s), jnp.float32(_RBF - 1))
    v = _atan2(dy, dx) * jnp.float32(1.0 / np.pi)
    tv = jnp.clip((v + 1.0) * h_inv, 0.0, jnp.float32(_RBF - 1))
    iu = jnp.minimum(tu.astype(jnp.int32), _RBF - 2)
    iv = jnp.minimum(tv.astype(jnp.int32), _RBF - 2)
    fu = tu - iu.astype(jnp.float32)
    fv = tv - iv.astype(jnp.float32)
    idx = iu * _RBF + iv
    w2d = jnp.broadcast_to(wflat.reshape(1, _RBF * _RBF), (idx.shape[0], _RBF * _RBF))

    def gat(i):
        return jnp.take_along_axis(w2d, i, axis=1, mode="promise_in_bounds")

    g0 = gat(idx)
    g1 = gat(idx + _RBF)
    hi_mask = jnp.int32(-65536)
    w00 = lax.bitcast_convert_type(g0 & hi_mask, jnp.float32)
    w01 = lax.bitcast_convert_type(g0 << 16, jnp.float32)
    w10 = lax.bitcast_convert_type(g1 & hi_mask, jnp.float32)
    w11 = lax.bitcast_convert_type(g1 << 16, jnp.float32)
    t = ((1.0 - fu) * ((1.0 - fv) * w00 + fv * w01)
         + fu * ((1.0 - fv) * w10 + fv * w11))
    return acc + t * (mask * sf)


def _banded_kernel(sup_ref, wf_ref, wb_ref, tx_ref, ty_ref, fcb_ref, bcb_ref,
                   fsx_ref, fsy_ref, fsf_ref, bsx_ref, bsy_ref, bsf_ref,
                   out_ref):
    tx = tx_ref[:, :]
    ty = ty_ref[:, :]
    s = sup_ref[0]
    rsq = s * s
    inv_s = 1.0 / s
    wf = wf_ref[:]
    wb = wb_ref[:]

    lo = jnp.min(tx) - s
    hi = jnp.max(tx) + s

    def chunk_range(cb_row):
        k0 = jnp.maximum(
            jnp.sum((cb_row <= lo).astype(jnp.int32)) - 1, 0)
        k1 = jnp.sum((cb_row < hi).astype(jnp.int32))
        return k0, k1

    fk0, fk1 = chunk_range(fcb_ref[:, :])
    bk0, bk1 = chunk_range(bcb_ref[:, :])

    def fchunk(k, acc):
        sx = fsx_ref[:, pl.ds(k * _CH, _CH)]
        sy = fsy_ref[:, pl.ds(k * _CH, _CH)]
        sf = fsf_ref[:, pl.ds(k * _CH, _CH)]
        return _pair_acc(acc, tx, ty, sx, sy, sf, wf, rsq, inv_s)

    def bchunk(k, acc):
        sx = bsx_ref[:, pl.ds(k * _CH, _CH)]
        sy = bsy_ref[:, pl.ds(k * _CH, _CH)]
        sf = bsf_ref[:, pl.ds(k * _CH, _CH)]
        return _pair_acc(acc, tx, ty, sx, sy, sf, wb, rsq, inv_s)

    def floop2(i, carry):
        a0, a1 = carry
        k = fk0 + 2 * i
        return fchunk(k, a0), fchunk(k + 1, a1)

    def bloop2(i, carry):
        a0, a1 = carry
        k = bk0 + 2 * i
        return bchunk(k, a0), bchunk(k + 1, a1)

    z = jnp.zeros((_TT, _CH), jnp.float32)
    a0, a1 = lax.fori_loop(0, (fk1 - fk0 + 1) // 2, floop2, (z, z))
    a0, a1 = lax.fori_loop(0, (bk1 - bk0 + 1) // 2, bloop2, (a0, a1))
    out_ref[:, :] = jnp.sum(a0 + a1, axis=1, keepdims=True)


def kernel(fluidPositions, boundaryPositions, fluidFeatures, boundaryFeatures,
           W_fluid, W_boundary, support):
    f32 = jnp.float32

    def pad_to(x, n, val):
        return jnp.pad(x, (0, n - x.shape[0]), constant_values=val)

    fx_pad = pad_to(fluidPositions[:, 0], _FPAD, 1e9)
    fy_pad = pad_to(fluidPositions[:, 1], _FPAD, 0.0)
    ff_pad = pad_to(fluidFeatures[:, 0], _FPAD, 0.0)
    bx_pad = pad_to(boundaryPositions[:, 0], _BPAD, 1e9)
    by_pad = pad_to(boundaryPositions[:, 1], _BPAD, 0.0)
    bf_pad = pad_to(boundaryFeatures[:, 0], _BPAD, 0.0)
    perm_f = jnp.argsort(fx_pad).astype(jnp.int32)
    perm_b = jnp.argsort(bx_pad).astype(jnp.int32)

    sfx, sfy, sff, sbx, sby, sbf = _sc_sorted_gather(
        fx_pad, fy_pad, ff_pad, bx_pad, by_pad, bf_pad, perm_f, perm_b)

    tx = jnp.concatenate(
        [sfx[:_NF], jnp.full((_FPAD - _NF,), 2.0, f32)]).reshape(_FPAD, 1)
    ty = sfy.reshape(_FPAD, 1)
    fsx = sfx.reshape(1, _FPAD)
    fsy = sfy.reshape(1, _FPAD)
    fsf = sff.reshape(1, _FPAD)
    bsx = sbx.reshape(1, _BPAD)
    bsy = sby.reshape(1, _BPAD)
    bsf = sbf.reshape(1, _BPAD)
    fcb = jnp.pad(sfx[::_CH], (0, 128 - _FPAD // _CH),
                  constant_values=1e30).reshape(1, 128)
    bcb = jnp.pad(sbx[::_CH], (0, 128 - _BPAD // _CH),
                  constant_values=1e30).reshape(1, 128)
    sup = jnp.asarray(support, f32).reshape(1)

    def pack_w(W):
        w = W.reshape(_RBF, _RBF).astype(f32)
        hi = lax.bitcast_convert_type(
            w.astype(jnp.bfloat16), jnp.uint16).astype(jnp.uint32)
        wl = jnp.concatenate([w[:, 1:], w[:, -1:]], axis=1)
        lo = lax.bitcast_convert_type(
            wl.astype(jnp.bfloat16), jnp.uint16).astype(jnp.uint32)
        return lax.bitcast_convert_type(
            (hi << 16) | lo, jnp.int32).reshape(_RBF * _RBF)

    wf = pack_w(W_fluid)
    wb = pack_w(W_boundary)

    grid = (_FPAD // _TT,)
    smem = pl.BlockSpec(memory_space=pltpu.SMEM)
    wspec = pl.BlockSpec((_RBF * _RBF,), lambda i: (0,))
    full_f = pl.BlockSpec((1, _FPAD), lambda i: (0, 0))
    full_b = pl.BlockSpec((1, _BPAD), lambda i: (0, 0))
    cbspec = pl.BlockSpec((1, 128), lambda i: (0, 0))
    tgt = pl.BlockSpec((_TT, 1), lambda i: (i, 0))

    out_sorted = pl.pallas_call(
        _banded_kernel,
        grid=grid,
        in_specs=[smem, wspec, wspec, tgt, tgt, cbspec, cbspec,
                  full_f, full_f, full_f, full_b, full_b, full_b],
        out_specs=pl.BlockSpec((_TT, 1), lambda i: (i, 0)),
        out_shape=jax.ShapeDtypeStruct((_FPAD, 1), f32),
        compiler_params=pltpu.CompilerParams(
            dimension_semantics=("parallel",),
        ),
    )(sup, wf, wb, tx, ty, fcb, bcb, fsx, fsy, fsf, bsx, bsy, bsf)

    return jnp.zeros((_NF, 1), f32).at[perm_f[:_NF]].set(out_sorted[:_NF])

# --- scband reference (transcript-rebuilt; emitter-appended) ---
"""Pipeline reference for scband-density-net-32908039422302 (READ-ONLY COPY).

The authoritative reference and input builder live on the scoring server;
editing this copy changes nothing except your own understanding.
"""

import jax, jax.numpy as jnp
import numpy as np

N_FLUID = 10000
N_BOUNDARY = 2000
SUPPORT = 0.032
RBF_N = 8
RBF_M = 8
IN_FLUID = 1
IN_BOUNDARY = 1
OUT_CH = 1


def _radius_search(x, y, r, chunk=1024):
    # torch_cluster.radius(x, y, r): for each point in y, find all points in x within r.
    # Returns (row = index into y, col = index into x).
    xn = np.asarray(x, dtype=np.float32)
    yn = np.asarray(y, dtype=np.float32)
    r2 = np.float32(r) * np.float32(r)
    rows, cols = [], []
    for s in range(0, yn.shape[0], chunk):
        yc = yn[s:s + chunk]
        d2 = ((yc[:, None, :] - xn[None, :, :]) ** 2).sum(-1)
        rr, cc = np.nonzero(d2 < r2)
        rows.append(rr + s)
        cols.append(cc)
    return (np.concatenate(rows).astype(np.int64), np.concatenate(cols).astype(np.int64))


def _basis(x, n):
    # piecewise-linear hat RBF basis ('linear') with n centers on [-1, 1]
    centers = jnp.linspace(-1.0, 1.0, n, dtype=x.dtype)
    h = 2.0 / (n - 1)
    return jnp.clip(1.0 - jnp.abs(x[:, None] - centers[None, :]) / h, 0.0, 1.0)


def _rbf_conv(src_feats, tgt_idx, edge_attr, W, n_out):
    # polar coordinate mapping of normalized edge offsets in [-1,1]^2
    r = jnp.linalg.norm(edge_attr, axis=-1)
    theta = jnp.arctan2(edge_attr[:, 1], edge_attr[:, 0])
    u = jnp.clip(2.0 * r - 1.0, -1.0, 1.0)
    v = theta / np.pi
    Bu = _basis(u, W.shape[0])
    Bv = _basis(v, W.shape[1])
    msg = jnp.einsum('en,em,nmio,ei->eo', Bu, Bv, W, src_feats)
    return jnp.zeros((n_out, W.shape[3]), msg.dtype).at[tgt_idx].add(msg)


def _dense_rbf_conv(x_pos, y_pos, src_feats, W, support, chunk=500):
    # dense masked equivalent of radius search + rbf conv: every (target, source)
    # pair is evaluated with a within-support indicator so shapes stay fixed.
    n_y = y_pos.shape[0]
    nc = n_y // chunk
    r2 = support * support

    def _per_chunk(yc):
        diff = x_pos[None, :, :] - yc[:, None, :]
        d2 = (diff ** 2).sum(-1)
        mask = (d2 < r2).astype(src_feats.dtype)
        e = jnp.clip(diff / support, -1.0, 1.0)
        r = jnp.linalg.norm(e, axis=-1)
        theta = jnp.arctan2(e[..., 1], e[..., 0])
        u = jnp.clip(2.0 * r - 1.0, -1.0, 1.0)
        v = theta / np.pi
        Bu = _basis(u.reshape(-1), W.shape[0]).reshape(u.shape + (W.shape[0],))
        Bv = _basis(v.reshape(-1), W.shape[1]).reshape(v.shape + (W.shape[1],))
        T = jnp.einsum('cjn,cjm,nmio->cjio', Bu, Bv, W)
        return jnp.einsum('cjio,ji,cj->co', T, src_feats, mask)

    out = jax.lax.map(_per_chunk, y_pos.reshape(nc, chunk, y_pos.shape[1]))
    return out.reshape(n_y, W.shape[3])


def setup_inputs(seed: int = 0):
    key = jax.random.key(seed)
    k1, k2, k3, k4, k5, k6 = jax.random.split(key, 6)
    fluidPositions = jax.random.uniform(k1, (N_FLUID, 2), dtype=jnp.float32)
    boundaryPositions = jax.random.uniform(k2, (N_BOUNDARY, 2), dtype=jnp.float32)
    fluidFeatures = jax.random.normal(k3, (N_FLUID, IN_FLUID), dtype=jnp.float32)
    boundaryFeatures = jax.random.normal(k4, (N_BOUNDARY, IN_BOUNDARY), dtype=jnp.float32)
    W_fluid = jax.random.normal(k5, (RBF_N, RBF_M, IN_FLUID, OUT_CH), dtype=jnp.float32) * 0.1
    W_boundary = jax.random.normal(k6, (RBF_N, RBF_M, IN_BOUNDARY, OUT_CH), dtype=jnp.float32) * 0.1
    return {
        'fluidPositions': fluidPositions,
        'boundaryPositions': boundaryPositions,
        'fluidFeatures': fluidFeatures,
        'boundaryFeatures': boundaryFeatures,
        'W_fluid': W_fluid,
        'W_boundary': W_boundary,
        'support': SUPPORT,
    }


def reference(fluidPositions, boundaryPositions, fluidFeatures, boundaryFeatures, W_fluid, W_boundary, support):
    fluidConvolution = _dense_rbf_conv(fluidPositions, fluidPositions, fluidFeatures, W_fluid, support)
    boundaryConvolution = _dense_rbf_conv(boundaryPositions, fluidPositions, boundaryFeatures, W_boundary, support)
    return fluidConvolution + boundaryConvolution

if __name__ == "__main__":
    import jax
    _d = setup_inputs()
    print(jax.jit(kernel)(*tuple(_d.values())))

</pallas_src>

<mosaic_0001>
#map = affine_map<(d0, d1) -> (0)>
module attributes {stable_mosaic.version = 14 : i64} {
  func.func @_sc_gather_body(%arg0: i32, %arg1: i32, %arg2: memref<10752xf32, #tpu.memory_space<hbm>>, %arg3: memref<10752xf32, #tpu.memory_space<hbm>>, %arg4: memref<10752xf32, #tpu.memory_space<hbm>>, %arg5: memref<2560xf32, #tpu.memory_space<hbm>>, %arg6: memref<2560xf32, #tpu.memory_space<hbm>>, %arg7: memref<2560xf32, #tpu.memory_space<hbm>>, %arg8: memref<10752xi32, #tpu.memory_space<hbm>>, %arg9: memref<2560xi32, #tpu.memory_space<hbm>>, %arg10: memref<10752xf32, #tpu.memory_space<hbm>>, %arg11: memref<10752xf32, #tpu.memory_space<hbm>>, %arg12: memref<10752xf32, #tpu.memory_space<hbm>>, %arg13: memref<2560xf32, #tpu.memory_space<hbm>>, %arg14: memref<2560xf32, #tpu.memory_space<hbm>>, %arg15: memref<2560xf32, #tpu.memory_space<hbm>>, %arg16: memref<10752xf32, #tpu.memory_space<vmem>>, %arg17: memref<2560xf32, #tpu.memory_space<vmem>>, %arg18: memref<336xi32, #tpu.memory_space<vmem>>, %arg19: memref<80xi32, #tpu.memory_space<vmem>>, %arg20: memref<336xf32, #tpu.memory_space<vmem>>, %arg21: memref<80xf32, #tpu.memory_space<vmem>>) attributes {dimension_semantics = [#tpu.dimension_semantics<core_parallel>, #tpu.dimension_semantics<subcore_parallel>], iteration_bounds = array<i64: 2, 16>, scalar_prefetch = 0 : i64, scratch_operands = 6 : i64, tpu.core_type = #tpu.core_type<sc_vector_subcore>, window_params = [{transform_indices = #map}, {transform_indices = #map}, {transform_indices = #map}, {transform_indices = #map}, {transform_indices = #map}, {transform_indices = #map}, {transform_indices = #map}, {transform_indices = #map}, {transform_indices = #map}, {transform_indices = #map}, {transform_indices = #map}, {transform_indices = #map}, {transform_indices = #map}, {transform_indices = #map}]} {
    %mul3A = arith.constant 2 : i32
    %mul3A_0 = arith.muli %arg1, %mul3A : i32
    %add3A = arith.addi %mul3A_0, %arg0 : i32
    %mul3A_1 = arith.constant 336 : i32
    %mul3A_2 = arith.muli %add3A, %mul3A_1 : i32
    %mul3A_3 = arith.constant 80 : i32
    %mul3A_4 = arith.muli %add3A, %mul3A_3 : i32
    "tpu.region"() ({
      %run_scoped3A = tpu.sem_alloc : memref<!tpu.dma_semaphore, #tpu.memory_space<semaphore_mem>>
      %dma_start3A = tpu.memref_slice %arg8[%mul3A_2] : memref<10752xi32, #tpu.memory_space<hbm>> -> memref<336xi32, #tpu.memory_space<hbm>>
      %dma_start3A_392 = tpu.memref_slice %arg8[%mul3A_2] : memref<10752xi32, #tpu.memory_space<hbm>> -> memref<336xi32, #tpu.memory_space<hbm>>
      tpu.enqueue_dma source(%dma_start3A_392 : memref<336xi32, #tpu.memory_space<hbm>>) target(%arg18 : memref<336xi32, #tpu.memory_space<vmem>>) target_semaphore(%run_scoped3A : memref<!tpu.dma_semaphore, #tpu.memory_space<semaphore_mem>>)
      %dma_wait3A = tpu.memref_slice %arg8[%mul3A_2] : memref<10752xi32, #tpu.memory_space<hbm>> -> memref<336xi32, #tpu.memory_space<hbm>>
      %dma_wait3A_393 = tpu.memref_slice %arg8[%mul3A_2] : memref<10752xi32, #tpu.memory_space<hbm>> -> memref<336xi32, #tpu.memory_space<hbm>>
      tpu.wait_dma2 semaphore(%run_scoped3A : memref<!tpu.dma_semaphore, #tpu.memory_space<semaphore_mem>>) src(%dma_wait3A_393 : memref<336xi32, #tpu.memory_space<hbm>>) dst(%arg18 : memref<336xi32, #tpu.memory_space<vmem>>)
      tpu.yield
    }) : () -> ()
    "tpu.region"() ({
      %run_scoped3A = tpu.sem_alloc : memref<!tpu.dma_semaphore, #tpu.memory_space<semaphore_mem>>
      %dma_start3A = tpu.memref_slice %arg9[%mul3A_4] : memref<2560xi32, #tpu.memory_space<hbm>> -> memref<80xi32, #tpu.memory_space<hbm>>
      %dma_start3A_392 = tpu.memref_slice %arg9[%mul3A_4] : memref<2560xi32, #tpu.memory_space<hbm>> -> memref<80xi32, #tpu.memory_space<hbm>>
      tpu.enqueue_dma source(%dma_start3A_392 : memref<80xi32, #tpu.memory_space<hbm>>) target(%arg19 : memref<80xi32, #tpu.memory_space<vmem>>) target_semaphore(%run_scoped3A : memref<!tpu.dma_semaphore, #tpu.memory_space<semaphore_mem>>)
      %dma_wait3A = tpu.memref_slice %arg9[%mul3A_4] : memref<2560xi32, #tpu.memory_space<hbm>> -> memref<80xi32, #tpu.memory_space<hbm>>
      %dma_wait3A_393 = tpu.memref_slice %arg9[%mul3A_4] : memref<2560xi32, #tpu.memory_space<hbm>> -> memref<80xi32, #tpu.memory_space<hbm>>
      tpu.wait_dma2 semaphore(%run_scoped3A : memref<!tpu.dma_semaphore, #tpu.memory_space<semaphore_mem>>) src(%dma_wait3A_393 : memref<80xi32, #tpu.memory_space<hbm>>) dst(%arg19 : memref<80xi32, #tpu.memory_space<vmem>>)
      tpu.yield
    }) : () -> ()
    "tpu.region"() ({
      %run_scoped3A = tpu.sem_alloc : memref<!tpu.dma_semaphore, #tpu.memory_space<semaphore_mem>>
      tpu.enqueue_dma source(%arg2 : memref<10752xf32, #tpu.memory_space<hbm>>) target(%arg16 : memref<10752xf32, #tpu.memory_space<vmem>>) target_semaphore(%run_scoped3A : memref<!tpu.dma_semaphore, #tpu.memory_space<semaphore_mem>>)
      tpu.wait_dma2 semaphore(%run_scoped3A : memref<!tpu.dma_semaphore, #tpu.memory_space<semaphore_mem>>) src(%arg2 : memref<10752xf32, #tpu.memory_space<hbm>>) dst(%arg16 : memref<10752xf32, #tpu.memory_space<vmem>>)
      tpu.yield
    }) : () -> ()
    %get3A = arith.constant 0 : index
    %get3A_5 = tpu.vector_load %arg18[%get3A] {strides = array<i32>} : memref<336xi32, #tpu.memory_space<vmem>>, vector<16xi32>,
    %gather3A = tpu.vector_load_idx %arg16[%get3A_5] : memref<10752xf32, #tpu.memory_space<vmem>>[vector<16xi32>], vector<16xf32>,
    %swap3A = arith.constant 0 : index
    %swap3A_6 = tpu.vector_load %arg20[%swap3A] {strides = array<i32>} : memref<336xf32, #tpu.memory_space<vmem>>, vector<16xf32>,
    tpu.vector_store %arg20[%swap3A], %gather3A {strides = array<i32>} : memref<336xf32, #tpu.memory_space<vmem>>, vector<16xf32>,
    %get3A_7 = arith.constant 16 : index
    %get3A_8 = tpu.vector_load %arg18[%get3A_7] {strides = array<i32>} : memref<336xi32, #tpu.memory_space<vmem>>, vector<16xi32>,
    %gather3A_9 = tpu.vector_load_idx %arg16[%get3A_8] : memref<10752xf32, #tpu.memory_space<vmem>>[vector<16xi32>], vector<16xf32>,
    %swap3A_10 = arith.constant 16 : index
    %swap3A_11 = tpu.vector_load %arg20[%swap3A_10] {strides = array<i32>} : memref<336xf32, #tpu.memory_space<vmem>>, vector<16xf32>,
    tpu.vector_store %arg20[%swap3A_10], %gather3A_9 {strides = array<i32>} : memref<336xf32, #tpu.memory_space<vmem>>, vector<16xf32>,
    %get3A_12 = arith.constant 32 : index
    %get3A_13 = tpu.vector_load %arg18[%get3A_12] {strides = array<i32>} : memref<336xi32, #tpu.memory_space<vmem>>, vector<16xi32>,
    %gather3A_14 = tpu.vector_load_idx %arg16[%get3A_13] : memref<10752xf32, #tpu.memory_space<vmem>>[vector<16xi32>], vector<16xf32>,
    %swap3A_15 = arith.constant 32 : index
    %swap3A_16 = tpu.vector_load %arg20[%swap3A_15] {strides = array<i32>} : memref<336xf32, #tpu.memory_space<vmem>>, vector<16xf32>,
    tpu.vector_store %arg20[%swap3A_15], %gather3A_14 {strides = array<i32>} : memref<336xf32, #tpu.memory_space<vmem>>, vector<16xf32>,
    %get3A_17 = arith.constant 48 : index
    %get3A_18 = tpu.vector_load %arg18[%get3A_17] {strides = array<i32>} : memref<336xi32, #tpu.memory_space<vmem>>, vector<16xi32>,
    %gather3A_19 = tpu.vector_load_idx %arg16[%get3A_18] : memref<10752xf32, #tpu.memory_space<vmem>>[vector<16xi32>], vector<16xf32>,
    %swap3A_20 = arith.constant 48 : index
    %swap3A_21 = tpu.vector_load %arg20[%swap3A_20] {strides = array<i32>} : memref<336xf32, #tpu.memory_space<vmem>>, vector<16xf32>,
    tpu.vector_store %arg20[%swap3A_20], %gather3A_19 {strides = array<i32>} : memref<336xf32, #tpu.memory_space<vmem>>, vector<16xf32>,
    %get3A_22 = arith.constant 64 : index
    %get3A_23 = tpu.vector_load %arg18[%get3A_22] {strides = array<i32>} : memref<336xi32, #tpu.memory_space<vmem>>, vector<16xi32>,
    %gather3A_24 = tpu.vector_load_idx %arg16[%get3A_23] : memref<10752xf32, #tpu.memory_space<vmem>>[vector<16xi32>], vector<16xf32>,
    %swap3A_25 = arith.constant 64 : index
    %swap3A_26 = tpu.vector_load %arg20[%swap3A_25] {strides = array<i32>} : memref<336xf32, #tpu.memory_space<vmem>>, vector<16xf32>,
    tpu.vector_store %arg20[%swap3A_25], %gather3A_24 {strides = array<i32>} : memref<336xf32, #tpu.memory_space<vmem>>, vector<16xf32>,
    %get3A_27 = arith.constant 80 : index
    %get3A_28 = tpu.vector_load %arg18[%get3A_27] {strides = array<i32>} : memref<336xi32, #tpu.memory_space<vmem>>, vector<16xi32>,
    %gather3A_29 = tpu.vector_load_idx %arg16[%get3A_28] : memref<10752xf32, #tpu.memory_space<vmem>>[vector<16xi32>], vector<16xf32>,
    %swap3A_30 = arith.constant 80 : index
    %swap3A_31 = tpu.vector_load %arg20[%swap3A_30] {strides = array<i32>} : memref<336xf32, #tpu.memory_space<vmem>>, vector<16xf32>,
    tpu.vector_store %arg20[%swap3A_30], %gather3A_29 {strides = array<i32>} : memref<336xf32, #tpu.memory_space<vmem>>, vector<16xf32>,
    %get3A_32 = arith.constant 96 : index
    %get3A_33 = tpu.vector_load %arg18[%get3A_32] {strides = array<i32>} : memref<336xi32, #tpu.memory_space<vmem>>, vector<16xi32>,
    %gather3A_34 = tpu.vector_load_idx %arg16[%get3A_33] : memref<10752xf32, #tpu.memory_space<vmem>>[vector<16xi32>], vector<16xf32>,
    %swap3A_35 = arith.constant 96 : index
    %swap3A_36 = tpu.vector_load %arg20[%swap3A_35] {strides = array<i32>} : memref<336xf32, #tpu.memory_space<vmem>>, vector<16xf32>,
    tpu.vector_store %arg20[%swap3A_35], %gather3A_34 {strides = array<i32>} : memref<336xf32, #tpu.memory_space<vmem>>, vector<16xf32>,
    %get3A_37 = arith.constant 112 : index
    %get3A_38 = tpu.vector_load %arg18[%get3A_37] {strides = array<i32>} : memref<336xi32, #tpu.memory_space<vmem>>, vector<16xi32>,
    %gather3A_39 = tpu.vector_load_idx %arg16[%get3A_38] : memref<10752xf32, #tpu.memory_space<vmem>>[vector<16xi32>], vector<16xf32>,
    %swap3A_40 = arith.constant 112 : index
    %swap3A_41 = tpu.vector_load %arg20[%swap3A_40] {strides = array<i32>} : memref<336xf32, #tpu.memory_space<vmem>>, vector<16xf32>,
    tpu.vector_store %arg20[%swap3A_40], %gather3A_39 {strides = array<i32>} : memref<336xf32, #tpu.memory_space<vmem>>, vector<16xf32>,
    %get3A_42 = arith.constant 128 : index
    %get3A_43 = tpu.vector_load %arg18[%get3A_42] {strides = array<i32>} : memref<336xi32, #tpu.memory_space<vmem>>, vector<16xi32>,
    %gather3A_44 = tpu.vector_load_idx %arg16[%get3A_43] : memref<10752xf32, #tpu.memory_space<vmem>>[vector<16xi32>], vector<16xf32>,
    %swap3A_45 = arith.constant 128 : index
    %swap3A_46 = tpu.vector_load %arg20[%swap3A_45] {strides = array<i32>} : memref<336xf32, #tpu.memory_space<vmem>>, vector<16xf32>,
    tpu.vector_store %arg20[%swap3A_45], %gather3A_44 {strides = array<i32>} : memref<336xf32, #tpu.memory_space<vmem>>, vector<16xf32>,
    %get3A_47 = arith.constant 144 : index
    %get3A_48 = tpu.vector_load %arg18[%get3A_47] {strides = array<i32>} : memref<336xi32, #tpu.memory_space<vmem>>, vector<16xi32>,
    %gather3A_49 = tpu.vector_load_idx %arg16[%get3A_48] : memref<10752xf32, #tpu.memory_space<vmem>>[vector<16xi32>], vector<16xf32>,
    %swap3A_50 = arith.constant 144 : index
    %swap3A_51 = tpu.vector_load %arg20[%swap3A_50] {strides = array<i32>} : memref<336xf32, #tpu.memory_space<vmem>>, vector<16xf32>,
    tpu.vector_store %arg20[%swap3A_50], %gather3A_49 {strides = array<i32>} : memref<336xf32, #tpu.memory_space<vmem>>, vector<16xf32>,
    %get3A_52 = arith.constant 160 : index
    %get3A_53 = tpu.vector_load %arg18[%get3A_52] {strides = array<i32>} : memref<336xi32, #tpu.memory_space<vmem>>, vector<16xi32>,
    %gather3A_54 = tpu.vector_load_idx %arg16[%get3A_53] : memref<10752xf32, #tpu.memory_space<vmem>>[vector<16xi32>], vector<16xf32>,
    %swap3A_55 = arith.constant 160 : index
    %swap3A_56 = tpu.vector_load %arg20[%swap3A_55] {strides = array<i32>} : memref<336xf32, #tpu.memory_space<vmem>>, vector<16xf32>,
    tpu.vector_store %arg20[%swap3A_55], %gather3A_54 {strides = array<i32>} : memref<336xf32, #tpu.memory_space<vmem>>, vector<16xf32>,
    %get3A_57 = arith.constant 176 : index
    %get3A_58 = tpu.vector_load %arg18[%get3A_57] {strides = array<i32>} : memref<336xi32, #tpu.memory_space<vmem>>, vector<16xi32>,
    %gather3A_59 = tpu.vector_load_idx %arg16[%get3A_58] : memref<10752xf32, #tpu.memory_space<vmem>>[vector<16xi32>], vector<16xf32>,
    %swap3A_60 = arith.constant 176 : index
    %swap3A_61 = tpu.vector_load %arg20[%swap3A_60] {strides = array<i32>} : memref<336xf32, #tpu.memory_space<vmem>>, vector<16xf32>,
    tpu.vector_store %arg20[%swap3A_60], %gather3A_59 {strides = array<i32>} : memref<336xf32, #tpu.memory_space<vmem>>, vector<16xf32>,
    %get3A_62 = arith.constant 192 : index
    %get3A_63 = tpu.vector_load %arg18[%get3A_62] {strides = array<i32>} : memref<336xi32, #tpu.memory_space<vmem>>, vector<16xi32>,
    %gather3A_64 = tpu.vector_load_idx %arg16[%get3A_63] : memref<10752xf32, #tpu.memory_space<vmem>>[vector<16xi32>], vector<16xf32>,
    %swap3A_65 = arith.constant 192 : index
    %swap3A_66 = tpu.vector_load %arg20[%swap3A_65] {strides = array<i32>} : memref<336xf32, #tpu.memory_space<vmem>>, vector<16xf32>,
    tpu.vector_store %arg20[%swap3A_65], %gather3A_64 {strides = array<i32>} : memref<336xf32, #tpu.memory_space<vmem>>, vector<16xf32>,
    %get3A_67 = arith.constant 208 : index
    %get3A_68 = tpu.vector_load %arg18[%get3A_67] {strides = array<i32>} : memref<336xi32, #tpu.memory_space<vmem>>, vector<16xi32>,
    %gather3A_69 = tpu.vector_load_idx %arg16[%get3A_68] : memref<10752xf32, #tpu.memory_space<vmem>>[vector<16xi32>], vector<16xf32>,
    %swap3A_70 = arith.constant 208 : index
    %swap3A_71 = tpu.vector_load %arg20[%swap3A_70] {strides = array<i32>} : memref<336xf32, #tpu.memory_space<vmem>>, vector<16xf32>,
    tpu.vector_store %arg20[%swap3A_70], %gather3A_69 {strides = array<i32>} : memref<336xf32, #tpu.memory_space<vmem>>, vector<16xf32>,
    %get3A_72 = arith.constant 224 : index
    %get3A_73 = tpu.vector_load %arg18[%get3A_72] {strides = array<i32>} : memref<336xi32, #tpu.memory_space<vmem>>, vector<16xi32>,
    %gather3A_74 = tpu.vector_load_idx %arg16[%get3A_73] : memref<10752xf32, #tpu.memory_space<vmem>>[vector<16xi32>], vector<16xf32>,
    %swap3A_75 = arith.constant 224 : index
    %swap3A_76 = tpu.vector_load %arg20[%swap3A_75] {strides = array<i32>} : memref<336xf32, #tpu.memory_space<vmem>>, vector<16xf32>,
    tpu.vector_store %arg20[%swap3A_75], %gather3A_74 {strides = array<i32>} : memref<336xf32, #tpu.memory_space<vmem>>, vector<16xf32>,
    %get3A_77 = arith.constant 240 : index
    %get3A_78 = tpu.vector_load %arg18[%get3A_77] {strides = array<i32>} : memref<336xi32, #tpu.memory_space<vmem>>, vector<16xi32>,
    %gather3A_79 = tpu.vector_load_idx %arg16[%get3A_78] : memref<10752xf32, #tpu.memory_space<vmem>>[vector<16xi32>], vector<16xf32>,
    %swap3A_80 = arith.constant 240 : index
    %swap3A_81 = tpu.vector_load %arg20[%swap3A_80] {strides = array<i32>} : memref<336xf32, #tpu.memory_space<vmem>>, vector<16xf32>,
    tpu.vector_store %arg20[%swap3A_80], %gather3A_79 {strides = array<i32>} : memref<336xf32, #tpu.memory_space<vmem>>, vector<16xf32>,
    %get3A_82 = arith.constant 256 : index
    %get3A_83 = tpu.vector_load %arg18[%get3A_82] {strides = array<i32>} : memref<336xi32, #tpu.memory_space<vmem>>, vector<16xi32>,
    %gather3A_84 = tpu.vector_load_idx %arg16[%get3A_83] : memref<10752xf32, #tpu.memory_space<vmem>>[vector<16xi32>], vector<16xf32>,
    %swap3A_85 = arith.constant 256 : index
    %swap3A_86 = tpu.vector_load %arg20[%swap3A_85] {strides = array<i32>} : memref<336xf32, #tpu.memory_space<vmem>>, vector<16xf32>,
    tpu.vector_store %arg20[%swap3A_85], %gather3A_84 {strides = array<i32>} : memref<336xf32, #tpu.memory_space<vmem>>, vector<16xf32>,
    %get3A_87 = arith.constant 272 : index
    %get3A_88 = tpu.vector_load %arg18[%get3A_87] {strides = array<i32>} : memref<336xi32, #tpu.memory_space<vmem>>, vector<16xi32>,
    %gather3A_89 = tpu.vector_load_idx %arg16[%get3A_88] : memref<10752xf32, #tpu.memory_space<vmem>>[vector<16xi32>], vector<16xf32>,
    %swap3A_90 = arith.constant 272 : index
    %swap3A_91 = tpu.vector_load %arg20[%swap3A_90] {strides = array<i32>} : memref<336xf32, #tpu.memory_space<vmem>>, vector<16xf32>,
    tpu.vector_store %arg20[%swap3A_90], %gather3A_89 {strides = array<i32>} : memref<336xf32, #tpu.memory_space<vmem>>, vector<16xf32>,
    %get3A_92 = arith.constant 288 : index
    %get3A_93 = tpu.vector_load %arg18[%get3A_92] {strides = array<i32>} : memref<336xi32, #tpu.memory_space<vmem>>, vector<16xi32>,
    %gather3A_94 = tpu.vector_load_idx %arg16[%get3A_93] : memref<10752xf32, #tpu.memory_space<vmem>>[vector<16xi32>], vector<16xf32>,
    %swap3A_95 = arith.constant 288 : index
    %swap3A_96 = tpu.vector_load %arg20[%swap3A_95] {strides = array<i32>} : memref<336xf32, #tpu.memory_space<vmem>>, vector<16xf32>,
    tpu.vector_store %arg20[%swap3A_95], %gather3A_94 {strides = array<i32>} : memref<336xf32, #tpu.memory_space<vmem>>, vector<16xf32>,
    %get3A_97 = arith.constant 304 : index
    %get3A_98 = tpu.vector_load %arg18[%get3A_97] {strides = array<i32>} : memref<336xi32, #tpu.memory_space<vmem>>, vector<16xi32>,
    %gather3A_99 = tpu.vector_load_idx %arg16[%get3A_98] : memref<10752xf32, #tpu.memory_space<vmem>>[vector<16xi32>], vector<16xf32>,
    %swap3A_100 = arith.constant 304 : index
    %swap3A_101 = tpu.vector_load %arg20[%swap3A_100] {strides = array<i32>} : memref<336xf32, #tpu.memory_space<vmem>>, vector<16xf32>,
    tpu.vector_store %arg20[%swap3A_100], %gather3A_99 {strides = array<i32>} : memref<336xf32, #tpu.memory_space<vmem>>, vector<16xf32>,
    %get3A_102 = arith.constant 320 : index
    %get3A_103 = tpu.vector_load %arg18[%get3A_102] {strides = array<i32>} : memref<336xi32, #tpu.memory_space<vmem>>, vector<16xi32>,
    %gather3A_104 = tpu.vector_load_idx %arg16[%get3A_103] : memref<10752xf32, #tpu.memory_space<vmem>>[vector<16xi32>], vector<16xf32>,
    %swap3A_105 = arith.constant 320 : index
    %swap3A_106 = tpu.vector_load %arg20[%swap3A_105] {strides = array<i32>} : memref<336xf32, #tpu.memory_space<vmem>>, vector<16xf32>,
    tpu.vector_store %arg20[%swap3A_105], %gather3A_104 {strides = array<i32>} : memref<336xf32, #tpu.memory_space<vmem>>, vector<16xf32>,
    "tpu.region"() ({
      %run_scoped3A = tpu.sem_alloc : memref<!tpu.dma_semaphore, #tpu.memory_space<semaphore_mem>>
      %dma_start3A = tpu.memref_slice %arg10[%mul3A_2] : memref<10752xf32, #tpu.memory_space<hbm>> -> memref<336xf32, #tpu.memory_space<hbm>>
      %dma_start3A_392 = tpu.memref_slice %arg10[%mul3A_2] : memref<10752xf32, #tpu.memory_space<hbm>> -> memref<336xf32, #tpu.memory_space<hbm>>
      tpu.enqueue_dma source(%arg20 : memref<336xf32, #tpu.memory_space<vmem>>) target(%dma_start3A_392 : memref<336xf32, #tpu.memory_space<hbm>>) target_semaphore(%run_scoped3A : memref<!tpu.dma_semaphore, #tpu.memory_space<semaphore_mem>>)
      %dma_wait3A = tpu.memref_slice %arg10[%mul3A_2] : memref<10752xf32, #tpu.memory_space<hbm>> -> memref<336xf32, #tpu.memory_space<hbm>>
      %dma_wait3A_393 = tpu.memref_slice %arg10[%mul3A_2] : memref<10752xf32, #tpu.memory_space<hbm>> -> memref<336xf32, #tpu.memory_space<hbm>>
      tpu.wait_dma2 semaphore(%run_scoped3A : memref<!tpu.dma_semaphore, #tpu.memory_space<semaphore_mem>>) src(%arg20 : memref<336xf32, #tpu.memory_space<vmem>>) dst(%dma_wait3A_393 : memref<336xf32, #tpu.memory_space<hbm>>)
      tpu.yield
    }) : () -> ()
    "tpu.region"() ({
      %run_scoped3A = tpu.sem_alloc : memref<!tpu.dma_semaphore, #tpu.memory_space<semaphore_mem>>
      tpu.enqueue_dma source(%arg3 : memref<10752xf32, #tpu.memory_space<hbm>>) target(%arg16 : memref<10752xf32, #tpu.memory_space<vmem>>) target_semaphore(%run_scoped3A : memref<!tpu.dma_semaphore, #tpu.memory_space<semaphore_mem>>)
      tpu.wait_dma2 semaphore(%run_scoped3A : memref<!tpu.dma_semaphore, #tpu.memory_space<semaphore_mem>>) src(%arg3 : memref<10752xf32, #tpu.memory_space<hbm>>) dst(%arg16 : memref<10752xf32, #tpu.memory_space<vmem>>)
      tpu.yield
    }) : () -> ()
    %get3A_107 = arith.constant 0 : index
    %get3A_108 = tpu.vector_load %arg18[%get3A_107] {strides = array<i32>} : memref<336xi32, #tpu.memory_space<vmem>>, vector<16xi32>,
    %gather3A_109 = tpu.vector_load_idx %arg16[%get3A_108] : memref<10752xf32, #tpu.memory_space<vmem>>[vector<16xi32>], vector<16xf32>,
    %swap3A_110 = arith.constant 0 : index
    %swap3A_111 = tpu.vector_load %arg20[%swap3A_110] {strides = array<i32>} : memref<336xf32, #tpu.memory_space<vmem>>, vector<16xf32>,
    tpu.vector_store %arg20[%swap3A_110], %gather3A_109 {strides = array<i32>} : memref<336xf32, #tpu.memory_space<vmem>>, vector<16xf32>,
    %get3A_112 = arith.constant 16 : index
    %get3A_113 = tpu.vector_load %arg18[%get3A_112] {strides = array<i32>} : memref<336xi32, #tpu.memory_space<vmem>>, vector<16xi32>,
    %gather3A_114 = tpu.vector_load_idx %arg16[%get3A_113] : memref<10752xf32, #tpu.memory_space<vmem>>[vector<16xi32>], vector<16xf32>,
    %swap3A_115 = arith.constant 16 : index
    %swap3A_116 = tpu.vector_load %arg20[%swap3A_115] {strides = array<i32>} : memref<336xf32, #tpu.memory_space<vmem>>, vector<16xf32>,
    tpu.vector_store %arg20[%swap3A_115], %gather3A_114 {strides = array<i32>} : memref<336xf32, #tpu.memory_space<vmem>>, vector<16xf32>,
    %get3A_117 = arith.constant 32 : index
    %get3A_118 = tpu.vector_load %arg18[%get3A_117] {strides = array<i32>} : memref<336xi32, #tpu.memory_space<vmem>>, vector<16xi32>,
    %gather3A_119 = tpu.vector_load_idx %arg16[%get3A_118] : memref<10752xf32, #tpu.memory_space<vmem>>[vector<16xi32>], vector<16xf32>,
    %swap3A_120 = arith.constant 32 : index
    %swap3A_121 = tpu.vector_load %arg20[%swap3A_120] {strides = array<i32>} : memref<336xf32, #tpu.memory_space<vmem>>, vector<16xf32>,
    tpu.vector_store %arg20[%swap3A_120], %gather3A_119 {strides = array<i32>} : memref<336xf32, #tpu.memory_space<vmem>>, vector<16xf32>,
    %get3A_122 = arith.constant 48 : index
    %get3A_123 = tpu.vector_load %arg18[%get3A_122] {strides = array<i32>} : memref<336xi32, #tpu.memory_space<vmem>>, vector<16xi32>,
    %gather3A_124 = tpu.vector_load_idx %arg16[%get3A_123] : memref<10752xf32, #tpu.memory_space<vmem>>[vector<16xi32>], vector<16xf32>,
    %swap3A_125 = arith.constant 48 : index
    %swap3A_126 = tpu.vector_load %arg20[%swap3A_125] {strides = array<i32>} : memref<336xf32, #tpu.memory_space<vmem>>, vector<16xf32>,
    tpu.vector_store %arg20[%swap3A_125], %gather3A_124 {strides = array<i32>} : memref<336xf32, #tpu.memory_space<vmem>>, vector<16xf32>,
    %get3A_127 = arith.constant 64 : index
    %get3A_128 = tpu.vector_load %arg18[%get3A_127] {strides = array<i32>} : memref<336xi32, #tpu.memory_space<vmem>>, vector<16xi32>,
    %gather3A_129 = tpu.vector_load_idx %arg16[%get3A_128] : memref<10752xf32, #tpu.memory_space<vmem>>[vector<16xi32>], vector<16xf32>,
    %swap3A_130 = arith.constant 64 : index
    %swap3A_131 = tpu.vector_load %arg20[%swap3A_130] {strides = array<i32>} : memref<336xf32, #tpu.memory_space<vmem>>, vector<16xf32>,
    tpu.vector_store %arg20[%swap3A_130], %gather3A_129 {strides = array<i32>} : memref<336xf32, #tpu.memory_space<vmem>>, vector<16xf32>,
    %get3A_132 = arith.constant 80 : index
    %get3A_133 = tpu.vector_load %arg18[%get3A_132] {strides = array<i32>} : memref<336xi32, #tpu.memory_space<vmem>>, vector<16xi32>,
    %gather3A_134 = tpu.vector_load_idx %arg16[%get3A_133] : memref<10752xf32, #tpu.memory_space<vmem>>[vector<16xi32>], vector<16xf32>,
    %swap3A_135 = arith.constant 80 : index
    %swap3A_136 = tpu.vector_load %arg20[%swap3A_135] {strides = array<i32>} : memref<336xf32, #tpu.memory_space<vmem>>, vector<16xf32>,
    tpu.vector_store %arg20[%swap3A_135], %gather3A_134 {strides = array<i32>} : memref<336xf32, #tpu.memory_space<vmem>>, vector<16xf32>,
    %get3A_137 = arith.constant 96 : index
    %get3A_138 = tpu.vector_load %arg18[%get3A_137] {strides = array<i32>} : memref<336xi32, #tpu.memory_space<vmem>>, vector<16xi32>,
    %gather3A_139 = tpu.vector_load_idx %arg16[%get3A_138] : memref<10752xf32, #tpu.memory_space<vmem>>[vector<16xi32>], vector<16xf32>,
    %swap3A_140 = arith.constant 96 : index
    %swap3A_141 = tpu.vector_load %arg20[%swap3A_140] {strides = array<i32>} : memref<336xf32, #tpu.memory_space<vmem>>, vector<16xf32>,
    tpu.vector_store %arg20[%swap3A_140], %gather3A_139 {strides = array<i32>} : memref<336xf32, #tpu.memory_space<vmem>>, vector<16xf32>,
    %get3A_142 = arith.constant 112 : index
    %get3A_143 = tpu.vector_load %arg18[%get3A_142] {strides = array<i32>} : memref<336xi32, #tpu.memory_space<vmem>>, vector<16xi32>,
    %gather3A_144 = tpu.vector_load_idx %arg16[%get3A_143] : memref<10752xf32, #tpu.memory_space<vmem>>[vector<16xi32>], vector<16xf32>,
    %swap3A_145 = arith.constant 112 : index
    %swap3A_146 = tpu.vector_load %arg20[%swap3A_145] {strides = array<i32>} : memref<336xf32, #tpu.memory_space<vmem>>, vector<16xf32>,
    tpu.vector_store %arg20[%swap3A_145], %gather3A_144 {strides = array<i32>} : memref<336xf32, #tpu.memory_space<vmem>>, vector<16xf32>,
    %get3A_147 = arith.constant 128 : index
    %get3A_148 = tpu.vector_load %arg18[%get3A_147] {strides = array<i32>} : memref<336xi32, #tpu.memory_space<vmem>>, vector<16xi32>,
    %gather3A_149 = tpu.vector_load_idx %arg16[%get3A_148] : memref<10752xf32, #tpu.memory_space<vmem>>[vector<16xi32>], vector<16xf32>,
    %swap3A_150 = arith.constant 128 : index
    %swap3A_151 = tpu.vector_load %arg20[%swap3A_150] {strides = array<i32>} : memref<336xf32, #tpu.memory_space<vmem>>, vector<16xf32>,
    tpu.vector_store %arg20[%swap3A_150], %gather3A_149 {strides = array<i32>} : memref<336xf32, #tpu.memory_space<vmem>>, vector<16xf32>,
    %get3A_152 = arith.constant 144 : index
    %get3A_153 = tpu.vector_load %arg18[%get3A_152] {strides = array<i32>} : memref<336xi32, #tpu.memory_space<vmem>>, vector<16xi32>,
    %gather3A_154 = tpu.vector_load_idx %arg16[%get3A_153] : memref<10752xf32, #tpu.memory_space<vmem>>[vector<16xi32>], vector<16xf32>,
    %swap3A_155 = arith.constant 144 : index
    %swap3A_156 = tpu.vector_load %arg20[%swap3A_155] {strides = array<i32>} : memref<336xf32, #tpu.memory_space<vmem>>, vector<16xf32>,
    tpu.vector_store %arg20[%swap3A_155], %gather3A_154 {strides = array<i32>} : memref<336xf32, #tpu.memory_space<vmem>>, vector<16xf32>,
    %get3A_157 = arith.constant 160 : index
    %get3A_158 = tpu.vector_load %arg18[%get3A_157] {strides = array<i32>} : memref<336xi32, #tpu.memory_space<vmem>>, vector<16xi32>,
    %gather3A_159 = tpu.vector_load_idx %arg16[%get3A_158] : memref<10752xf32, #tpu.memory_space<vmem>>[vector<16xi32>], vector<16xf32>,
    %swap3A_160 = arith.constant 160 : index
    %swap3A_161 = tpu.vector_load %arg20[%swap3A_160] {strides = array<i32>} : memref<336xf32, #tpu.memory_space<vmem>>, vector<16xf32>,
    tpu.vector_store %arg20[%swap3A_160], %gather3A_159 {strides = array<i32>} : memref<336xf32, #tpu.memory_space<vmem>>, vector<16xf32>,
    %get3A_162 = arith.constant 176 : index
    %get3A_163 = tpu.vector_load %arg18[%get3A_162] {strides = array<i32>} : memref<336xi32, #tpu.memory_space<vmem>>, vector<16xi32>,
    %gather3A_164 = tpu.vector_load_idx %arg16[%get3A_163] : memref<10752xf32, #tpu.memory_space<vmem>>[vector<16xi32>], vector<16xf32>,
    %swap3A_165 = arith.constant 176 : index
    %swap3A_166 = tpu.vector_load %arg20[%swap3A_165] {strides = array<i32>} : memref<336xf32, #tpu.memory_space<vmem>>, vector<16xf32>,
    tpu.vector_store %arg20[%swap3A_165], %gather3A_164 {strides = array<i32>} : memref<336xf32, #tpu.memory_space<vmem>>, vector<16xf32>,
    %get3A_167 = arith.constant 192 : index
    %get3A_168 = tpu.vector_load %arg18[%get3A_167] {strides = array<i32>} : memref<336xi32, #tpu.memory_space<vmem>>, vector<16xi32>,
    %gather3A_169 = tpu.vector_load_idx %arg16[%get3A_168] : memref<10752xf32, #tpu.memory_space<vmem>>[vector<16xi32>], vector<16xf32>,
    %swap3A_170 = arith.constant 192 : index
    %swap3A_171 = tpu.vector_load %arg20[%swap3A_170] {strides = array<i32>} : memref<336xf32, #tpu.memory_space<vmem>>, vector<16xf32>,
    tpu.vector_store %arg20[%swap3A_170], %gather3A_169 {strides = array<i32>} : memref<336xf32, #tpu.memory_space<vmem>>, vector<16xf32>,
    %get3A_172 = arith.constant 208 : index
    %get3A_173 = tpu.vector_load %arg18[%get3A_172] {strides = array<i32>} : memref<336xi32, #tpu.memory_space<vmem>>, vector<16xi32>,
    %gather3A_174 = tpu.vector_load_idx %arg16[%get3A_173] : memref<10752xf32, #tpu.memory_space<vmem>>[vector<16xi32>], vector<16xf32>,
    %swap3A_175 = arith.constant 208 : index
    %swap3A_176 = tpu.vector_load %arg20[%swap3A_175] {strides = array<i32>} : memref<336xf32, #tpu.memory_space<vmem>>, vector<16xf32>,
    tpu.vector_store %arg20[%swap3A_175], %gather3A_174 {strides = array<i32>} : memref<336xf32, #tpu.memory_space<vmem>>, vector<16xf32>,
    %get3A_177 = arith.constant 224 : index
    %get3A_178 = tpu.vector_load %arg18[%get3A_177] {strides = array<i32>} : memref<336xi32, #tpu.memory_space<vmem>>, vector<16xi32>,
    %gather3A_179 = tpu.vector_load_idx %arg16[%get3A_178] : memref<10752xf32, #tpu.memory_space<vmem>>[vector<16xi32>], vector<16xf32>,
    %swap3A_180 = arith.constant 224 : index
    %swap3A_181 = tpu.vector_load %arg20[%swap3A_180] {strides = array<i32>} : memref<336xf32, #tpu.memory_space<vmem>>, vector<16xf32>,
    tpu.vector_store %arg20[%swap3A_180], %gather3A_179 {strides = array<i32>} : memref<336xf32, #tpu.memory_space<vmem>>, vector<16xf32>,
    %get3A_182 = arith.constant 240 : index
    %get3A_183 = tpu.vector_load %arg18[%get3A_182] {strides = array<i32>} : memref<336xi32, #tpu.memory_space<vmem>>, vector<16xi32>,
    %gather3A_184 = tpu.vector_load_idx %arg16[%get3A_183] : memref<10752xf32, #tpu.memory_space<vmem>>[vector<16xi32>], vector<16xf32>,
    %swap3A_185 = arith.constant 240 : index
    %swap3A_186 = tpu.vector_load %arg20[%swap3A_185] {strides = array<i32>} : memref<336xf32, #tpu.memory_space<vmem>>, vector<16xf32>,
    tpu.vector_store %arg20[%swap3A_185], %gather3A_184 {strides = array<i32>} : memref<336xf32, #tpu.memory_space<vmem>>, vector<16xf32>,
    %get3A_187 = arith.constant 256 : index
    %get3A_188 = tpu.vector_load %arg18[%get3A_187] {strides = array<i32>} : memref<336xi32, #tpu.memory_space<vmem>>, vector<16xi32>,
    %gather3A_189 = tpu.vector_load_idx %arg16[%get3A_188] : memref<10752xf32, #tpu.memory_space<vmem>>[vector<16xi32>], vector<16xf32>,
    %swap3A_190 = arith.constant 256 : index
    %swap3A_191 = tpu.vector_load %arg20[%swap3A_190] {strides = array<i32>} : memref<336xf32, #tpu.memory_space<vmem>>, vector<16xf32>,
    tpu.vector_store %arg20[%swap3A_190], %gather3A_189 {strides = array<i32>} : memref<336xf32, #tpu.memory_space<vmem>>, vector<16xf32>,
    %get3A_192 = arith.constant 272 : index
    %get3A_193 = tpu.vector_load %arg18[%get3A_192] {strides = array<i32>} : memref<336xi32, #tpu.memory_space<vmem>>, vector<16xi32>,
    %gather3A_194 = tpu.vector_load_idx %arg16[%get3A_193] : memref<10752xf32, #tpu.memory_space<vmem>>[vector<16xi32>], vector<16xf32>,
    %swap3A_195 = arith.constant 272 : index
    %swap3A_196 = tpu.vector_load %arg20[%swap3A_195] {strides = array<i32>} : memref<336xf32, #tpu.memory_space<vmem>>, vector<16xf32>,
    tpu.vector_store %arg20[%swap3A_195], %gather3A_194 {strides = array<i32>} : memref<336xf32, #tpu.memory_space<vmem>>, vector<16xf32>,
    %get3A_197 = arith.constant 288 : index
    %get3A_198 = tpu.vector_load %arg18[%get3A_197] {strides = array<i32>} : memref<336xi32, #tpu.memory_space<vmem>>, vector<16xi32>,
    %gather3A_199 = tpu.vector_load_idx %arg16[%get3A_198] : memref<10752xf32, #tpu.memory_space<vmem>>[vector<16xi32>], vector<16xf32>,
    %swap3A_200 = arith.constant 288 : index
    %swap3A_201 = tpu.vector_load %arg20[%swap3A_200] {strides = array<i32>} : memref<336xf32, #tpu.memory_space<vmem>>, vector<16xf32>,
    tpu.vector_store %arg20[%swap3A_200], %gather3A_199 {strides = array<i32>} : memref<336xf32, #tpu.memory_space<vmem>>, vector<16xf32>,
    %get3A_202 = arith.constant 304 : index
    %get3A_203 = tpu.vector_load %arg18[%get3A_202] {strides = array<i32>} : memref<336xi32, #tpu.memory_space<vmem>>, vector<16xi32>,
    %gather3A_204 = tpu.vector_load_idx %arg16[%get3A_203] : memref<10752xf32, #tpu.memory_space<vmem>>[vector<16xi32>], vector<16xf32>,
    %swap3A_205 = arith.constant 304 : index
    %swap3A_206 = tpu.vector_load %arg20[%swap3A_205] {strides = array<i32>} : memref<336xf32, #tpu.memory_space<vmem>>, vector<16xf32>,
    tpu.vector_store %arg20[%swap3A_205], %gather3A_204 {strides = array<i32>} : memref<336xf32, #tpu.memory_space<vmem>>, vector<16xf32>,
    %get3A_207 = arith.constant 320 : index
    %get3A_208 = tpu.vector_load %arg18[%get3A_207] {strides = array<i32>} : memref<336xi32, #tpu.memory_space<vmem>>, vector<16xi32>,
    %gather3A_209 = tpu.vector_load_idx %arg16[%get3A_208] : memref<10752xf32, #tpu.memory_space<vmem>>[vector<16xi32>], vector<16xf32>,
    %swap3A_210 = arith.constant 320 : index
    %swap3A_211 = tpu.vector_load %arg20[%swap3A_210] {strides = array<i32>} : memref<336xf32, #tpu.memory_space<vmem>>, vector<16xf32>,
    tpu.vector_store %arg20[%swap3A_210], %gather3A_209 {strides = array<i32>} : memref<336xf32, #tpu.memory_space<vmem>>, vector<16xf32>,
    "tpu.region"() ({
      %run_scoped3A = tpu.sem_alloc : memref<!tpu.dma_semaphore, #tpu.memory_space<semaphore_mem>>
      %dma_start3A = tpu.memref_slice %arg11[%mul3A_2] : memref<10752xf32, #tpu.memory_space<hbm>> -> memref<336xf32, #tpu.memory_space<hbm>>
      %dma_start3A_392 = tpu.memref_slice %arg11[%mul3A_2] : memref<10752xf32, #tpu.memory_space<hbm>> -> memref<336xf32, #tpu.memory_space<hbm>>
      tpu.enqueue_dma source(%arg20 : memref<336xf32, #tpu.memory_space<vmem>>) target(%dma_start3A_392 : memref<336xf32, #tpu.memory_space<hbm>>) target_semaphore(%run_scoped3A : memref<!tpu.dma_semaphore, #tpu.memory_space<semaphore_mem>>)
      %dma_wait3A = tpu.memref_slice %arg11[%mul3A_2] : memref<10752xf32, #tpu.memory_space<hbm>> -> memref<336xf32, #tpu.memory_space<hbm>>
      %dma_wait3A_393 = tpu.memref_slice %arg11[%mul3A_2] : memref<10752xf32, #tpu.memory_space<hbm>> -> memref<336xf32, #tpu.memory_space<hbm>>
      tpu.wait_dma2 semaphore(%run_scoped3A : memref<!tpu.dma_semaphore, #tpu.memory_space<semaphore_mem>>) src(%arg20 : memref<336xf32, #tpu.memory_space<vmem>>) dst(%dma_wait3A_393 : memref<336xf32, #tpu.memory_space<hbm>>)
      tpu.yield
    }) : () -> ()
    "tpu.region"() ({
      %run_scoped3A = tpu.sem_alloc : memref<!tpu.dma_semaphore, #tpu.memory_space<semaphore_mem>>
      tpu.enqueue_dma source(%arg4 : memref<10752xf32, #tpu.memory_space<hbm>>) target(%arg16 : memref<10752xf32, #tpu.memory_space<vmem>>) target_semaphore(%run_scoped3A : memref<!tpu.dma_semaphore, #tpu.memory_space<semaphore_mem>>)
      tpu.wait_dma2 semaphore(%run_scoped3A : memref<!tpu.dma_semaphore, #tpu.memory_space<semaphore_mem>>) src(%arg4 : memref<10752xf32, #tpu.memory_space<hbm>>) dst(%arg16 : memref<10752xf32, #tpu.memory_space<vmem>>)
      tpu.yield
    }) : () -> ()
    %get3A_212 = arith.constant 0 : index
    %get3A_213 = tpu.vector_load %arg18[%get3A_212] {strides = array<i32>} : memref<336xi32, #tpu.memory_space<vmem>>, vector<16xi32>,
    %gather3A_214 = tpu.vector_load_idx %arg16[%get3A_213] : memref<10752xf32, #tpu.memory_space<vmem>>[vector<16xi32>], vector<16xf32>,
    %swap3A_215 = arith.constant 0 : index
    %swap3A_216 = tpu.vector_load %arg20[%swap3A_215] {strides = array<i32>} : memref<336xf32, #tpu.memory_space<vmem>>, vector<16xf32>,
    tpu.vector_store %arg20[%swap3A_215], %gather3A_214 {strides = array<i32>} : memref<336xf32, #tpu.memory_space<vmem>>, vector<16xf32>,
    %get3A_217 = arith.constant 16 : index
    %get3A_218 = tpu.vector_load %arg18[%get3A_217] {strides = array<i32>} : memref<336xi32, #tpu.memory_space<vmem>>, vector<16xi32>,
    %gather3A_219 = tpu.vector_load_idx %arg16[%get3A_218] : memref<10752xf32, #tpu.memory_space<vmem>>[vector<16xi32>], vector<16xf32>,
    %swap3A_220 = arith.constant 16 : index
    %swap3A_221 = tpu.vector_load %arg20[%swap3A_220] {strides = array<i32>} : memref<336xf32, #tpu.memory_space<vmem>>, vector<16xf32>,
    tpu.vector_store %arg20[%swap3A_220], %gather3A_219 {strides = array<i32>} : memref<336xf32, #tpu.memory_space<vmem>>, vector<16xf32>,
    %get3A_222 = arith.constant 32 : index
    %get3A_223 = tpu.vector_load %arg18[%get3A_222] {strides = array<i32>} : memref<336xi32, #tpu.memory_space<vmem>>, vector<16xi32>,
    %gather3A_224 = tpu.vector_load_idx %arg16[%get3A_223] : memref<10752xf32, #tpu.memory_space<vmem>>[vector<16xi32>], vector<16xf32>,
    %swap3A_225 = arith.constant 32 : index
    %swap3A_226 = tpu.vector_load %arg20[%swap3A_225] {strides = array<i32>} : memref<336xf32, #tpu.memory_space<vmem>>, vector<16xf32>,
    tpu.vector_store %arg20[%swap3A_225], %gather3A_224 {strides = array<i32>} : memref<336xf32, #tpu.memory_space<vmem>>, vector<16xf32>,
    %get3A_227 = arith.constant 48 : index
    %get3A_228 = tpu.vector_load %arg18[%get3A_227] {strides = array<i32>} : memref<336xi32, #tpu.memory_space<vmem>>, vector<16xi32>,
    %gather3A_229 = tpu.vector_load_idx %arg16[%get3A_228] : memref<10752xf32, #tpu.memory_space<vmem>>[vector<16xi32>], vector<16xf32>,
    %swap3A_230 = arith.constant 48 : index
    %swap3A_231 = tpu.vector_load %arg20[%swap3A_230] {strides = array<i32>} : memref<336xf32, #tpu.memory_space<vmem>>, vector<16xf32>,
    tpu.vector_store %arg20[%swap3A_230], %gather3A_229 {strides = array<i32>} : memref<336xf32, #tpu.memory_space<vmem>>, vector<16xf32>,
    %get3A_232 = arith.constant 64 : index
    %get3A_233 = tpu.vector_load %arg18[%get3A_232] {strides = array<i32>} : memref<336xi32, #tpu.memory_space<vmem>>, vector<16xi32>,
    %gather3A_234 = tpu.vector_load_idx %arg16[%get3A_233] : memref<10752xf32, #tpu.memory_space<vmem>>[vector<16xi32>], vector<16xf32>,
    %swap3A_235 = arith.constant 64 : index
    %swap3A_236 = tpu.vector_load %arg20[%swap3A_235] {strides = array<i32>} : memref<336xf32, #tpu.memory_space<vmem>>, vector<16xf32>,
    tpu.vector_store %arg20[%swap3A_235], %gather3A_234 {strides = array<i32>} : memref<336xf32, #tpu.memory_space<vmem>>, vector<16xf32>,
    %get3A_237 = arith.constant 80 : index
    %get3A_238 = tpu.vector_load %arg18[%get3A_237] {strides = array<i32>} : memref<336xi32, #tpu.memory_space<vmem>>, vector<16xi32>,
    %gather3A_239 = tpu.vector_load_idx %arg16[%get3A_238] : memref<10752xf32, #tpu.memory_space<vmem>>[vector<16xi32>], vector<16xf32>,
    %swap3A_240 = arith.constant 80 : index
    %swap3A_241 = tpu.vector_load %arg20[%swap3A_240] {strides = array<i32>} : memref<336xf32, #tpu.memory_space<vmem>>, vector<16xf32>,
    tpu.vector_store %arg20[%swap3A_240], %gather3A_239 {strides = array<i32>} : memref<336xf32, #tpu.memory_space<vmem>>, vector<16xf32>,
    %get3A_242 = arith.constant 96 : index
    %get3A_243 = tpu.vector_load %arg18[%get3A_242] {strides = array<i32>} : memref<336xi32, #tpu.memory_space<vmem>>, vector<16xi32>,
    %gather3A_244 = tpu.vector_load_idx %arg16[%get3A_243] : memref<10752xf32, #tpu.memory_space<vmem>>[vector<16xi32>], vector<16xf32>,
    %swap3A_245 = arith.constant 96 : index
    %swap3A_246 = tpu.vector_load %arg20[%swap3A_245] {strides = array<i32>} : memref<336xf32, #tpu.memory_space<vmem>>, vector<16xf32>,
    tpu.vector_store %arg20[%swap3A_245], %gather3A_244 {strides = array<i32>} : memref<336xf32, #tpu.memory_space<vmem>>, vector<16xf32>,
    %get3A_247 = arith.constant 112 : index
    %get3A_248 = tpu.vector_load %arg18[%get3A_247] {strides = array<i32>} : memref<336xi32, #tpu.memory_space<vmem>>, vector<16xi32>,
    %gather3A_249 = tpu.vector_load_idx %arg16[%get3A_248] : memref<10752xf32, #tpu.memory_space<vmem>>[vector<16xi32>], vector<16xf32>,
    %swap3A_250 = arith.constant 112 : index
    %swap3A_251 = tpu.vector_load %arg20[%swap3A_250] {strides = array<i32>} : memref<336xf32, #tpu.memory_space<vmem>>, vector<16xf32>,
    tpu.vector_store %arg20[%swap3A_250], %gather3A_249 {strides = array<i32>} : memref<336xf32, #tpu.memory_space<vmem>>, vector<16xf32>,
    %get3A_252 = arith.constant 128 : index
    %get3A_253 = tpu.vector_load %arg18[%get3A_252] {strides = array<i32>} : memref<336xi32, #tpu.memory_space<vmem>>, vector<16xi32>,
    %gather3A_254 = tpu.vector_load_idx %arg16[%get3A_253] : memref<10752xf32, #tpu.memory_space<vmem>>[vector<16xi32>], vector<16xf32>,
    %swap3A_255 = arith.constant 128 : index
    %swap3A_256 = tpu.vector_load %arg20[%swap3A_255] {strides = array<i32>} : memref<336xf32, #tpu.memory_space<vmem>>, vector<16xf32>,
    tpu.vector_store %arg20[%swap3A_255], %gather3A_254 {strides = array<i32>} : memref<336xf32, #tpu.memory_space<vmem>>, vector<16xf32>,
    %get3A_257 = arith.constant 144 : index
    %get3A_258 = tpu.vector_load %arg18[%get3A_257] {strides = array<i32>} : memref<336xi32, #tpu.memory_space<vmem>>, vector<16xi32>,
    %gather3A_259 = tpu.vector_load_idx %arg16[%get3A_258] : memref<10752xf32, #tpu.memory_space<vmem>>[vector<16xi32>], vector<16xf32>,
    %swap3A_260 = arith.constant 144 : index
    %swap3A_261 = tpu.vector_load %arg20[%swap3A_260] {strides = array<i32>} : memref<336xf32, #tpu.memory_space<vmem>>, vector<16xf32>,
    tpu.vector_store %arg20[%swap3A_260], %gather3A_259 {strides = array<i32>} : memref<336xf32, #tpu.memory_space<vmem>>, vector<16xf32>,
    %get3A_262 = arith.constant 160 : index
    %get3A_263 = tpu.vector_load %arg18[%get3A_262] {strides = array<i32>} : memref<336xi32, #tpu.memory_space<vmem>>, vector<16xi32>,
    %gather3A_264 = tpu.vector_load_idx %arg16[%get3A_263] : memref<10752xf32, #tpu.memory_space<vmem>>[vector<16xi32>], vector<16xf32>,
    %swap3A_265 = arith.constant 160 : index
    %swap3A_266 = tpu.vector_load %arg20[%swap3A_265] {strides = array<i32>} : memref<336xf32, #tpu.memory_space<vmem>>, vector<16xf32>,
    tpu.vector_store %arg20[%swap3A_265], %gather3A_264 {strides = array<i32>} : memref<336xf32, #tpu.memory_space<vmem>>, vector<16xf32>,
    %get3A_267 = arith.constant 176 : index
    %get3A_268 = tpu.vector_load %arg18[%get3A_267] {strides = array<i32>} : memref<336xi32, #tpu.memory_space<vmem>>, vector<16xi32>,
    %gather3A_269 = tpu.vector_load_idx %arg16[%get3A_268] : memref<10752xf32, #tpu.memory_space<vmem>>[vector<16xi32>], vector<16xf32>,
    %swap3A_270 = arith.constant 176 : index
    %swap3A_271 = tpu.vector_load %arg20[%swap3A_270] {strides = array<i32>} : memref<336xf32, #tpu.memory_space<vmem>>, vector<16xf32>,
    tpu.vector_store %arg20[%swap3A_270], %gather3A_269 {strides = array<i32>} : memref<336xf32, #tpu.memory_space<vmem>>, vector<16xf32>,
    %get3A_272 = arith.constant 192 : index
    %get3A_273 = tpu.vector_load %arg18[%get3A_272] {strides = array<i32>} : memref<336xi32, #tpu.memory_space<vmem>>, vector<16xi32>,
    %gather3A_274 = tpu.vector_load_idx %arg16[%get3A_273] : memref<10752xf32, #tpu.memory_space<vmem>>[vector<16xi32>], vector<16xf32>,
    %swap3A_275 = arith.constant 192 : index
    %swap3A_276 = tpu.vector_load %arg20[%swap3A_275] {strides = array<i32>} : memref<336xf32, #tpu.memory_space<vmem>>, vector<16xf32>,
    tpu.vector_store %arg20[%swap3A_275], %gather3A_274 {strides = array<i32>} : memref<336xf32, #tpu.memory_space<vmem>>, vector<16xf32>,
    %get3A_277 = arith.constant 208 : index
    %get3A_278 = tpu.vector_load %arg18[%get3A_277] {strides = array<i32>} : memref<336xi32, #tpu.memory_space<vmem>>, vector<16xi32>,
    %gather3A_279 = tpu.vector_load_idx %arg16[%get3A_278] : memref<10752xf32, #tpu.memory_space<vmem>>[vector<16xi32>], vector<16xf32>,
    %swap3A_280 = arith.constant 208 : index
    %swap3A_281 = tpu.vector_load %arg20[%swap3A_280] {strides = array<i32>} : memref<336xf32, #tpu.memory_space<vmem>>, vector<16xf32>,
    tpu.vector_store %arg20[%swap3A_280], %gather3A_279 {strides = array<i32>} : memref<336xf32, #tpu.memory_space<vmem>>, vector<16xf32>,
    %get3A_282 = arith.constant 224 : index
    %get3A_283 = tpu.vector_load %arg18[%get3A_282] {strides = array<i32>} : memref<336xi32, #tpu.memory_space<vmem>>, vector<16xi32>,
    %gather3A_284 = tpu.vector_load_idx %arg16[%get3A_283] : memref<10752xf32, #tpu.memory_space<vmem>>[vector<16xi32>], vector<16xf32>,
    %swap3A_285 = arith.constant 224 : index
    %swap3A_286 = tpu.vector_load %arg20[%swap3A_285] {strides = array<i32>} : memref<336xf32, #tpu.memory_space<vmem>>, vector<16xf32>,
    tpu.vector_store %arg20[%swap3A_285], %gather3A_284 {strides = array<i32>} : memref<336xf32, #tpu.memory_space<vmem>>, vector<16xf32>,
    %get3A_287 = arith.constant 240 : index
    %get3A_288 = tpu.vector_load %arg18[%get3A_287] {strides = array<i32>} : memref<336xi32, #tpu.memory_space<vmem>>, vector<16xi32>,
    %gather3A_289 = tpu.vector_load_idx %arg16[%get3A_288] : memref<10752xf32, #tpu.memory_space<vmem>>[vector<16xi32>], vector<16xf32>,
    %swap3A_290 = arith.constant 240 : index
    %swap3A_291 = tpu.vector_load %arg20[%swap3A_290] {strides = array<i32>} : memref<336xf32, #tpu.memory_space<vmem>>, vector<16xf32>,
    tpu.vector_store %arg20[%swap3A_290], %gather3A_289 {strides = array<i32>} : memref<336xf32, #tpu.memory_space<vmem>>, vector<16xf32>,
    %get3A_292 = arith.constant 256 : index
    %get3A_293 = tpu.vector_load %arg18[%get3A_292] {strides = array<i32>} : memref<336xi32, #tpu.memory_space<vmem>>, vector<16xi32>,
    %gather3A_294 = tpu.vector_load_idx %arg16[%get3A_293] : memref<10752xf32, #tpu.memory_space<vmem>>[vector<16xi32>], vector<16xf32>,
    %swap3A_295 = arith.constant 256 : index
    %swap3A_296 = tpu.vector_load %arg20[%swap3A_295] {strides = array<i32>} : memref<336xf32, #tpu.memory_space<vmem>>, vector<16xf32>,
    tpu.vector_store %arg20[%swap3A_295], %gather3A_294 {strides = array<i32>} : memref<336xf32, #tpu.memory_space<vmem>>, vector<16xf32>,
    %get3A_297 = arith.constant 272 : index
    %get3A_298 = tpu.vector_load %arg18[%get3A_297] {strides = array<i32>} : memref<336xi32, #tpu.memory_space<vmem>>, vector<16xi32>,
    %gather3A_299 = tpu.vector_load_idx %arg16[%get3A_298] : memref<10752xf32, #tpu.memory_space<vmem>>[vector<16xi32>], vector<16xf32>,
    %swap3A_300 = arith.constant 272 : index
    %swap3A_301 = tpu.vector_load %arg20[%swap3A_300] {strides = array<i32>} : memref<336xf32, #tpu.memory_space<vmem>>, vector<16xf32>,
    tpu.vector_store %arg20[%swap3A_300], %gather3A_299 {strides = array<i32>} : memref<336xf32, #tpu.memory_space<vmem>>, vector<16xf32>,
    %get3A_302 = arith.constant 288 : index
    %get3A_303 = tpu.vector_load %arg18[%get3A_302] {strides = array<i32>} : memref<336xi32, #tpu.memory_space<vmem>>, vector<16xi32>,
    %gather3A_304 = tpu.vector_load_idx %arg16[%get3A_303] : memref<10752xf32, #tpu.memory_space<vmem>>[vector<16xi32>], vector<16xf32>,
    %swap3A_305 = arith.constant 288 : index
    %swap3A_306 = tpu.vector_load %arg20[%swap3A_305] {strides = array<i32>} : memref<336xf32, #tpu.memory_space<vmem>>, vector<16xf32>,
    tpu.vector_store %arg20[%swap3A_305], %gather3A_304 {strides = array<i32>} : memref<336xf32, #tpu.memory_space<vmem>>, vector<16xf32>,
    %get3A_307 = arith.constant 304 : index
    %get3A_308 = tpu.vector_load %arg18[%get3A_307] {strides = array<i32>} : memref<336xi32, #tpu.memory_space<vmem>>, vector<16xi32>,
    %gather3A_309 = tpu.vector_load_idx %arg16[%get3A_308] : memref<10752xf32, #tpu.memory_space<vmem>>[vector<16xi32>], vector<16xf32>,
    %swap3A_310 = arith.constant 304 : index
    %swap3A_311 = tpu.vector_load %arg20[%swap3A_310] {strides = array<i32>} : memref<336xf32, #tpu.memory_space<vmem>>, vector<16xf32>,
    tpu.vector_store %arg20[%swap3A_310], %gather3A_309 {strides = array<i32>} : memref<336xf32, #tpu.memory_space<vmem>>, vector<16xf32>,
    %get3A_312 = arith.constant 320 : index
    %get3A_313 = tpu.vector_load %arg18[%get3A_312] {strides = array<i32>} : memref<336xi32, #tpu.memory_space<vmem>>, vector<16xi32>,
    %gather3A_314 = tpu.vector_load_idx %arg16[%get3A_313] : memref<10752xf32, #tpu.memory_space<vmem>>[vector<16xi32>], vector<16xf32>,
    %swap3A_315 = arith.constant 320 : index
    %swap3A_316 = tpu.vector_load %arg20[%swap3A_315] {strides = array<i32>} : memref<336xf32, #tpu.memory_space<vmem>>, vector<16xf32>,
    tpu.vector_store %arg20[%swap3A_315], %gather3A_314 {strides = array<i32>} : memref<336xf32, #tpu.memory_space<vmem>>, vector<16xf32>,
    "tpu.region"() ({
      %run_scoped3A = tpu.sem_alloc : memref<!tpu.dma_semaphore, #tpu.memory_space<semaphore_mem>>
      %dma_start3A = tpu.memref_slice %arg12[%mul3A_2] : memref<10752xf32, #tpu.memory_space<hbm>> -> memref<336xf32, #tpu.memory_space<hbm>>
      %dma_start3A_392 = tpu.memref_slice %arg12[%mul3A_2] : memref<10752xf32, #tpu.memory_space<hbm>> -> memref<336xf32, #tpu.memory_space<hbm>>
      tpu.enqueue_dma source(%arg20 : memref<336xf32, #tpu.memory_space<vmem>>) target(%dma_start3A_392 : memref<336xf32, #tpu.memory_space<hbm>>) target_semaphore(%run_scoped3A : memref<!tpu.dma_semaphore, #tpu.memory_space<semaphore_mem>>)
      %dma_wait3A = tpu.memref_slice %arg12[%mul3A_2] : memref<10752xf32, #tpu.memory_space<hbm>> -> memref<336xf32, #tpu.memory_space<hbm>>
      %dma_wait3A_393 = tpu.memref_slice %arg12[%mul3A_2] : memref<10752xf32, #tpu.memory_space<hbm>> -> memref<336xf32, #tpu.memory_space<hbm>>
      tpu.wait_dma2 semaphore(%run_scoped3A : memref<!tpu.dma_semaphore, #tpu.memory_space<semaphore_mem>>) src(%arg20 : memref<336xf32, #tpu.memory_space<vmem>>) dst(%dma_wait3A_393 : memref<336xf32, #tpu.memory_space<hbm>>)
      tpu.yield
    }) : () -> ()
    "tpu.region"() ({
      %run_scoped3A = tpu.sem_alloc : memref<!tpu.dma_semaphore, #tpu.memory_space<semaphore_mem>>
      tpu.enqueue_dma source(%arg5 : memref<2560xf32, #tpu.memory_space<hbm>>) target(%arg17 : memref<2560xf32, #tpu.memory_space<vmem>>) target_semaphore(%run_scoped3A : memref<!tpu.dma_semaphore, #tpu.memory_space<semaphore_mem>>)
      tpu.wait_dma2 semaphore(%run_scoped3A : memref<!tpu.dma_semaphore, #tpu.memory_space<semaphore_mem>>) src(%arg5 : memref<2560xf32, #tpu.memory_space<hbm>>) dst(%arg17 : memref<2560xf32, #tpu.memory_space<vmem>>)
      tpu.yield
    }) : () -> ()
    %get3A_317 = arith.constant 0 : index
    %get3A_318 = tpu.vector_load %arg19[%get3A_317] {strides = array<i32>} : memref<80xi32, #tpu.memory_space<vmem>>, vector<16xi32>,
    %gather3A_319 = tpu.vector_load_idx %arg17[%get3A_318] : memref<2560xf32, #tpu.memory_space<vmem>>[vector<16xi32>], vector<16xf32>,
    %swap3A_320 = arith.constant 0 : index
    %swap3A_321 = tpu.vector_load %arg21[%swap3A_320] {strides = array<i32>} : memref<80xf32, #tpu.memory_space<vmem>>, vector<16xf32>,
    tpu.vector_store %arg21[%swap3A_320], %gather3A_319 {strides = array<i32>} : memref<80xf32, #tpu.memory_space<vmem>>, vector<16xf32>,
    %get3A_322 = arith.constant 16 : index
    %get3A_323 = tpu.vector_load %arg19[%get3A_322] {strides = array<i32>} : memref<80xi32, #tpu.memory_space<vmem>>, vector<16xi32>,
    %gather3A_324 = tpu.vector_load_idx %arg17[%get3A_323] : memref<2560xf32, #tpu.memory_space<vmem>>[vector<16xi32>], vector<16xf32>,
    %swap3A_325 = arith.constant 16 : index
    %swap3A_326 = tpu.vector_load %arg21[%swap3A_325] {strides = array<i32>} : memref<80xf32, #tpu.memory_space<vmem>>, vector<16xf32>,
    tpu.vector_store %arg21[%swap3A_325], %gather3A_324 {strides = array<i32>} : memref<80xf32, #tpu.memory_space<vmem>>, vector<16xf32>,
    %get3A_327 = arith.constant 32 : index
    %get3A_328 = tpu.vector_load %arg19[%get3A_327] {strides = array<i32>} : memref<80xi32, #tpu.memory_space<vmem>>, vector<16xi32>,
    %gather3A_329 = tpu.vector_load_idx %arg17[%get3A_328] : memref<2560xf32, #tpu.memory_space<vmem>>[vector<16xi32>], vector<16xf32>,
    %swap3A_330 = arith.constant 32 : index
    %swap3A_331 = tpu.vector_load %arg21[%swap3A_330] {strides = array<i32>} : memref<80xf32, #tpu.memory_space<vmem>>, vector<16xf32>,
    tpu.vector_store %arg21[%swap3A_330], %gather3A_329 {strides = array<i32>} : memref<80xf32, #tpu.memory_space<vmem>>, vector<16xf32>,
    %get3A_332 = arith.constant 48 : index
    %get3A_333 = tpu.vector_load %arg19[%get3A_332] {strides = array<i32>} : memref<80xi32, #tpu.memory_space<vmem>>, vector<16xi32>,
    %gather3A_334 = tpu.vector_load_idx %arg17[%get3A_333] : memref<2560xf32, #tpu.memory_space<vmem>>[vector<16xi32>], vector<16xf32>,
    %swap3A_335 = arith.constant 48 : index
    %swap3A_336 = tpu.vector_load %arg21[%swap3A_335] {strides = array<i32>} : memref<80xf32, #tpu.memory_space<vmem>>, vector<16xf32>,
    tpu.vector_store %arg21[%swap3A_335], %gather3A_334 {strides = array<i32>} : memref<80xf32, #tpu.memory_space<vmem>>, vector<16xf32>,
    %get3A_337 = arith.constant 64 : index
    %get3A_338 = tpu.vector_load %arg19[%get3A_337] {strides = array<i32>} : memref<80xi32, #tpu.memory_space<vmem>>, vector<16xi32>,
    %gather3A_339 = tpu.vector_load_idx %arg17[%get3A_338] : memref<2560xf32, #tpu.memory_space<vmem>>[vector<16xi32>], vector<16xf32>,
    %swap3A_340 = arith.constant 64 : index
    %swap3A_341 = tpu.vector_load %arg21[%swap3A_340] {strides = array<i32>} : memref<80xf32, #tpu.memory_space<vmem>>, vector<16xf32>,
    tpu.vector_store %arg21[%swap3A_340], %gather3A_339 {strides = array<i32>} : memref<80xf32, #tpu.memory_space<vmem>>, vector<16xf32>,
    "tpu.region"() ({
      %run_scoped3A = tpu.sem_alloc : memref<!tpu.dma_semaphore, #tpu.memory_space<semaphore_mem>>
      %dma_start3A = tpu.memref_slice %arg13[%mul3A_4] : memref<2560xf32, #tpu.memory_space<hbm>> -> memref<80xf32, #tpu.memory_space<hbm>>
      %dma_start3A_392 = tpu.memref_slice %arg13[%mul3A_4] : memref<2560xf32, #tpu.memory_space<hbm>> -> memref<80xf32, #tpu.memory_space<hbm>>
      tpu.enqueue_dma source(%arg21 : memref<80xf32, #tpu.memory_space<vmem>>) target(%dma_start3A_392 : memref<80xf32, #tpu.memory_space<hbm>>) target_semaphore(%run_scoped3A : memref<!tpu.dma_semaphore, #tpu.memory_space<semaphore_mem>>)
      %dma_wait3A = tpu.memref_slice %arg13[%mul3A_4] : memref<2560xf32, #tpu.memory_space<hbm>> -> memref<80xf32, #tpu.memory_space<hbm>>
      %dma_wait3A_393 = tpu.memref_slice %arg13[%mul3A_4] : memref<2560xf32, #tpu.memory_space<hbm>> -> memref<80xf32, #tpu.memory_space<hbm>>
      tpu.wait_dma2 semaphore(%run_scoped3A : memref<!tpu.dma_semaphore, #tpu.memory_space<semaphore_mem>>) src(%arg21 : memref<80xf32, #tpu.memory_space<vmem>>) dst(%dma_wait3A_393 : memref<80xf32, #tpu.memory_space<hbm>>)
      tpu.yield
    }) : () -> ()
    "tpu.region"() ({
      %run_scoped3A = tpu.sem_alloc : memref<!tpu.dma_semaphore, #tpu.memory_space<semaphore_mem>>
      tpu.enqueue_dma source(%arg6 : memref<2560xf32, #tpu.memory_space<hbm>>) target(%arg17 : memref<2560xf32, #tpu.memory_space<vmem>>) target_semaphore(%run_scoped3A : memref<!tpu.dma_semaphore, #tpu.memory_space<semaphore_mem>>)
      tpu.wait_dma2 semaphore(%run_scoped3A : memref<!tpu.dma_semaphore, #tpu.memory_space<semaphore_mem>>) src(%arg6 : memref<2560xf32, #tpu.memory_space<hbm>>) dst(%arg17 : memref<2560xf32, #tpu.memory_space<vmem>>)
      tpu.yield
    }) : () -> ()
    %get3A_342 = arith.constant 0 : index
    %get3A_343 = tpu.vector_load %arg19[%get3A_342] {strides = array<i32>} : memref<80xi32, #tpu.memory_space<vmem>>, vector<16xi32>,
    %gather3A_344 = tpu.vector_load_idx %arg17[%get3A_343] : memref<2560xf32, #tpu.memory_space<vmem>>[vector<16xi32>], vector<16xf32>,
    %swap3A_345 = arith.constant 0 : index
    %swap3A_346 = tpu.vector_load %arg21[%swap3A_345] {strides = array<i32>} : memref<80xf32, #tpu.memory_space<vmem>>, vector<16xf32>,
    tpu.vector_store %arg21[%swap3A_345], %gather3A_344 {strides = array<i32>} : memref<80xf32, #tpu.memory_space<vmem>>, vector<16xf32>,
    %get3A_347 = arith.constant 16 : index
    %get3A_348 = tpu.vector_load %arg19[%get3A_347] {strides = array<i32>} : memref<80xi32, #tpu.memory_space<vmem>>, vector<16xi32>,
    %gather3A_349 = tpu.vector_load_idx %arg17[%get3A_348] : memref<2560xf32, #tpu.memory_space<vmem>>[vector<16xi32>], vector<16xf32>,
    %swap3A_350 = arith.constant 16 : index
    %swap3A_351 = tpu.vector_load %arg21[%swap3A_350] {strides = array<i32>} : memref<80xf32, #tpu.memory_space<vmem>>, vector<16xf32>,
    tpu.vector_store %arg21[%swap3A_350], %gather3A_349 {strides = array<i32>} : memref<80xf32, #tpu.memory_space<vmem>>, vector<16xf32>,
    %get3A_352 = arith.constant 32 : index
    %get3A_353 = tpu.vector_load %arg19[%get3A_352] {strides = array<i32>} : memref<80xi32, #tpu.memory_space<vmem>>, vector<16xi32>,
    %gather3A_354 = tpu.vector_load_idx %arg17[%get3A_353] : memref<2560xf32, #tpu.memory_space<vmem>>[vector<16xi32>], vector<16xf32>,
    %swap3A_355 = arith.constant 32 : index
    %swap3A_356 = tpu.vector_load %arg21[%swap3A_355] {strides = array<i32>} : memref<80xf32, #tpu.memory_space<vmem>>, vector<16xf32>,
    tpu.vector_store %arg21[%swap3A_355], %gather3A_354 {strides = array<i32>} : memref<80xf32, #tpu.memory_space<vmem>>, vector<16xf32>,
    %get3A_357 = arith.constant 48 : index
    %get3A_358 = tpu.vector_load %arg19[%get3A_357] {strides = array<i32>} : memref<80xi32, #tpu.memory_space<vmem>>, vector<16xi32>,
    %gather3A_359 = tpu.vector_load_idx %arg17[%get3A_358] : memref<2560xf32, #tpu.memory_space<vmem>>[vector<16xi32>], vector<16xf32>,
    %swap3A_360 = arith.constant 48 : index
    %swap3A_361 = tpu.vector_load %arg21[%swap3A_360] {strides = array<i32>} : memref<80xf32, #tpu.memory_space<vmem>>, vector<16xf32>,
    tpu.vector_store %arg21[%swap3A_360], %gather3A_359 {strides = array<i32>} : memref<80xf32, #tpu.memory_space<vmem>>, vector<16xf32>,
    %get3A_362 = arith.constant 64 : index
    %get3A_363 = tpu.vector_load %arg19[%get3A_362] {strides = array<i32>} : memref<80xi32, #tpu.memory_space<vmem>>, vector<16xi32>,
    %gather3A_364 = tpu.vector_load_idx %arg17[%get3A_363] : memref<2560xf32, #tpu.memory_space<vmem>>[vector<16xi32>], vector<16xf32>,
    %swap3A_365 = arith.constant 64 : index
    %swap3A_366 = tpu.vector_load %arg21[%swap3A_365] {strides = array<i32>} : memref<80xf32, #tpu.memory_space<vmem>>, vector<16xf32>,
    tpu.vector_store %arg21[%swap3A_365], %gather3A_364 {strides = array<i32>} : memref<80xf32, #tpu.memory_space<vmem>>, vector<16xf32>,
    "tpu.region"() ({
      %run_scoped3A = tpu.sem_alloc : memref<!tpu.dma_semaphore, #tpu.memory_space<semaphore_mem>>
      %dma_start3A = tpu.memref_slice %arg14[%mul3A_4] : memref<2560xf32, #tpu.memory_space<hbm>> -> memref<80xf32, #tpu.memory_space<hbm>>
      %dma_start3A_392 = tpu.memref_slice %arg14[%mul3A_4] : memref<2560xf32, #tpu.memory_space<hbm>> -> memref<80xf32, #tpu.memory_space<hbm>>
      tpu.enqueue_dma source(%arg21 : memref<80xf32, #tpu.memory_space<vmem>>) target(%dma_start3A_392 : memref<80xf32, #tpu.memory_space<hbm>>) target_semaphore(%run_scoped3A : memref<!tpu.dma_semaphore, #tpu.memory_space<semaphore_mem>>)
      %dma_wait3A = tpu.memref_slice %arg14[%mul3A_4] : memref<2560xf32, #tpu.memory_space<hbm>> -> memref<80xf32, #tpu.memory_space<hbm>>
      %dma_wait3A_393 = tpu.memref_slice %arg14[%mul3A_4] : memref<2560xf32, #tpu.memory_space<hbm>> -> memref<80xf32, #tpu.memory_space<hbm>>
      tpu.wait_dma2 semaphore(%run_scoped3A : memref<!tpu.dma_semaphore, #tpu.memory_space<semaphore_mem>>) src(%arg21 : memref<80xf32, #tpu.memory_space<vmem>>) dst(%dma_wait3A_393 : memref<80xf32, #tpu.memory_space<hbm>>)
      tpu.yield
    }) : () -> ()
    "tpu.region"() ({
      %run_scoped3A = tpu.sem_alloc : memref<!tpu.dma_semaphore, #tpu.memory_space<semaphore_mem>>
      tpu.enqueue_dma source(%arg7 : memref<2560xf32, #tpu.memory_space<hbm>>) target(%arg17 : memref<2560xf32, #tpu.memory_space<vmem>>) target_semaphore(%run_scoped3A : memref<!tpu.dma_semaphore, #tpu.memory_space<semaphore_mem>>)
      tpu.wait_dma2 semaphore(%run_scoped3A : memref<!tpu.dma_semaphore, #tpu.memory_space<semaphore_mem>>) src(%arg7 : memref<2560xf32, #tpu.memory_space<hbm>>) dst(%arg17 : memref<2560xf32, #tpu.memory_space<vmem>>)
      tpu.yield
    }) : () -> ()
    %get3A_367 = arith.constant 0 : index
    %get3A_368 = tpu.vector_load %arg19[%get3A_367] {strides = array<i32>} : memref<80xi32, #tpu.memory_space<vmem>>, vector<16xi32>,
    %gather3A_369 = tpu.vector_load_idx %arg17[%get3A_368] : memref<2560xf32, #tpu.memory_space<vmem>>[vector<16xi32>], vector<16xf32>,
    %swap3A_370 = arith.constant 0 : index
    %swap3A_371 = tpu.vector_load %arg21[%swap3A_370] {strides = array<i32>} : memref<80xf32, #tpu.memory_space<vmem>>, vector<16xf32>,
    tpu.vector_store %arg21[%swap3A_370], %gather3A_369 {strides = array<i32>} : memref<80xf32, #tpu.memory_space<vmem>>, vector<16xf32>,
    %get3A_372 = arith.constant 16 : index
    %get3A_373 = tpu.vector_load %arg19[%get3A_372] {strides = array<i32>} : memref<80xi32, #tpu.memory_space<vmem>>, vector<16xi32>,
    %gather3A_374 = tpu.vector_load_idx %arg17[%get3A_373] : memref<2560xf32, #tpu.memory_space<vmem>>[vector<16xi32>], vector<16xf32>,
    %swap3A_375 = arith.constant 16 : index
    %swap3A_376 = tpu.vector_load %arg21[%swap3A_375] {strides = array<i32>} : memref<80xf32, #tpu.memory_space<vmem>>, vector<16xf32>,
    tpu.vector_store %arg21[%swap3A_375], %gather3A_374 {strides = array<i32>} : memref<80xf32, #tpu.memory_space<vmem>>, vector<16xf32>,
    %get3A_377 = arith.constant 32 : index
    %get3A_378 = tpu.vector_load %arg19[%get3A_377] {strides = array<i32>} : memref<80xi32, #tpu.memory_space<vmem>>, vector<16xi32>,
    %gather3A_379 = tpu.vector_load_idx %arg17[%get3A_378] : memref<2560xf32, #tpu.memory_space<vmem>>[vector<16xi32>], vector<16xf32>,
    %swap3A_380 = arith.constant 32 : index
    %swap3A_381 = tpu.vector_load %arg21[%swap3A_380] {strides = array<i32>} : memref<80xf32, #tpu.memory_space<vmem>>, vector<16xf32>,
    tpu.vector_store %arg21[%swap3A_380], %gather3A_379 {strides = array<i32>} : memref<80xf32, #tpu.memory_space<vmem>>, vector<16xf32>,
    %get3A_382 = arith.constant 48 : index
    %get3A_383 = tpu.vector_load %arg19[%get3A_382] {strides = array<i32>} : memref<80xi32, #tpu.memory_space<vmem>>, vector<16xi32>,
    %gather3A_384 = tpu.vector_load_idx %arg17[%get3A_383] : memref<2560xf32, #tpu.memory_space<vmem>>[vector<16xi32>], vector<16xf32>,
    %swap3A_385 = arith.constant 48 : index
    %swap3A_386 = tpu.vector_load %arg21[%swap3A_385] {strides = array<i32>} : memref<80xf32, #tpu.memory_space<vmem>>, vector<16xf32>,
    tpu.vector_store %arg21[%swap3A_385], %gather3A_384 {strides = array<i32>} : memref<80xf32, #tpu.memory_space<vmem>>, vector<16xf32>,
    %get3A_387 = arith.constant 64 : index
    %get3A_388 = tpu.vector_load %arg19[%get3A_387] {strides = array<i32>} : memref<80xi32, #tpu.memory_space<vmem>>, vector<16xi32>,
    %gather3A_389 = tpu.vector_load_idx %arg17[%get3A_388] : memref<2560xf32, #tpu.memory_space<vmem>>[vector<16xi32>], vector<16xf32>,
    %swap3A_390 = arith.constant 64 : index
    %swap3A_391 = tpu.vector_load %arg21[%swap3A_390] {strides = array<i32>} : memref<80xf32, #tpu.memory_space<vmem>>, vector<16xf32>,
    tpu.vector_store %arg21[%swap3A_390], %gather3A_389 {strides = array<i32>} : memref<80xf32, #tpu.memory_space<vmem>>, vector<16xf32>,
    "tpu.region"() ({
      %run_scoped3A = tpu.sem_alloc : memref<!tpu.dma_semaphore, #tpu.memory_space<semaphore_mem>>
      %dma_start3A = tpu.memref_slice %arg15[%mul3A_4] : memref<2560xf32, #tpu.memory_space<hbm>> -> memref<80xf32, #tpu.memory_space<hbm>>
      %dma_start3A_392 = tpu.memref_slice %arg15[%mul3A_4] : memref<2560xf32, #tpu.memory_space<hbm>> -> memref<80xf32, #tpu.memory_space<hbm>>
      tpu.enqueue_dma source(%arg21 : memref<80xf32, #tpu.memory_space<vmem>>) target(%dma_start3A_392 : memref<80xf32, #tpu.memory_space<hbm>>) target_semaphore(%run_scoped3A : memref<!tpu.dma_semaphore, #tpu.memory_space<semaphore_mem>>)
      %dma_wait3A = tpu.memref_slice %arg15[%mul3A_4] : memref<2560xf32, #tpu.memory_space<hbm>> -> memref<80xf32, #tpu.memory_space<hbm>>
      %dma_wait3A_393 = tpu.memref_slice %arg15[%mul3A_4] : memref<2560xf32, #tpu.memory_space<hbm>> -> memref<80xf32, #tpu.memory_space<hbm>>
      tpu.wait_dma2 semaphore(%run_scoped3A : memref<!tpu.dma_semaphore, #tpu.memory_space<semaphore_mem>>) src(%arg21 : memref<80xf32, #tpu.memory_space<vmem>>) dst(%dma_wait3A_393 : memref<80xf32, #tpu.memory_space<hbm>>)
      tpu.yield
    }) : () -> ()
    return
  }
}

module attributes {stable_mosaic.version = 14 : i64} {
  func.func @_banded_kernel(%arg0: i32, %arg1: memref<1xf32, #tpu.memory_space<smem>>, %arg2: memref<64xi32, #tpu.memory_space<vmem>>, %arg3: memref<64xi32, #tpu.memory_space<vmem>>, %arg4: memref<256x1xf32, #tpu.memory_space<vmem>>, %arg5: memref<256x1xf32, #tpu.memory_space<vmem>>, %arg6: memref<1x128xf32, #tpu.memory_space<vmem>>, %arg7: memref<1x128xf32, #tpu.memory_space<vmem>>, %arg8: memref<1x10752xf32, #tpu.memory_space<vmem>>, %arg9: memref<1x10752xf32, #tpu.memory_space<vmem>>, %arg10: memref<1x10752xf32, #tpu.memory_space<vmem>>, %arg11: memref<1x2560xf32, #tpu.memory_space<vmem>>, %arg12: memref<1x2560xf32, #tpu.memory_space<vmem>>, %arg13: memref<1x2560xf32, #tpu.memory_space<vmem>>, %arg14: memref<256x1xf32, #tpu.memory_space<vmem>>) attributes {dimension_semantics = [#tpu.dimension_semantics<parallel>], iteration_bounds = array<i64: 42>, scalar_prefetch = 0 : i64, scratch_operands = 0 : i64, tpu.core_type = #tpu.core_type<tc>, window_params = [{transform_indices = @transform_0, window_bounds = array<i64: 1>}, {pipeline_mode = #tpu.pipeline_mode<synchronous>, transform_indices = @transform_1, window_bounds = array<i64: 64>}, {pipeline_mode = #tpu.pipeline_mode<synchronous>, transform_indices = @transform_2, window_bounds = array<i64: 64>}, {transform_indices = @transform_3, window_bounds = array<i64: 256, 1>}, {transform_indices = @transform_4, window_bounds = array<i64: 256, 1>}, {pipeline_mode = #tpu.pipeline_mode<synchronous>, transform_indices = @transform_5, window_bounds = array<i64: 1, 128>}, {pipeline_mode = #tpu.pipeline_mode<synchronous>, transform_indices = @transform_6, window_bounds = array<i64: 1, 128>}, {pipeline_mode = #tpu.pipeline_mode<synchronous>, transform_indices = @transform_7, window_bounds = array<i64: 1, 10752>}, {pipeline_mode = #tpu.pipeline_mode<synchronous>, transform_indices = @transform_8, window_bounds = array<i64: 1, 10752>}, {pipeline_mode = #tpu.pipeline_mode<synchronous>, transform_indices = @transform_9, window_bounds = array<i64: 1, 10752>}, {pipeline_mode = #tpu.pipeline_mode<synchronous>, transform_indices = @transform_10, window_bounds = array<i64: 1, 2560>}, {pipeline_mode = #tpu.pipeline_mode<synchronous>, transform_indices = @transform_11, window_bounds = array<i64: 1, 2560>}, {pipeline_mode = #tpu.pipeline_mode<synchronous>, transform_indices = @transform_12, window_bounds = array<i64: 1, 2560>}, {transform_indices = @transform_13, window_bounds = array<i64: 256, 1>}]} {
    %get3A = arith.constant 0 : index
    %get3A_0 = arith.constant 0 : index
    %get3A_1 = vector.load %arg4[%get3A, %get3A_0] : memref<256x1xf32, #tpu.memory_space<vmem>>, vector<256x1xf32>
    %get3A_2 = arith.constant 0 : index
    %get3A_3 = arith.constant 0 : index
    %get3A_4 = vector.load %arg5[%get3A_2, %get3A_3] : memref<256x1xf32, #tpu.memory_space<vmem>>, vector<256x1xf32>
    %get3A_5 = arith.constant 0 : index
    %get3A_6 = memref.load %arg1[%get3A_5] : memref<1xf32, #tpu.memory_space<smem>>
    %mul3A = arith.mulf %get3A_6, %get3A_6 : f32
    %div3A = arith.constant 1.000000e+00 : f32
    %div3A_7 = arith.divf %div3A, %get3A_6 : f32
    %get3A_8 = arith.constant 0 : index
    %get3A_9 = vector.load %arg2[%get3A_8] : memref<64xi32, #tpu.memory_space<vmem>>, vector<64xi32>
    %get3A_10 = arith.constant 0 : index
    %get3A_11 = vector.load %arg3[%get3A_10] : memref<64xi32, #tpu.memory_space<vmem>>, vector<64xi32>
    %reduce_min3A = vector.shape_cast %get3A_1 : vector<256x1xf32> to vector<1x256x1xf32>
    %reduce_min3A_12 = arith.constant dense<0x7F800000> : vector<1xf32>
    %reduce_min3A_13 = vector.multi_reduction <minimumf>, %reduce_min3A, %reduce_min3A_12 [1, 2] : vector<1x256x1xf32> to vector<1xf32>
    %reduce_min3A_14 = vector.shape_cast %reduce_min3A_13 : vector<1xf32> to vector<1x1x1xf32>
    %reduce_min3A_15 = vector.extract %reduce_min3A_14[0, 0, 0] : f32 from vector<1x1x1xf32>
    %sub3A = arith.subf %reduce_min3A_15, %get3A_6 : f32
    %reduce_max3A = vector.shape_cast %get3A_1 : vector<256x1xf32> to vector<1x256x1xf32>
    %reduce_max3A_16 = arith.constant dense<0xFF800000> : vector<1xf32>
    %reduce_max3A_17 = vector.multi_reduction <maximumf>, %reduce_max3A, %reduce_max3A_16 [1, 2] : vector<1x256x1xf32> to vector<1xf32>
    %reduce_max3A_18 = vector.shape_cast %reduce_max3A_17 : vector<1xf32> to vector<1x1x1xf32>
    %reduce_max3A_19 = vector.extract %reduce_max3A_18[0, 0, 0] : f32 from vector<1x1x1xf32>
    %add3A = arith.addf %reduce_max3A_19, %get3A_6 : f32
    %get3A_20 = arith.constant 0 : index
    %get3A_21 = arith.constant 0 : index
    %get3A_22 = vector.load %arg6[%get3A_20, %get3A_21] : memref<1x128xf32, #tpu.memory_space<vmem>>, vector<1x128xf32>
    %le3A = vector.broadcast %sub3A : f32 to vector<1x128xf32>
    %le3A_23 = arith.cmpf ole, %get3A_22, %le3A : vector<1x128xf32>
    %convert_element_type3A = arith.extui %le3A_23 : vector<1x128xi1> to vector<1x128xi32>
    %reduce_sum3A = vector.shape_cast %convert_element_type3A : vector<1x128xi32> to vector<1x1x128xi32>
    %reduce_sum3A_24 = arith.constant dense<0> : vector<1xi32>
    %reduce_sum3A_25 = vector.multi_reduction <add>, %reduce_sum3A, %reduce_sum3A_24 [1, 2] : vector<1x1x128xi32> to vector<1xi32>
    %reduce_sum3A_26 = vector.shape_cast %reduce_sum3A_25 : vector<1xi32> to vector<1x1x1xi32>
    %reduce_sum3A_27 = vector.extract %reduce_sum3A_26[0, 0, 0] : i32 from vector<1x1x1xi32>
    %sub3A_28 = arith.constant 1 : i32
    %sub3A_29 = arith.subi %reduce_sum3A_27, %sub3A_28 : i32
    %max3A = arith.constant 0 : i32
    %max3A_30 = arith.maxsi %sub3A_29, %max3A : i32
    %lt3A = vector.broadcast %add3A : f32 to vector<1x128xf32>
    %lt3A_31 = arith.cmpf olt, %get3A_22, %lt3A : vector<1x128xf32>
    %convert_element_type3A_32 = arith.extui %lt3A_31 : vector<1x128xi1> to vector<1x128xi32>
    %reduce_sum3A_33 = vector.shape_cast %convert_element_type3A_32 : vector<1x128xi32> to vector<1x1x128xi32>
    %reduce_sum3A_34 = arith.constant dense<0> : vector<1xi32>
    %reduce_sum3A_35 = vector.multi_reduction <add>, %reduce_sum3A_33, %reduce_sum3A_34 [1, 2] : vector<1x1x128xi32> to vector<1xi32>
    %reduce_sum3A_36 = vector.shape_cast %reduce_sum3A_35 : vector<1xi32> to vector<1x1x1xi32>
    %reduce_sum3A_37 = vector.extract %reduce_sum3A_36[0, 0, 0] : i32 from vector<1x1x1xi32>
    %get3A_38 = arith.constant 0 : index
    %get3A_39 = arith.constant 0 : index
    %get3A_40 = vector.load %arg7[%get3A_38, %get3A_39] : memref<1x128xf32, #tpu.memory_space<vmem>>, vector<1x128xf32>
    %le3A_41 = vector.broadcast %sub3A : f32 to vector<1x128xf32>
    %le3A_42 = arith.cmpf ole, %get3A_40, %le3A_41 : vector<1x128xf32>
    %convert_element_type3A_43 = arith.extui %le3A_42 : vector<1x128xi1> to vector<1x128xi32>
    %reduce_sum3A_44 = vector.shape_cast %convert_element_type3A_43 : vector<1x128xi32> to vector<1x1x128xi32>
    %reduce_sum3A_45 = arith.constant dense<0> : vector<1xi32>
    %reduce_sum3A_46 = vector.multi_reduction <add>, %reduce_sum3A_44, %reduce_sum3A_45 [1, 2] : vector<1x1x128xi32> to vector<1xi32>
    %reduce_sum3A_47 = vector.shape_cast %reduce_sum3A_46 : vector<1xi32> to vector<1x1x1xi32>
    %reduce_sum3A_48 = vector.extract %reduce_sum3A_47[0, 0, 0] : i32 from vector<1x1x1xi32>
    %sub3A_49 = arith.constant 1 : i32
    %sub3A_50 = arith.subi %reduce_sum3A_48, %sub3A_49 : i32
    %max3A_51 = arith.constant 0 : i32
    %max3A_52 = arith.maxsi %sub3A_50, %max3A_51 : i32
    %lt3A_53 = vector.broadcast %add3A : f32 to vector<1x128xf32>
    %lt3A_54 = arith.cmpf olt, %get3A_40, %lt3A_53 : vector<1x128xf32>
    %convert_element_type3A_55 = arith.extui %lt3A_54 : vector<1x128xi1> to vector<1x128xi32>
    %reduce_sum3A_56 = vector.shape_cast %convert_element_type3A_55 : vector<1x128xi32> to vector<1x1x128xi32>
    %reduce_sum3A_57 = arith.constant dense<0> : vector<1xi32>
    %reduce_sum3A_58 = vector.multi_reduction <add>, %reduce_sum3A_56, %reduce_sum3A_57 [1, 2] : vector<1x1x128xi32> to vector<1xi32>
    %reduce_sum3A_59 = vector.shape_cast %reduce_sum3A_58 : vector<1xi32> to vector<1x1x1xi32>
    %reduce_sum3A_60 = vector.extract %reduce_sum3A_59[0, 0, 0] : i32 from vector<1x1x1xi32>
    %broadcast_in_dim3A = arith.constant 0.000000e+00 : f32
    %broadcast_in_dim3A_61 = vector.broadcast %broadcast_in_dim3A : f32 to vector<256x128xf32>
    %sub3A_62 = arith.subi %reduce_sum3A_37, %max3A_30 : i32
    %add3A_63 = arith.constant 1 : i32
    %add3A_64 = arith.addi %sub3A_62, %add3A_63 : i32
    %jit3A = arith.constant 2 : i32
    %div3A_65 = arith.divsi %add3A_64, %jit3A : i32
    %sign3A = arith.constant 0 : i32
    %sign3A_66 = arith.cmpi sgt, %add3A_64, %sign3A : i32
    %sign3A_67 = arith.extui %sign3A_66 : i1 to i32
    %sign3A_68 = arith.constant 0 : i32
    %sign3A_69 = arith.cmpi slt, %add3A_64, %sign3A_68 : i32
    %sign3A_70 = arith.extui %sign3A_69 : i1 to i32
    %sign3A_71 = arith.subi %sign3A_67, %sign3A_70 : i32
    %sign3A_72 = arith.constant 0 : i32
    %sign3A_73 = arith.cmpi sgt, %jit3A, %sign3A_72 : i32
    %sign3A_74 = arith.extui %sign3A_73 : i1 to i32
    %sign3A_75 = arith.constant 0 : i32
    %sign3A_76 = arith.cmpi slt, %jit3A, %sign3A_75 : i32
    %sign3A_77 = arith.extui %sign3A_76 : i1 to i32
    %sign3A_78 = arith.subi %sign3A_74, %sign3A_77 : i32
    %ne3A = arith.cmpi ne, %sign3A_71, %sign3A_78 : i32
    %rem3A = arith.remsi %add3A_64, %jit3A : i32
    %ne3A_79 = arith.constant 0 : i32
    %ne3A_80 = arith.cmpi ne, %rem3A, %ne3A_79 : i32
    %and3A = arith.andi %ne3A, %ne3A_80 : i1
    %sub3A_81 = arith.constant 1 : i32
    %sub3A_82 = arith.subi %div3A_65, %sub3A_81 : i32
    %select_n3A = arith.select %and3A, %sub3A_82, %div3A_65 : i32
    %while3A = arith.constant 0 : i32
    %while3A_83 = arith.subi %select_n3A, %while3A : i32
    %while3A_84 = arith.addi %while3A, %while3A_83 : i32
    %while3A_85 = arith.constant 1 : i32
    %while3A_86 = arith.divsi %while3A_83, %while3A_85 : i32
    %while3A_87 = arith.muli %while3A_86, %while3A_85 : i32
    %while3A_88 = arith.addi %while3A, %while3A_87 : i32
    %while3A_89 = arith.constant 1 : i32
    %while3A_90:2 = scf.for %while3A_137 = %while3A to %while3A_88 step %while3A_89 iter_args(%while3A_138 = %broadcast_in_dim3A_61, %while3A_139 = %broadcast_in_dim3A_61) -> (vector<256x128xf32>, vector<256x128xf32>)  : i32 {
      %mul3A_140 = arith.constant 2 : i32
      %mul3A_141 = arith.muli %mul3A_140, %while3A_137 : i32
      %add3A_142 = arith.addi %max3A_30, %mul3A_141 : i32
      %mul3A_143 = arith.constant 128 : i32
      %mul3A_144 = arith.muli %add3A_142, %mul3A_143 : i32
      %get3A_145 = arith.constant 0 : index
      %get3A_146 = arith.index_cast %mul3A_144 : i32 to index
      %get3A_147 = vector.load %arg8[%get3A_145, %get3A_146] : memref<1x10752xf32, #tpu.memory_space<vmem>>, vector<1x128xf32>
      %mul3A_148 = arith.constant 128 : i32
      %mul3A_149 = arith.muli %add3A_142, %mul3A_148 : i32
      %get3A_150 = arith.constant 0 : index
      %get3A_151 = arith.index_cast %mul3A_149 : i32 to index
      %get3A_152 = vector.load %arg9[%get3A_150, %get3A_151] : memref<1x10752xf32, #tpu.memory_space<vmem>>, vector<1x128xf32>
      %mul3A_153 = arith.constant 128 : i32
      %mul3A_154 = arith.muli %add3A_142, %mul3A_153 : i32
      %get3A_155 = arith.constant 0 : index
      %get3A_156 = arith.index_cast %mul3A_154 : i32 to index
      %get3A_157 = vector.load %arg10[%get3A_155, %get3A_156] : memref<1x10752xf32, #tpu.memory_space<vmem>>, vector<1x128xf32>
      %sub3A_158 = vector.broadcast %get3A_147 : vector<1x128xf32> to vector<256x128xf32>
      %sub3A_159 = vector.broadcast %get3A_1 : vector<256x1xf32> to vector<256x128xf32>
      %sub3A_160 = arith.subf %sub3A_158, %sub3A_159 : vector<256x128xf32>
      %sub3A_161 = vector.broadcast %get3A_152 : vector<1x128xf32> to vector<256x128xf32>
      %sub3A_162 = vector.broadcast %get3A_4 : vector<256x1xf32> to vector<256x128xf32>
      %sub3A_163 = arith.subf %sub3A_161, %sub3A_162 : vector<256x128xf32>
      %mul3A_164 = arith.mulf %sub3A_160, %sub3A_160 : vector<256x128xf32>
      %mul3A_165 = arith.mulf %sub3A_163, %sub3A_163 : vector<256x128xf32>
      %add3A_166 = arith.addf %mul3A_164, %mul3A_165 : vector<256x128xf32>
      %lt3A_167 = vector.broadcast %mul3A : f32 to vector<256x128xf32>
      %lt3A_168 = arith.cmpf olt, %add3A_166, %lt3A_167 : vector<256x128xf32>
      %convert_element_type3A_169 = arith.extui %lt3A_168 : vector<256x128xi1> to vector<256x128xi32>
      %convert_element_type3A_170 = arith.sitofp %convert_element_type3A_169 : vector<256x128xi32> to vector<256x128xf32>
      %sqrt3A = math.sqrt %add3A_166 : vector<256x128xf32>
      %mul3A_171 = arith.constant 2.000000e+00 : f32
      %mul3A_172 = arith.constant 3.500000e+00 : f32
      %mul3A_173 = arith.mulf %mul3A_171, %mul3A_172 : f32
      %mul3A_174 = arith.mulf %mul3A_173, %div3A_7 : f32
      %mul3A_175 = vector.broadcast %mul3A_174 : f32 to vector<256x128xf32>
      %mul3A_176 = arith.mulf %sqrt3A, %mul3A_175 : vector<256x128xf32>
      %min3A = arith.constant 7.000000e+00 : f32
      %min3A_177 = vector.broadcast %min3A : f32 to vector<256x128xf32>
      %min3A_178 = arith.minimumf %mul3A_176, %min3A_177 : vector<256x128xf32>
      %abs3A = math.absf %sub3A_160 : vector<256x128xf32>
      %abs3A_179 = math.absf %sub3A_163 : vector<256x128xf32>
      %max3A_180 = arith.maximumf %abs3A, %abs3A_179 : vector<256x128xf32>
      %min3A_181 = arith.minimumf %abs3A, %abs3A_179 : vector<256x128xf32>
      %max3A_182 = arith.constant 1.000000e-30 : f32
      %max3A_183 = vector.broadcast %max3A_182 : f32 to vector<256x128xf32>
      %max3A_184 = arith.maximumf %max3A_180, %max3A_183 : vector<256x128xf32>
      %div3A_185 = arith.divf %min3A_181, %max3A_184 : vector<256x128xf32>
      %mul3A_186 = arith.mulf %div3A_185, %div3A_185 : vector<256x128xf32>
      %mul3A_187 = arith.constant -0.0117191272 : f32
      %mul3A_188 = vector.broadcast %mul3A_187 : f32 to vector<256x128xf32>
      %mul3A_189 = arith.mulf %mul3A_188, %mul3A_186 : vector<256x128xf32>
      %add3A_190 = arith.constant 0.052647341 : f32
      %add3A_191 = vector.broadcast %add3A_190 : f32 to vector<256x128xf32>
      %add3A_192 = arith.addf %mul3A_189, %add3A_191 : vector<256x128xf32>
      %mul3A_193 = arith.mulf %add3A_192, %mul3A_186 : vector<256x128xf32>
      %add3A_194 = arith.constant -0.11642649 : f32
      %add3A_195 = vector.broadcast %add3A_194 : f32 to vector<256x128xf32>
      %add3A_196 = arith.addf %mul3A_193, %add3A_195 : vector<256x128xf32>
      %mul3A_197 = arith.mulf %add3A_196, %mul3A_186 : vector<256x128xf32>
      %add3A_198 = arith.constant 0.193540394 : f32
      %add3A_199 = vector.broadcast %add3A_198 : f32 to vector<256x128xf32>
      %add3A_200 = arith.addf %mul3A_197, %add3A_199 : vector<256x128xf32>
      %mul3A_201 = arith.mulf %add3A_200, %mul3A_186 : vector<256x128xf32>
      %add3A_202 = arith.constant -0.332622826 : f32
      %add3A_203 = vector.broadcast %add3A_202 : f32 to vector<256x128xf32>
      %add3A_204 = arith.addf %mul3A_201, %add3A_203 : vector<256x128xf32>
      %mul3A_205 = arith.mulf %add3A_204, %mul3A_186 : vector<256x128xf32>
      %add3A_206 = arith.constant 0.999977231 : f32
      %add3A_207 = vector.broadcast %add3A_206 : f32 to vector<256x128xf32>
      %add3A_208 = arith.addf %mul3A_205, %add3A_207 : vector<256x128xf32>
      %mul3A_209 = arith.mulf %add3A_208, %div3A_185 : vector<256x128xf32>
      %gt3A = arith.cmpf ogt, %abs3A_179, %abs3A : vector<256x128xf32>
      %sub3A_210 = arith.constant 1.57079637 : f32
      %sub3A_211 = vector.broadcast %sub3A_210 : f32 to vector<256x128xf32>
      %sub3A_212 = arith.subf %sub3A_211, %mul3A_209 : vector<256x128xf32>
      %select_n3A_213 = arith.select %gt3A, %sub3A_212, %mul3A_209 : vector<256x128xi1>, vector<256x128xf32>
      %lt3A_214 = arith.constant 0.000000e+00 : f32
      %lt3A_215 = vector.broadcast %lt3A_214 : f32 to vector<256x128xf32>
      %lt3A_216 = arith.cmpf olt, %sub3A_160, %lt3A_215 : vector<256x128xf32>
      %sub3A_217 = arith.constant 3.14159274 : f32
      %sub3A_218 = vector.broadcast %sub3A_217 : f32 to vector<256x128xf32>
      %sub3A_219 = arith.subf %sub3A_218, %select_n3A_213 : vector<256x128xf32>
      %select_n3A_220 = arith.select %lt3A_216, %sub3A_219, %select_n3A_213 : vector<256x128xi1>, vector<256x128xf32>
      %lt3A_221 = arith.constant 0.000000e+00 : f32
      %lt3A_222 = vector.broadcast %lt3A_221 : f32 to vector<256x128xf32>
      %lt3A_223 = arith.cmpf olt, %sub3A_163, %lt3A_222 : vector<256x128xf32>
      %neg3A = arith.constant 0.000000e+00 : f32
      %neg3A_224 = vector.broadcast %neg3A : f32 to vector<256x128xf32>
      %neg3A_225 = arith.subf %neg3A_224, %select_n3A_220 : vector<256x128xf32>
      %select_n3A_226 = arith.select %lt3A_223, %neg3A_225, %select_n3A_220 : vector<256x128xi1>, vector<256x128xf32>
      %mul3A_227 = arith.constant 0.318309873 : f32
      %mul3A_228 = vector.broadcast %mul3A_227 : f32 to vector<256x128xf32>
      %mul3A_229 = arith.mulf %select_n3A_226, %mul3A_228 : vector<256x128xf32>
      %add3A_230 = arith.constant 1.000000e+00 : f32
      %add3A_231 = vector.broadcast %add3A_230 : f32 to vector<256x128xf32>
      %add3A_232 = arith.addf %mul3A_229, %add3A_231 : vector<256x128xf32>
      %mul3A_233 = arith.constant 3.500000e+00 : f32
      %mul3A_234 = vector.broadcast %mul3A_233 : f32 to vector<256x128xf32>
      %mul3A_235 = arith.mulf %add3A_232, %mul3A_234 : vector<256x128xf32>
      %jit3A_236 = arith.constant 0.000000e+00 : f32
      %jit3A_237 = arith.constant 7.000000e+00 : f32
      %max3A_238 = vector.broadcast %jit3A_236 : f32 to vector<256x128xf32>
      %max3A_239 = arith.maximumf %max3A_238, %mul3A_235 : vector<256x128xf32>
      %min3A_240 = vector.broadcast %jit3A_237 : f32 to vector<256x128xf32>
      %min3A_241 = arith.minimumf %min3A_240, %max3A_239 : vector<256x128xf32>
      %convert_element_type3A_242 = arith.fptosi %min3A_178 : vector<256x128xf32> to vector<256x128xi32>
      %min3A_243 = arith.constant 6 : i32
      %min3A_244 = vector.broadcast %min3A_243 : i32 to vector<256x128xi32>
      %min3A_245 = arith.minsi %convert_element_type3A_242, %min3A_244 : vector<256x128xi32>
      %convert_element_type3A_246 = arith.fptosi %min3A_241 : vector<256x128xf32> to vector<256x128xi32>
      %min3A_247 = arith.constant 6 : i32
      %min3A_248 = vector.broadcast %min3A_247 : i32 to vector<256x128xi32>
      %min3A_249 = arith.minsi %convert_element_type3A_246, %min3A_248 : vector<256x128xi32>
      %convert_element_type3A_250 = arith.sitofp %min3A_245 : vector<256x128xi32> to vector<256x128xf32>
      %sub3A_251 = arith.subf %min3A_178, %convert_element_type3A_250 : vector<256x128xf32>
      %convert_element_type3A_252 = arith.sitofp %min3A_249 : vector<256x128xi32> to vector<256x128xf32>
      %sub3A_253 = arith.subf %min3A_241, %convert_element_type3A_252 : vector<256x128xf32>
      %mul3A_254 = arith.constant 8 : i32
      %mul3A_255 = vector.broadcast %mul3A_254 : i32 to vector<256x128xi32>
      %mul3A_256 = arith.muli %min3A_245, %mul3A_255 : vector<256x128xi32>
      %add3A_257 = arith.addi %mul3A_256, %min3A_249 : vector<256x128xi32>
      %reshape3A = vector.shape_cast %get3A_9 : vector<64xi32> to vector<1x64xi32>
      %broadcast_in_dim3A_258 = vector.shape_cast %reshape3A : vector<1x64xi32> to vector<1x64xi32>
      %broadcast_in_dim3A_259 = vector.broadcast %broadcast_in_dim3A_258 : vector<1x64xi32> to vector<256x64xi32>
      %reshape3A_260 = vector.shape_cast %add3A_257 : vector<256x128xi32> to vector<256x128x1xi32>
      %gather3A = vector.shape_cast %reshape3A_260 : vector<256x128x1xi32> to vector<256x128xi32>
      %gather3A_261 = tpu.dynamic_gather %broadcast_in_dim3A_259[%gather3A] in [1] : vector<256x64xi32>, vector<256x128xi32> -> vector<256x128xi32>
      %add3A_262 = arith.constant 8 : i32
      %add3A_263 = vector.broadcast %add3A_262 : i32 to vector<256x128xi32>
      %add3A_264 = arith.addi %add3A_257, %add3A_263 : vector<256x128xi32>
      %reshape3A_265 = vector.shape_cast %add3A_264 : vector<256x128xi32> to vector<256x128x1xi32>
      %gather3A_266 = vector.shape_cast %reshape3A_265 : vector<256x128x1xi32> to vector<256x128xi32>
      %gather3A_267 = tpu.dynamic_gather %broadcast_in_dim3A_259[%gather3A_266] in [1] : vector<256x64xi32>, vector<256x128xi32> -> vector<256x128xi32>
      %and3A_268 = arith.constant -65536 : i32
      %and3A_269 = vector.broadcast %and3A_268 : i32 to vector<256x128xi32>
      %and3A_270 = arith.andi %gather3A_261, %and3A_269 : vector<256x128xi32>
      %bitcast_convert_type3A = tpu.bitcast %and3A_270 : vector<256x128xi32> -> vector<256x128xf32>
      %shift_left3A = arith.constant 16 : i32
      %shift_left3A_271 = vector.broadcast %shift_left3A : i32 to vector<256x128xi32>
      %shift_left3A_272 = arith.shli %gather3A_261, %shift_left3A_271 : vector<256x128xi32>
      %bitcast_convert_type3A_273 = tpu.bitcast %shift_left3A_272 : vector<256x128xi32> -> vector<256x128xf32>
      %and3A_274 = arith.constant -65536 : i32
      %and3A_275 = vector.broadcast %and3A_274 : i32 to vector<256x128xi32>
      %and3A_276 = arith.andi %gather3A_267, %and3A_275 : vector<256x128xi32>
      %bitcast_convert_type3A_277 = tpu.bitcast %and3A_276 : vector<256x128xi32> -> vector<256x128xf32>
      %shift_left3A_278 = arith.constant 16 : i32
      %shift_left3A_279 = vector.broadcast %shift_left3A_278 : i32 to vector<256x128xi32>
      %shift_left3A_280 = arith.shli %gather3A_267, %shift_left3A_279 : vector<256x128xi32>
      %bitcast_convert_type3A_281 = tpu.bitcast %shift_left3A_280 : vector<256x128xi32> -> vector<256x128xf32>
      %sub3A_282 = arith.constant 1.000000e+00 : f32
      %sub3A_283 = vector.broadcast %sub3A_282 : f32 to vector<256x128xf32>
      %sub3A_284 = arith.subf %sub3A_283, %sub3A_251 : vector<256x128xf32>
      %sub3A_285 = arith.constant 1.000000e+00 : f32
      %sub3A_286 = vector.broadcast %sub3A_285 : f32 to vector<256x128xf32>
      %sub3A_287 = arith.subf %sub3A_286, %sub3A_253 : vector<256x128xf32>
      %mul3A_288 = arith.mulf %sub3A_287, %bitcast_convert_type3A : vector<256x128xf32>
      %mul3A_289 = arith.mulf %sub3A_253, %bitcast_convert_type3A_273 : vector<256x128xf32>
      %add3A_290 = arith.addf %mul3A_288, %mul3A_289 : vector<256x128xf32>
      %mul3A_291 = arith.mulf %sub3A_284, %add3A_290 : vector<256x128xf32>
      %sub3A_292 = arith.constant 1.000000e+00 : f32
      %sub3A_293 = vector.broadcast %sub3A_292 : f32 to vector<256x128xf32>
      %sub3A_294 = arith.subf %sub3A_293, %sub3A_253 : vector<256x128xf32>
      %mul3A_295 = arith.mulf %sub3A_294, %bitcast_convert_type3A_277 : vector<256x128xf32>
      %mul3A_296 = arith.mulf %sub3A_253, %bitcast_convert_type3A_281 : vector<256x128xf32>
      %add3A_297 = arith.addf %mul3A_295, %mul3A_296 : vector<256x128xf32>
      %mul3A_298 = arith.mulf %sub3A_251, %add3A_297 : vector<256x128xf32>
      %add3A_299 = arith.addf %mul3A_291, %mul3A_298 : vector<256x128xf32>
      %mul3A_300 = vector.broadcast %get3A_157 : vector<1x128xf32> to vector<256x128xf32>
      %mul3A_301 = arith.mulf %convert_element_type3A_170, %mul3A_300 : vector<256x128xf32>
      %mul3A_302 = arith.mulf %add3A_299, %mul3A_301 : vector<256x128xf32>
      %add3A_303 = arith.addf %while3A_138, %mul3A_302 : vector<256x128xf32>
      %add3A_304 = arith.constant 1 : i32
      %add3A_305 = arith.addi %add3A_142, %add3A_304 : i32
      %mul3A_306 = arith.constant 128 : i32
      %mul3A_307 = arith.muli %add3A_305, %mul3A_306 : i32
      %get3A_308 = arith.constant 0 : index
      %get3A_309 = arith.index_cast %mul3A_307 : i32 to index
      %get3A_310 = vector.load %arg8[%get3A_308, %get3A_309] : memref<1x10752xf32, #tpu.memory_space<vmem>>, vector<1x128xf32>
      %mul3A_311 = arith.constant 128 : i32
      %mul3A_312 = arith.muli %add3A_305, %mul3A_311 : i32
      %get3A_313 = arith.constant 0 : index
      %get3A_314 = arith.index_cast %mul3A_312 : i32 to index
      %get3A_315 = vector.load %arg9[%get3A_313, %get3A_314] : memref<1x10752xf32, #tpu.memory_space<vmem>>, vector<1x128xf32>
      %mul3A_316 = arith.constant 128 : i32
      %mul3A_317 = arith.muli %add3A_305, %mul3A_316 : i32
      %get3A_318 = arith.constant 0 : index
      %get3A_319 = arith.index_cast %mul3A_317 : i32 to index
      %get3A_320 = vector.load %arg10[%get3A_318, %get3A_319] : memref<1x10752xf32, #tpu.memory_space<vmem>>, vector<1x128xf32>
      %sub3A_321 = vector.broadcast %get3A_310 : vector<1x128xf32> to vector<256x128xf32>
      %sub3A_322 = vector.broadcast %get3A_1 : vector<256x1xf32> to vector<256x128xf32>
      %sub3A_323 = arith.subf %sub3A_321, %sub3A_322 : vector<256x128xf32>
      %sub3A_324 = vector.broadcast %get3A_315 : vector<1x128xf32> to vector<256x128xf32>
      %sub3A_325 = vector.broadcast %get3A_4 : vector<256x1xf32> to vector<256x128xf32>
      %sub3A_326 = arith.subf %sub3A_324, %sub3A_325 : vector<256x128xf32>
      %mul3A_327 = arith.mulf %sub3A_323, %sub3A_323 : vector<256x128xf32>
      %mul3A_328 = arith.mulf %sub3A_326, %sub3A_326 : vector<256x128xf32>
      %add3A_329 = arith.addf %mul3A_327, %mul3A_328 : vector<256x128xf32>
      %lt3A_330 = vector.broadcast %mul3A : f32 to vector<256x128xf32>
      %lt3A_331 = arith.cmpf olt, %add3A_329, %lt3A_330 : vector<256x128xf32>
      %convert_element_type3A_332 = arith.extui %lt3A_331 : vector<256x128xi1> to vector<256x128xi32>
      %convert_element_type3A_333 = arith.sitofp %convert_element_type3A_332 : vector<256x128xi32> to vector<256x128xf32>
      %sqrt3A_334 = math.sqrt %add3A_329 : vector<256x128xf32>
      %mul3A_335 = arith.constant 2.000000e+00 : f32
      %mul3A_336 = arith.constant 3.500000e+00 : f32
      %mul3A_337 = arith.mulf %mul3A_335, %mul3A_336 : f32
      %mul3A_338 = arith.mulf %mul3A_337, %div3A_7 : f32
      %mul3A_339 = vector.broadcast %mul3A_338 : f32 to vector<256x128xf32>
      %mul3A_340 = arith.mulf %sqrt3A_334, %mul3A_339 : vector<256x128xf32>
      %min3A_341 = arith.constant 7.000000e+00 : f32
      %min3A_342 = vector.broadcast %min3A_341 : f32 to vector<256x128xf32>
      %min3A_343 = arith.minimumf %mul3A_340, %min3A_342 : vector<256x128xf32>
      %abs3A_344 = math.absf %sub3A_323 : vector<256x128xf32>
      %abs3A_345 = math.absf %sub3A_326 : vector<256x128xf32>
      %max3A_346 = arith.maximumf %abs3A_344, %abs3A_345 : vector<256x128xf32>
      %min3A_347 = arith.minimumf %abs3A_344, %abs3A_345 : vector<256x128xf32>
      %max3A_348 = arith.constant 1.000000e-30 : f32
      %max3A_349 = vector.broadcast %max3A_348 : f32 to vector<256x128xf32>
      %max3A_350 = arith.maximumf %max3A_346, %max3A_349 : vector<256x128xf32>
      %div3A_351 = arith.divf %min3A_347, %max3A_350 : vector<256x128xf32>
      %mul3A_352 = arith.mulf %div3A_351, %div3A_351 : vector<256x128xf32>
      %mul3A_353 = arith.constant -0.0117191272 : f32
      %mul3A_354 = vector.broadcast %mul3A_353 : f32 to vector<256x128xf32>
      %mul3A_355 = arith.mulf %mul3A_354, %mul3A_352 : vector<256x128xf32>
      %add3A_356 = arith.constant 0.052647341 : f32
      %add3A_357 = vector.broadcast %add3A_356 : f32 to vector<256x128xf32>
      %add3A_358 = arith.addf %mul3A_355, %add3A_357 : vector<256x128xf32>
      %mul3A_359 = arith.mulf %add3A_358, %mul3A_352 : vector<256x128xf32>
      %add3A_360 = arith.constant -0.11642649 : f32
      %add3A_361 = vector.broadcast %add3A_360 : f32 to vector<256x128xf32>
      %add3A_362 = arith.addf %mul3A_359, %add3A_361 : vector<256x128xf32>
      %mul3A_363 = arith.mulf %add3A_362, %mul3A_352 : vector<256x128xf32>
      %add3A_364 = arith.constant 0.193540394 : f32
      %add3A_365 = vector.broadcast %add3A_364 : f32 to vector<256x128xf32>
      %add3A_366 = arith.addf %mul3A_363, %add3A_365 : vector<256x128xf32>
      %mul3A_367 = arith.mulf %add3A_366, %mul3A_352 : vector<256x128xf32>
      %add3A_368 = arith.constant -0.332622826 : f32
      %add3A_369 = vector.broadcast %add3A_368 : f32 to vector<256x128xf32>
      %add3A_370 = arith.addf %mul3A_367, %add3A_369 : vector<256x128xf32>
      %mul3A_371 = arith.mulf %add3A_370, %mul3A_352 : vector<256x128xf32>
      %add3A_372 = arith.constant 0.999977231 : f32
      %add3A_373 = vector.broadcast %add3A_372 : f32 to vector<256x128xf32>
      %add3A_374 = arith.addf %mul3A_371, %add3A_373 : vector<256x128xf32>
      %mul3A_375 = arith.mulf %add3A_374, %div3A_351 : vector<256x128xf32>
      %gt3A_376 = arith.cmpf ogt, %abs3A_345, %abs3A_344 : vector<256x128xf32>
      %sub3A_377 = arith.constant 1.57079637 : f32
      %sub3A_378 = vector.broadcast %sub3A_377 : f32 to vector<256x128xf32>
      %sub3A_379 = arith.subf %sub3A_378, %mul3A_375 : vector<256x128xf32>
      %select_n3A_380 = arith.select %gt3A_376, %sub3A_379, %mul3A_375 : vector<256x128xi1>, vector<256x128xf32>
      %lt3A_381 = arith.constant 0.000000e+00 : f32
      %lt3A_382 = vector.broadcast %lt3A_381 : f32 to vector<256x128xf32>
      %lt3A_383 = arith.cmpf olt, %sub3A_323, %lt3A_382 : vector<256x128xf32>
      %sub3A_384 = arith.constant 3.14159274 : f32
      %sub3A_385 = vector.broadcast %sub3A_384 : f32 to vector<256x128xf32>
      %sub3A_386 = arith.subf %sub3A_385, %select_n3A_380 : vector<256x128xf32>
      %select_n3A_387 = arith.select %lt3A_383, %sub3A_386, %select_n3A_380 : vector<256x128xi1>, vector<256x128xf32>
      %lt3A_388 = arith.constant 0.000000e+00 : f32
      %lt3A_389 = vector.broadcast %lt3A_388 : f32 to vector<256x128xf32>
      %lt3A_390 = arith.cmpf olt, %sub3A_326, %lt3A_389 : vector<256x128xf32>
      %neg3A_391 = arith.constant 0.000000e+00 : f32
      %neg3A_392 = vector.broadcast %neg3A_391 : f32 to vector<256x128xf32>
      %neg3A_393 = arith.subf %neg3A_392, %select_n3A_387 : vector<256x128xf32>
      %select_n3A_394 = arith.select %lt3A_390, %neg3A_393, %select_n3A_387 : vector<256x128xi1>, vector<256x128xf32>
      %mul3A_395 = arith.constant 0.318309873 : f32
      %mul3A_396 = vector.broadcast %mul3A_395 : f32 to vector<256x128xf32>
      %mul3A_397 = arith.mulf %select_n3A_394, %mul3A_396 : vector<256x128xf32>
      %add3A_398 = arith.constant 1.000000e+00 : f32
      %add3A_399 = vector.broadcast %add3A_398 : f32 to vector<256x128xf32>
      %add3A_400 = arith.addf %mul3A_397, %add3A_399 : vector<256x128xf32>
      %mul3A_401 = arith.constant 3.500000e+00 : f32
      %mul3A_402 = vector.broadcast %mul3A_401 : f32 to vector<256x128xf32>
      %mul3A_403 = arith.mulf %add3A_400, %mul3A_402 : vector<256x128xf32>
      %jit3A_404 = arith.constant 0.000000e+00 : f32
      %jit3A_405 = arith.constant 7.000000e+00 : f32
      %max3A_406 = vector.broadcast %jit3A_404 : f32 to vector<256x128xf32>
      %max3A_407 = arith.maximumf %max3A_406, %mul3A_403 : vector<256x128xf32>
      %min3A_408 = vector.broadcast %jit3A_405 : f32 to vector<256x128xf32>
      %min3A_409 = arith.minimumf %min3A_408, %max3A_407 : vector<256x128xf32>
      %convert_element_type3A_410 = arith.fptosi %min3A_343 : vector<256x128xf32> to vector<256x128xi32>
      %min3A_411 = arith.constant 6 : i32
      %min3A_412 = vector.broadcast %min3A_411 : i32 to vector<256x128xi32>
      %min3A_413 = arith.minsi %convert_element_type3A_410, %min3A_412 : vector<256x128xi32>
      %convert_element_type3A_414 = arith.fptosi %min3A_409 : vector<256x128xf32> to vector<256x128xi32>
      %min3A_415 = arith.constant 6 : i32
      %min3A_416 = vector.broadcast %min3A_415 : i32 to vector<256x128xi32>
      %min3A_417 = arith.minsi %convert_element_type3A_414, %min3A_416 : vector<256x128xi32>
      %convert_element_type3A_418 = arith.sitofp %min3A_413 : vector<256x128xi32> to vector<256x128xf32>
      %sub3A_419 = arith.subf %min3A_343, %convert_element_type3A_418 : vector<256x128xf32>
      %convert_element_type3A_420 = arith.sitofp %min3A_417 : vector<256x128xi32> to vector<256x128xf32>
      %sub3A_421 = arith.subf %min3A_409, %convert_element_type3A_420 : vector<256x128xf32>
      %mul3A_422 = arith.constant 8 : i32
      %mul3A_423 = vector.broadcast %mul3A_422 : i32 to vector<256x128xi32>
      %mul3A_424 = arith.muli %min3A_413, %mul3A_423 : vector<256x128xi32>
      %add3A_425 = arith.addi %mul3A_424, %min3A_417 : vector<256x128xi32>
      %reshape3A_426 = vector.shape_cast %get3A_9 : vector<64xi32> to vector<1x64xi32>
      %broadcast_in_dim3A_427 = vector.shape_cast %reshape3A_426 : vector<1x64xi32> to vector<1x64xi32>
      %broadcast_in_dim3A_428 = vector.broadcast %broadcast_in_dim3A_427 : vector<1x64xi32> to vector<256x64xi32>
      %reshape3A_429 = vector.shape_cast %add3A_425 : vector<256x128xi32> to vector<256x128x1xi32>
      %gather3A_430 = vector.shape_cast %reshape3A_429 : vector<256x128x1xi32> to vector<256x128xi32>
      %gather3A_431 = tpu.dynamic_gather %broadcast_in_dim3A_428[%gather3A_430] in [1] : vector<256x64xi32>, vector<256x128xi32> -> vector<256x128xi32>
      %add3A_432 = arith.constant 8 : i32
      %add3A_433 = vector.broadcast %add3A_432 : i32 to vector<256x128xi32>
      %add3A_434 = arith.addi %add3A_425, %add3A_433 : vector<256x128xi32>
      %reshape3A_435 = vector.shape_cast %add3A_434 : vector<256x128xi32> to vector<256x128x1xi32>
      %gather3A_436 = vector.shape_cast %reshape3A_435 : vector<256x128x1xi32> to vector<256x128xi32>
      %gather3A_437 = tpu.dynamic_gather %broadcast_in_dim3A_428[%gather3A_436] in [1] : vector<256x64xi32>, vector<256x128xi32> -> vector<256x128xi32>
      %and3A_438 = arith.constant -65536 : i32
      %and3A_439 = vector.broadcast %and3A_438 : i32 to vector<256x128xi32>
      %and3A_440 = arith.andi %gather3A_431, %and3A_439 : vector<256x128xi32>
      %bitcast_convert_type3A_441 = tpu.bitcast %and3A_440 : vector<256x128xi32> -> vector<256x128xf32>
      %shift_left3A_442 = arith.constant 16 : i32
      %shift_left3A_443 = vector.broadcast %shift_left3A_442 : i32 to vector<256x128xi32>
      %shift_left3A_444 = arith.shli %gather3A_431, %shift_left3A_443 : vector<256x128xi32>
      %bitcast_convert_type3A_445 = tpu.bitcast %shift_left3A_444 : vector<256x128xi32> -> vector<256x128xf32>
      %and3A_446 = arith.constant -65536 : i32
      %and3A_447 = vector.broadcast %and3A_446 : i32 to vector<256x128xi32>
      %and3A_448 = arith.andi %gather3A_437, %and3A_447 : vector<256x128xi32>
      %bitcast_convert_type3A_449 = tpu.bitcast %and3A_448 : vector<256x128xi32> -> vector<256x128xf32>
      %shift_left3A_450 = arith.constant 16 : i32
      %shift_left3A_451 = vector.broadcast %shift_left3A_450 : i32 to vector<256x128xi32>
      %shift_left3A_452 = arith.shli %gather3A_437, %shift_left3A_451 : vector<256x128xi32>
      %bitcast_convert_type3A_453 = tpu.bitcast %shift_left3A_452 : vector<256x128xi32> -> vector<256x128xf32>
      %sub3A_454 = arith.constant 1.000000e+00 : f32
      %sub3A_455 = vector.broadcast %sub3A_454 : f32 to vector<256x128xf32>
      %sub3A_456 = arith.subf %sub3A_455, %sub3A_419 : vector<256x128xf32>
      %sub3A_457 = arith.constant 1.000000e+00 : f32
      %sub3A_458 = vector.broadcast %sub3A_457 : f32 to vector<256x128xf32>
      %sub3A_459 = arith.subf %sub3A_458, %sub3A_421 : vector<256x128xf32>
      %mul3A_460 = arith.mulf %sub3A_459, %bitcast_convert_type3A_441 : vector<256x128xf32>
      %mul3A_461 = arith.mulf %sub3A_421, %bitcast_convert_type3A_445 : vector<256x128xf32>
      %add3A_462 = arith.addf %mul3A_460, %mul3A_461 : vector<256x128xf32>
      %mul3A_463 = arith.mulf %sub3A_456, %add3A_462 : vector<256x128xf32>
      %sub3A_464 = arith.constant 1.000000e+00 : f32
      %sub3A_465 = vector.broadcast %sub3A_464 : f32 to vector<256x128xf32>
      %sub3A_466 = arith.subf %sub3A_465, %sub3A_421 : vector<256x128xf32>
      %mul3A_467 = arith.mulf %sub3A_466, %bitcast_convert_type3A_449 : vector<256x128xf32>
      %mul3A_468 = arith.mulf %sub3A_421, %bitcast_convert_type3A_453 : vector<256x128xf32>
      %add3A_469 = arith.addf %mul3A_467, %mul3A_468 : vector<256x128xf32>
      %mul3A_470 = arith.mulf %sub3A_419, %add3A_469 : vector<256x128xf32>
      %add3A_471 = arith.addf %mul3A_463, %mul3A_470 : vector<256x128xf32>
      %mul3A_472 = vector.broadcast %get3A_320 : vector<1x128xf32> to vector<256x128xf32>
      %mul3A_473 = arith.mulf %convert_element_type3A_333, %mul3A_472 : vector<256x128xf32>
      %mul3A_474 = arith.mulf %add3A_471, %mul3A_473 : vector<256x128xf32>
      %add3A_475 = arith.addf %while3A_139, %mul3A_474 : vector<256x128xf32>
      scf.yield %add3A_303, %add3A_475 : vector<256x128xf32>, vector<256x128xf32>
    }
    %while3A_91 = arith.constant 1 : i32
    %while3A_92:2 = scf.for %while3A_137 = %while3A_88 to %while3A_84 step %while3A_91 iter_args(%while3A_138 = %while3A_90#0, %while3A_139 = %while3A_90#1) -> (vector<256x128xf32>, vector<256x128xf32>)  : i32 {
      %mul3A_140 = arith.constant 2 : i32
      %mul3A_141 = arith.muli %mul3A_140, %while3A_137 : i32
      %add3A_142 = arith.addi %max3A_30, %mul3A_141 : i32
      %mul3A_143 = arith.constant 128 : i32
      %mul3A_144 = arith.muli %add3A_142, %mul3A_143 : i32
      %get3A_145 = arith.constant 0 : index
      %get3A_146 = arith.index_cast %mul3A_144 : i32 to index
      %get3A_147 = vector.load %arg8[%get3A_145, %get3A_146] : memref<1x10752xf32, #tpu.memory_space<vmem>>, vector<1x128xf32>
      %mul3A_148 = arith.constant 128 : i32
      %mul3A_149 = arith.muli %add3A_142, %mul3A_148 : i32
      %get3A_150 = arith.constant 0 : index
      %get3A_151 = arith.index_cast %mul3A_149 : i32 to index
      %get3A_152 = vector.load %arg9[%get3A_150, %get3A_151] : memref<1x10752xf32, #tpu.memory_space<vmem>>, vector<1x128xf32>
      %mul3A_153 = arith.constant 128 : i32
      %mul3A_154 = arith.muli %add3A_142, %mul3A_153 : i32
      %get3A_155 = arith.constant 0 : index
      %get3A_156 = arith.index_cast %mul3A_154 : i32 to index
      %get3A_157 = vector.load %arg10[%get3A_155, %get3A_156] : memref<1x10752xf32, #tpu.memory_space<vmem>>, vector<1x128xf32>
      %sub3A_158 = vector.broadcast %get3A_147 : vector<1x128xf32> to vector<256x128xf32>
      %sub3A_159 = vector.broadcast %get3A_1 : vector<256x1xf32> to vector<256x128xf32>
      %sub3A_160 = arith.subf %sub3A_158, %sub3A_159 : vector<256x128xf32>
      %sub3A_161 = vector.broadcast %get3A_152 : vector<1x128xf32> to vector<256x128xf32>
      %sub3A_162 = vector.broadcast %get3A_4 : vector<256x1xf32> to vector<256x128xf32>
      %sub3A_163 = arith.subf %sub3A_161, %sub3A_162 : vector<256x128xf32>
      %mul3A_164 = arith.mulf %sub3A_160, %sub3A_160 : vector<256x128xf32>
      %mul3A_165 = arith.mulf %sub3A_163, %sub3A_163 : vector<256x128xf32>
      %add3A_166 = arith.addf %mul3A_164, %mul3A_165 : vector<256x128xf32>
      %lt3A_167 = vector.broadcast %mul3A : f32 to vector<256x128xf32>
      %lt3A_168 = arith.cmpf olt, %add3A_166, %lt3A_167 : vector<256x128xf32>
      %convert_element_type3A_169 = arith.extui %lt3A_168 : vector<256x128xi1> to vector<256x128xi32>
      %convert_element_type3A_170 = arith.sitofp %convert_element_type3A_169 : vector<256x128xi32> to vector<256x128xf32>
      %sqrt3A = math.sqrt %add3A_166 : vector<256x128xf32>
      %mul3A_171 = arith.constant 2.000000e+00 : f32
      %mul3A_172 = arith.constant 3.500000e+00 : f32
      %mul3A_173 = arith.mulf %mul3A_171, %mul3A_172 : f32
      %mul3A_174 = arith.mulf %mul3A_173, %div3A_7 : f32
      %mul3A_175 = vector.broadcast %mul3A_174 : f32 to vector<256x128xf32>
      %mul3A_176 = arith.mulf %sqrt3A, %mul3A_175 : vector<256x128xf32>
      %min3A = arith.constant 7.000000e+00 : f32
      %min3A_177 = vector.broadcast %min3A : f32 to vector<256x128xf32>
      %min3A_178 = arith.minimumf %mul3A_176, %min3A_177 : vector<256x128xf32>
      %abs3A = math.absf %sub3A_160 : vector<256x128xf32>
      %abs3A_179 = math.absf %sub3A_163 : vector<256x128xf32>
      %max3A_180 = arith.maximumf %abs3A, %abs3A_179 : vector<256x128xf32>
      %min3A_181 = arith.minimumf %abs3A, %abs3A_179 : vector<256x128xf32>
      %max3A_182 = arith.constant 1.000000e-30 : f32
      %max3A_183 = vector.broadcast %max3A_182 : f32 to vector<256x128xf32>
      %max3A_184 = arith.maximumf %max3A_180, %max3A_183 : vector<256x128xf32>
      %div3A_185 = arith.divf %min3A_181, %max3A_184 : vector<256x128xf32>
      %mul3A_186 = arith.mulf %div3A_185, %div3A_185 : vector<256x128xf32>
      %mul3A_187 = arith.constant -0.0117191272 : f32
      %mul3A_188 = vector.broadcast %mul3A_187 : f32 to vector<256x128xf32>
      %mul3A_189 = arith.mulf %mul3A_188, %mul3A_186 : vector<256x128xf32>
      %add3A_190 = arith.constant 0.052647341 : f32
      %add3A_191 = vector.broadcast %add3A_190 : f32 to vector<256x128xf32>
      %add3A_192 = arith.addf %mul3A_189, %add3A_191 : vector<256x128xf32>
      %mul3A_193 = arith.mulf %add3A_192, %mul3A_186 : vector<256x128xf32>
      %add3A_194 = arith.constant -0.11642649 : f32
      %add3A_195 = vector.broadcast %add3A_194 : f32 to vector<256x128xf32>
      %add3A_196 = arith.addf %mul3A_193, %add3A_195 : vector<256x128xf32>
      %mul3A_197 = arith.mulf %add3A_196, %mul3A_186 : vector<256x128xf32>
      %add3A_198 = arith.constant 0.193540394 : f32
      %add3A_199 = vector.broadcast %add3A_198 : f32 to vector<256x128xf32>
      %add3A_200 = arith.addf %mul3A_197, %add3A_199 : vector<256x128xf32>
      %mul3A_201 = arith.mulf %add3A_200, %mul3A_186 : vector<256x128xf32>
      %add3A_202 = arith.constant -0.332622826 : f32
      %add3A_203 = vector.broadcast %add3A_202 : f32 to vector<256x128xf32>
      %add3A_204 = arith.addf %mul3A_201, %add3A_203 : vector<256x128xf32>
      %mul3A_205 = arith.mulf %add3A_204, %mul3A_186 : vector<256x128xf32>
      %add3A_206 = arith.constant 0.999977231 : f32
      %add3A_207 = vector.broadcast %add3A_206 : f32 to vector<256x128xf32>
      %add3A_208 = arith.addf %mul3A_205, %add3A_207 : vector<256x128xf32>
      %mul3A_209 = arith.mulf %add3A_208, %div3A_185 : vector<256x128xf32>
      %gt3A = arith.cmpf ogt, %abs3A_179, %abs3A : vector<256x128xf32>
      %sub3A_210 = arith.constant 1.57079637 : f32
      %sub3A_211 = vector.broadcast %sub3A_210 : f32 to vector<256x128xf32>
      %sub3A_212 = arith.subf %sub3A_211, %mul3A_209 : vector<256x128xf32>
      %select_n3A_213 = arith.select %gt3A, %sub3A_212, %mul3A_209 : vector<256x128xi1>, vector<256x128xf32>
      %lt3A_214 = arith.constant 0.000000e+00 : f32
      %lt3A_215 = vector.broadcast %lt3A_214 : f32 to vector<256x128xf32>
      %lt3A_216 = arith.cmpf olt, %sub3A_160, %lt3A_215 : vector<256x128xf32>
      %sub3A_217 = arith.constant 3.14159274 : f32
      %sub3A_218 = vector.broadcast %sub3A_217 : f32 to vector<256x128xf32>
      %sub3A_219 = arith.subf %sub3A_218, %select_n3A_213 : vector<256x128xf32>
      %select_n3A_220 = arith.select %lt3A_216, %sub3A_219, %select_n3A_213 : vector<256x128xi1>, vector<256x128xf32>
      %lt3A_221 = arith.constant 0.000000e+00 : f32
      %lt3A_222 = vector.broadcast %lt3A_221 : f32 to vector<256x128xf32>
      %lt3A_223 = arith.cmpf olt, %sub3A_163, %lt3A_222 : vector<256x128xf32>
      %neg3A = arith.constant 0.000000e+00 : f32
      %neg3A_224 = vector.broadcast %neg3A : f32 to vector<256x128xf32>
      %neg3A_225 = arith.subf %neg3A_224, %select_n3A_220 : vector<256x128xf32>
      %select_n3A_226 = arith.select %lt3A_223, %neg3A_225, %select_n3A_220 : vector<256x128xi1>, vector<256x128xf32>
      %mul3A_227 = arith.constant 0.318309873 : f32
      %mul3A_228 = vector.broadcast %mul3A_227 : f32 to vector<256x128xf32>
      %mul3A_229 = arith.mulf %select_n3A_226, %mul3A_228 : vector<256x128xf32>
      %add3A_230 = arith.constant 1.000000e+00 : f32
      %add3A_231 = vector.broadcast %add3A_230 : f32 to vector<256x128xf32>
      %add3A_232 = arith.addf %mul3A_229, %add3A_231 : vector<256x128xf32>
      %mul3A_233 = arith.constant 3.500000e+00 : f32
      %mul3A_234 = vector.broadcast %mul3A_233 : f32 to vector<256x128xf32>
      %mul3A_235 = arith.mulf %add3A_232, %mul3A_234 : vector<256x128xf32>
      %jit3A_236 = arith.constant 0.000000e+00 : f32
      %jit3A_237 = arith.constant 7.000000e+00 : f32
      %max3A_238 = vector.broadcast %jit3A_236 : f32 to vector<256x128xf32>
      %max3A_239 = arith.maximumf %max3A_238, %mul3A_235 : vector<256x128xf32>
      %min3A_240 = vector.broadcast %jit3A_237 : f32 to vector<256x128xf32>
      %min3A_241 = arith.minimumf %min3A_240, %max3A_239 : vector<256x128xf32>
      %convert_element_type3A_242 = arith.fptosi %min3A_178 : vector<256x128xf32> to vector<256x128xi32>
      %min3A_243 = arith.constant 6 : i32
      %min3A_244 = vector.broadcast %min3A_243 : i32 to vector<256x128xi32>
      %min3A_245 = arith.minsi %convert_element_type3A_242, %min3A_244 : vector<256x128xi32>
      %convert_element_type3A_246 = arith.fptosi %min3A_241 : vector<256x128xf32> to vector<256x128xi32>
      %min3A_247 = arith.constant 6 : i32
      %min3A_248 = vector.broadcast %min3A_247 : i32 to vector<256x128xi32>
      %min3A_249 = arith.minsi %convert_element_type3A_246, %min3A_248 : vector<256x128xi32>
      %convert_element_type3A_250 = arith.sitofp %min3A_245 : vector<256x128xi32> to vector<256x128xf32>
      %sub3A_251 = arith.subf %min3A_178, %convert_element_type3A_250 : vector<256x128xf32>
      %convert_element_type3A_252 = arith.sitofp %min3A_249 : vector<256x128xi32> to vector<256x128xf32>
      %sub3A_253 = arith.subf %min3A_241, %convert_element_type3A_252 : vector<256x128xf32>
      %mul3A_254 = arith.constant 8 : i32
      %mul3A_255 = vector.broadcast %mul3A_254 : i32 to vector<256x128xi32>
      %mul3A_256 = arith.muli %min3A_245, %mul3A_255 : vector<256x128xi32>
      %add3A_257 = arith.addi %mul3A_256, %min3A_249 : vector<256x128xi32>
      %reshape3A = vector.shape_cast %get3A_9 : vector<64xi32> to vector<1x64xi32>
      %broadcast_in_dim3A_258 = vector.shape_cast %reshape3A : vector<1x64xi32> to vector<1x64xi32>
      %broadcast_in_dim3A_259 = vector.broadcast %broadcast_in_dim3A_258 : vector<1x64xi32> to vector<256x64xi32>
      %reshape3A_260 = vector.shape_cast %add3A_257 : vector<256x128xi32> to vector<256x128x1xi32>
      %gather3A = vector.shape_cast %reshape3A_260 : vector<256x128x1xi32> to vector<256x128xi32>
      %gather3A_261 = tpu.dynamic_gather %broadcast_in_dim3A_259[%gather3A] in [1] : vector<256x64xi32>, vector<256x128xi32> -> vector<256x128xi32>
      %add3A_262 = arith.constant 8 : i32
      %add3A_263 = vector.broadcast %add3A_262 : i32 to vector<256x128xi32>
      %add3A_264 = arith.addi %add3A_257, %add3A_263 : vector<256x128xi32>
      %reshape3A_265 = vector.shape_cast %add3A_264 : vector<256x128xi32> to vector<256x128x1xi32>
      %gather3A_266 = vector.shape_cast %reshape3A_265 : vector<256x128x1xi32> to vector<256x128xi32>
      %gather3A_267 = tpu.dynamic_gather %broadcast_in_dim3A_259[%gather3A_266] in [1] : vector<256x64xi32>, vector<256x128xi32> -> vector<256x128xi32>
      %and3A_268 = arith.constant -65536 : i32
      %and3A_269 = vector.broadcast %and3A_268 : i32 to vector<256x128xi32>
      %and3A_270 = arith.andi %gather3A_261, %and3A_269 : vector<256x128xi32>
      %bitcast_convert_type3A = tpu.bitcast %and3A_270 : vector<256x128xi32> -> vector<256x128xf32>
      %shift_left3A = arith.constant 16 : i32
      %shift_left3A_271 = vector.broadcast %shift_left3A : i32 to vector<256x128xi32>
      %shift_left3A_272 = arith.shli %gather3A_261, %shift_left3A_271 : vector<256x128xi32>
      %bitcast_convert_type3A_273 = tpu.bitcast %shift_left3A_272 : vector<256x128xi32> -> vector<256x128xf32>
      %and3A_274 = arith.constant -65536 : i32
      %and3A_275 = vector.broadcast %and3A_274 : i32 to vector<256x128xi32>
      %and3A_276 = arith.andi %gather3A_267, %and3A_275 : vector<256x128xi32>
      %bitcast_convert_type3A_277 = tpu.bitcast %and3A_276 : vector<256x128xi32> -> vector<256x128xf32>
      %shift_left3A_278 = arith.constant 16 : i32
      %shift_left3A_279 = vector.broadcast %shift_left3A_278 : i32 to vector<256x128xi32>
      %shift_left3A_280 = arith.shli %gather3A_267, %shift_left3A_279 : vector<256x128xi32>
      %bitcast_convert_type3A_281 = tpu.bitcast %shift_left3A_280 : vector<256x128xi32> -> vector<256x128xf32>
      %sub3A_282 = arith.constant 1.000000e+00 : f32
      %sub3A_283 = vector.broadcast %sub3A_282 : f32 to vector<256x128xf32>
      %sub3A_284 = arith.subf %sub3A_283, %sub3A_251 : vector<256x128xf32>
      %sub3A_285 = arith.constant 1.000000e+00 : f32
      %sub3A_286 = vector.broadcast %sub3A_285 : f32 to vector<256x128xf32>
      %sub3A_287 = arith.subf %sub3A_286, %sub3A_253 : vector<256x128xf32>
      %mul3A_288 = arith.mulf %sub3A_287, %bitcast_convert_type3A : vector<256x128xf32>
      %mul3A_289 = arith.mulf %sub3A_253, %bitcast_convert_type3A_273 : vector<256x128xf32>
      %add3A_290 = arith.addf %mul3A_288, %mul3A_289 : vector<256x128xf32>
      %mul3A_291 = arith.mulf %sub3A_284, %add3A_290 : vector<256x128xf32>
      %sub3A_292 = arith.constant 1.000000e+00 : f32
      %sub3A_293 = vector.broadcast %sub3A_292 : f32 to vector<256x128xf32>
      %sub3A_294 = arith.subf %sub3A_293, %sub3A_253 : vector<256x128xf32>
      %mul3A_295 = arith.mulf %sub3A_294, %bitcast_convert_type3A_277 : vector<256x128xf32>
      %mul3A_296 = arith.mulf %sub3A_253, %bitcast_convert_type3A_281 : vector<256x128xf32>
      %add3A_297 = arith.addf %mul3A_295, %mul3A_296 : vector<256x128xf32>
      %mul3A_298 = arith.mulf %sub3A_251, %add3A_297 : vector<256x128xf32>
      %add3A_299 = arith.addf %mul3A_291, %mul3A_298 : vector<256x128xf32>
      %mul3A_300 = vector.broadcast %get3A_157 : vector<1x128xf32> to vector<256x128xf32>
      %mul3A_301 = arith.mulf %convert_element_type3A_170, %mul3A_300 : vector<256x128xf32>
      %mul3A_302 = arith.mulf %add3A_299, %mul3A_301 : vector<256x128xf32>
      %add3A_303 = arith.addf %while3A_138, %mul3A_302 : vector<256x128xf32>
      %add3A_304 = arith.constant 1 : i32
      %add3A_305 = arith.addi %add3A_142, %add3A_304 : i32
      %mul3A_306 = arith.constant 128 : i32
      %mul3A_307 = arith.muli %add3A_305, %mul3A_306 : i32
      %get3A_308 = arith.constant 0 : index
      %get3A_309 = arith.index_cast %mul3A_307 : i32 to index
      %get3A_310 = vector.load %arg8[%get3A_308, %get3A_309] : memref<1x10752xf32, #tpu.memory_space<vmem>>, vector<1x128xf32>
      %mul3A_311 = arith.constant 128 : i32
      %mul3A_312 = arith.muli %add3A_305, %mul3A_311 : i32
      %get3A_313 = arith.constant 0 : index
      %get3A_314 = arith.index_cast %mul3A_312 : i32 to index
      %get3A_315 = vector.load %arg9[%get3A_313, %get3A_314] : memref<1x10752xf32, #tpu.memory_space<vmem>>, vector<1x128xf32>
      %mul3A_316 = arith.constant 128 : i32
      %mul3A_317 = arith.muli %add3A_305, %mul3A_316 : i32
      %get3A_318 = arith.constant 0 : index
      %get3A_319 = arith.index_cast %mul3A_317 : i32 to index
      %get3A_320 = vector.load %arg10[%get3A_318, %get3A_319] : memref<1x10752xf32, #tpu.memory_space<vmem>>, vector<1x128xf32>
      %sub3A_321 = vector.broadcast %get3A_310 : vector<1x128xf32> to vector<256x128xf32>
      %sub3A_322 = vector.broadcast %get3A_1 : vector<256x1xf32> to vector<256x128xf32>
      %sub3A_323 = arith.subf %sub3A_321, %sub3A_322 : vector<256x128xf32>
      %sub3A_324 = vector.broadcast %get3A_315 : vector<1x128xf32> to vector<256x128xf32>
      %sub3A_325 = vector.broadcast %get3A_4 : vector<256x1xf32> to vector<256x128xf32>
      %sub3A_326 = arith.subf %sub3A_324, %sub3A_325 : vector<256x128xf32>
      %mul3A_327 = arith.mulf %sub3A_323, %sub3A_323 : vector<256x128xf32>
      %mul3A_328 = arith.mulf %sub3A_326, %sub3A_326 : vector<256x128xf32>
      %add3A_329 = arith.addf %mul3A_327, %mul3A_328 : vector<256x128xf32>
      %lt3A_330 = vector.broadcast %mul3A : f32 to vector<256x128xf32>
      %lt3A_331 = arith.cmpf olt, %add3A_329, %lt3A_330 : vector<256x128xf32>
      %convert_element_type3A_332 = arith.extui %lt3A_331 : vector<256x128xi1> to vector<256x128xi32>
      %convert_element_type3A_333 = arith.sitofp %convert_element_type3A_332 : vector<256x128xi32> to vector<256x128xf32>
      %sqrt3A_334 = math.sqrt %add3A_329 : vector<256x128xf32>
      %mul3A_335 = arith.constant 2.000000e+00 : f32
      %mul3A_336 = arith.constant 3.500000e+00 : f32
      %mul3A_337 = arith.mulf %mul3A_335, %mul3A_336 : f32
      %mul3A_338 = arith.mulf %mul3A_337, %div3A_7 : f32
      %mul3A_339 = vector.broadcast %mul3A_338 : f32 to vector<256x128xf32>
      %mul3A_340 = arith.mulf %sqrt3A_334, %mul3A_339 : vector<256x128xf32>
      %min3A_341 = arith.constant 7.000000e+00 : f32
      %min3A_342 = vector.broadcast %min3A_341 : f32 to vector<256x128xf32>
      %min3A_343 = arith.minimumf %mul3A_340, %min3A_342 : vector<256x128xf32>
      %abs3A_344 = math.absf %sub3A_323 : vector<256x128xf32>
      %abs3A_345 = math.absf %sub3A_326 : vector<256x128xf32>
      %max3A_346 = arith.maximumf %abs3A_344, %abs3A_345 : vector<256x128xf32>
      %min3A_347 = arith.minimumf %abs3A_344, %abs3A_345 : vector<256x128xf32>
      %max3A_348 = arith.constant 1.000000e-30 : f32
      %max3A_349 = vector.broadcast %max3A_348 : f32 to vector<256x128xf32>
      %max3A_350 = arith.maximumf %max3A_346, %max3A_349 : vector<256x128xf32>
      %div3A_351 = arith.divf %min3A_347, %max3A_350 : vector<256x128xf32>
      %mul3A_352 = arith.mulf %div3A_351, %div3A_351 : vector<256x128xf32>
      %mul3A_353 = arith.constant -0.0117191272 : f32
      %mul3A_354 = vector.broadcast %mul3A_353 : f32 to vector<256x128xf32>
      %mul3A_355 = arith.mulf %mul3A_354, %mul3A_352 : vector<256x128xf32>
      %add3A_356 = arith.constant 0.052647341 : f32
      %add3A_357 = vector.broadcast %add3A_356 : f32 to vector<256x128xf32>
      %add3A_358 = arith.addf %mul3A_355, %add3A_357 : vector<256x128xf32>
      %mul3A_359 = arith.mulf %add3A_358, %mul3A_352 : vector<256x128xf32>
      %add3A_360 = arith.constant -0.11642649 : f32
      %add3A_361 = vector.broadcast %add3A_360 : f32 to vector<256x128xf32>
      %add3A_362 = arith.addf %mul3A_359, %add3A_361 : vector<256x128xf32>
      %mul3A_363 = arith.mulf %add3A_362, %mul3A_352 : vector<256x128xf32>
      %add3A_364 = arith.constant 0.193540394 : f32
      %add3A_365 = vector.broadcast %add3A_364 : f32 to vector<256x128xf32>
      %add3A_366 = arith.addf %mul3A_363, %add3A_365 : vector<256x128xf32>
      %mul3A_367 = arith.mulf %add3A_366, %mul3A_352 : vector<256x128xf32>
      %add3A_368 = arith.constant -0.332622826 : f32
      %add3A_369 = vector.broadcast %add3A_368 : f32 to vector<256x128xf32>
      %add3A_370 = arith.addf %mul3A_367, %add3A_369 : vector<256x128xf32>
      %mul3A_371 = arith.mulf %add3A_370, %mul3A_352 : vector<256x128xf32>
      %add3A_372 = arith.constant 0.999977231 : f32
      %add3A_373 = vector.broadcast %add3A_372 : f32 to vector<256x128xf32>
      %add3A_374 = arith.addf %mul3A_371, %add3A_373 : vector<256x128xf32>
      %mul3A_375 = arith.mulf %add3A_374, %div3A_351 : vector<256x128xf32>
      %gt3A_376 = arith.cmpf ogt, %abs3A_345, %abs3A_344 : vector<256x128xf32>
      %sub3A_377 = arith.constant 1.57079637 : f32
      %sub3A_378 = vector.broadcast %sub3A_377 : f32 to vector<256x128xf32>
      %sub3A_379 = arith.subf %sub3A_378, %mul3A_375 : vector<256x128xf32>
      %select_n3A_380 = arith.select %gt3A_376, %sub3A_379, %mul3A_375 : vector<256x128xi1>, vector<256x128xf32>
      %lt3A_381 = arith.constant 0.000000e+00 : f32
      %lt3A_382 = vector.broadcast %lt3A_381 : f32 to vector<256x128xf32>
      %lt3A_383 = arith.cmpf olt, %sub3A_323, %lt3A_382 : vector<256x128xf32>
      %sub3A_384 = arith.constant 3.14159274 : f32
      %sub3A_385 = vector.broadcast %sub3A_384 : f32 to vector<256x128xf32>
      %sub3A_386 = arith.subf %sub3A_385, %select_n3A_380 : vector<256x128xf32>
      %select_n3A_387 = arith.select %lt3A_383, %sub3A_386, %select_n3A_380 : vector<256x128xi1>, vector<256x128xf32>
      %lt3A_388 = arith.constant 0.000000e+00 : f32
      %lt3A_389 = vector.broadcast %lt3A_388 : f32 to vector<256x128xf32>
      %lt3A_390 = arith.cmpf olt, %sub3A_326, %lt3A_389 : vector<256x128xf32>
      %neg3A_391 = arith.constant 0.000000e+00 : f32
      %neg3A_392 = vector.broadcast %neg3A_391 : f32 to vector<256x128xf32>
      %neg3A_393 = arith.subf %neg3A_392, %select_n3A_387 : vector<256x128xf32>
      %select_n3A_394 = arith.select %lt3A_390, %neg3A_393, %select_n3A_387 : vector<256x128xi1>, vector<256x128xf32>
      %mul3A_395 = arith.constant 0.318309873 : f32
      %mul3A_396 = vector.broadcast %mul3A_395 : f32 to vector<256x128xf32>
      %mul3A_397 = arith.mulf %select_n3A_394, %mul3A_396 : vector<256x128xf32>
      %add3A_398 = arith.constant 1.000000e+00 : f32
      %add3A_399 = vector.broadcast %add3A_398 : f32 to vector<256x128xf32>
      %add3A_400 = arith.addf %mul3A_397, %add3A_399 : vector<256x128xf32>
      %mul3A_401 = arith.constant 3.500000e+00 : f32
      %mul3A_402 = vector.broadcast %mul3A_401 : f32 to vector<256x128xf32>
      %mul3A_403 = arith.mulf %add3A_400, %mul3A_402 : vector<256x128xf32>
      %jit3A_404 = arith.constant 0.000000e+00 : f32
      %jit3A_405 = arith.constant 7.000000e+00 : f32
      %max3A_406 = vector.broadcast %jit3A_404 : f32 to vector<256x128xf32>
      %max3A_407 = arith.maximumf %max3A_406, %mul3A_403 : vector<256x128xf32>
      %min3A_408 = vector.broadcast %jit3A_405 : f32 to vector<256x128xf32>
      %min3A_409 = arith.minimumf %min3A_408, %max3A_407 : vector<256x128xf32>
      %convert_element_type3A_410 = arith.fptosi %min3A_343 : vector<256x128xf32> to vector<256x128xi32>
      %min3A_411 = arith.constant 6 : i32
      %min3A_412 = vector.broadcast %min3A_411 : i32 to vector<256x128xi32>
      %min3A_413 = arith.minsi %convert_element_type3A_410, %min3A_412 : vector<256x128xi32>
      %convert_element_type3A_414 = arith.fptosi %min3A_409 : vector<256x128xf32> to vector<256x128xi32>
      %min3A_415 = arith.constant 6 : i32
      %min3A_416 = vector.broadcast %min3A_415 : i32 to vector<256x128xi32>
      %min3A_417 = arith.minsi %convert_element_type3A_414, %min3A_416 : vector<256x128xi32>
      %convert_element_type3A_418 = arith.sitofp %min3A_413 : vector<256x128xi32> to vector<256x128xf32>
      %sub3A_419 = arith.subf %min3A_343, %convert_element_type3A_418 : vector<256x128xf32>
      %convert_element_type3A_420 = arith.sitofp %min3A_417 : vector<256x128xi32> to vector<256x128xf32>
      %sub3A_421 = arith.subf %min3A_409, %convert_element_type3A_420 : vector<256x128xf32>
      %mul3A_422 = arith.constant 8 : i32
      %mul3A_423 = vector.broadcast %mul3A_422 : i32 to vector<256x128xi32>
      %mul3A_424 = arith.muli %min3A_413, %mul3A_423 : vector<256x128xi32>
      %add3A_425 = arith.addi %mul3A_424, %min3A_417 : vector<256x128xi32>
      %reshape3A_426 = vector.shape_cast %get3A_9 : vector<64xi32> to vector<1x64xi32>
      %broadcast_in_dim3A_427 = vector.shape_cast %reshape3A_426 : vector<1x64xi32> to vector<1x64xi32>
      %broadcast_in_dim3A_428 = vector.broadcast %broadcast_in_dim3A_427 : vector<1x64xi32> to vector<256x64xi32>
      %reshape3A_429 = vector.shape_cast %add3A_425 : vector<256x128xi32> to vector<256x128x1xi32>
      %gather3A_430 = vector.shape_cast %reshape3A_429 : vector<256x128x1xi32> to vector<256x128xi32>
      %gather3A_431 = tpu.dynamic_gather %broadcast_in_dim3A_428[%gather3A_430] in [1] : vector<256x64xi32>, vector<256x128xi32> -> vector<256x128xi32>
      %add3A_432 = arith.constant 8 : i32
      %add3A_433 = vector.broadcast %add3A_432 : i32 to vector<256x128xi32>
      %add3A_434 = arith.addi %add3A_425, %add3A_433 : vector<256x128xi32>
      %reshape3A_435 = vector.shape_cast %add3A_434 : vector<256x128xi32> to vector<256x128x1xi32>
      %gather3A_436 = vector.shape_cast %reshape3A_435 : vector<256x128x1xi32> to vector<256x128xi32>
      %gather3A_437 = tpu.dynamic_gather %broadcast_in_dim3A_428[%gather3A_436] in [1] : vector<256x64xi32>, vector<256x128xi32> -> vector<256x128xi32>
      %and3A_438 = arith.constant -65536 : i32
      %and3A_439 = vector.broadcast %and3A_438 : i32 to vector<256x128xi32>
      %and3A_440 = arith.andi %gather3A_431, %and3A_439 : vector<256x128xi32>
      %bitcast_convert_type3A_441 = tpu.bitcast %and3A_440 : vector<256x128xi32> -> vector<256x128xf32>
      %shift_left3A_442 = arith.constant 16 : i32
      %shift_left3A_443 = vector.broadcast %shift_left3A_442 : i32 to vector<256x128xi32>
      %shift_left3A_444 = arith.shli %gather3A_431, %shift_left3A_443 : vector<256x128xi32>
      %bitcast_convert_type3A_445 = tpu.bitcast %shift_left3A_444 : vector<256x128xi32> -> vector<256x128xf32>
      %and3A_446 = arith.constant -65536 : i32
      %and3A_447 = vector.broadcast %and3A_446 : i32 to vector<256x128xi32>
      %and3A_448 = arith.andi %gather3A_437, %and3A_447 : vector<256x128xi32>
      %bitcast_convert_type3A_449 = tpu.bitcast %and3A_448 : vector<256x128xi32> -> vector<256x128xf32>
      %shift_left3A_450 = arith.constant 16 : i32
      %shift_left3A_451 = vector.broadcast %shift_left3A_450 : i32 to vector<256x128xi32>
      %shift_left3A_452 = arith.shli %gather3A_437, %shift_left3A_451 : vector<256x128xi32>
      %bitcast_convert_type3A_453 = tpu.bitcast %shift_left3A_452 : vector<256x128xi32> -> vector<256x128xf32>
      %sub3A_454 = arith.constant 1.000000e+00 : f32
      %sub3A_455 = vector.broadcast %sub3A_454 : f32 to vector<256x128xf32>
      %sub3A_456 = arith.subf %sub3A_455, %sub3A_419 : vector<256x128xf32>
      %sub3A_457 = arith.constant 1.000000e+00 : f32
      %sub3A_458 = vector.broadcast %sub3A_457 : f32 to vector<256x128xf32>
      %sub3A_459 = arith.subf %sub3A_458, %sub3A_421 : vector<256x128xf32>
      %mul3A_460 = arith.mulf %sub3A_459, %bitcast_convert_type3A_441 : vector<256x128xf32>
      %mul3A_461 = arith.mulf %sub3A_421, %bitcast_convert_type3A_445 : vector<256x128xf32>
      %add3A_462 = arith.addf %mul3A_460, %mul3A_461 : vector<256x128xf32>
      %mul3A_463 = arith.mulf %sub3A_456, %add3A_462 : vector<256x128xf32>
      %sub3A_464 = arith.constant 1.000000e+00 : f32
      %sub3A_465 = vector.broadcast %sub3A_464 : f32 to vector<256x128xf32>
      %sub3A_466 = arith.subf %sub3A_465, %sub3A_421 : vector<256x128xf32>
      %mul3A_467 = arith.mulf %sub3A_466, %bitcast_convert_type3A_449 : vector<256x128xf32>
      %mul3A_468 = arith.mulf %sub3A_421, %bitcast_convert_type3A_453 : vector<256x128xf32>
      %add3A_469 = arith.addf %mul3A_467, %mul3A_468 : vector<256x128xf32>
      %mul3A_470 = arith.mulf %sub3A_419, %add3A_469 : vector<256x128xf32>
      %add3A_471 = arith.addf %mul3A_463, %mul3A_470 : vector<256x128xf32>
      %mul3A_472 = vector.broadcast %get3A_320 : vector<1x128xf32> to vector<256x128xf32>
      %mul3A_473 = arith.mulf %convert_element_type3A_333, %mul3A_472 : vector<256x128xf32>
      %mul3A_474 = arith.mulf %add3A_471, %mul3A_473 : vector<256x128xf32>
      %add3A_475 = arith.addf %while3A_139, %mul3A_474 : vector<256x128xf32>
      scf.yield %add3A_303, %add3A_475 : vector<256x128xf32>, vector<256x128xf32>
    }
    %sub3A_93 = arith.subi %reduce_sum3A_60, %max3A_52 : i32
    %add3A_94 = arith.constant 1 : i32
    %add3A_95 = arith.addi %sub3A_93, %add3A_94 : i32
    %jit3A_96 = arith.constant 2 : i32
    %div3A_97 = arith.divsi %add3A_95, %jit3A_96 : i32
    %sign3A_98 = arith.constant 0 : i32
    %sign3A_99 = arith.cmpi sgt, %add3A_95, %sign3A_98 : i32
    %sign3A_100 = arith.extui %sign3A_99 : i1 to i32
    %sign3A_101 = arith.constant 0 : i32
    %sign3A_102 = arith.cmpi slt, %add3A_95, %sign3A_101 : i32
    %sign3A_103 = arith.extui %sign3A_102 : i1 to i32
    %sign3A_104 = arith.subi %sign3A_100, %sign3A_103 : i32
    %sign3A_105 = arith.constant 0 : i32
    %sign3A_106 = arith.cmpi sgt, %jit3A_96, %sign3A_105 : i32
    %sign3A_107 = arith.extui %sign3A_106 : i1 to i32
    %sign3A_108 = arith.constant 0 : i32
    %sign3A_109 = arith.cmpi slt, %jit3A_96, %sign3A_108 : i32
    %sign3A_110 = arith.extui %sign3A_109 : i1 to i32
    %sign3A_111 = arith.subi %sign3A_107, %sign3A_110 : i32
    %ne3A_112 = arith.cmpi ne, %sign3A_104, %sign3A_111 : i32
    %rem3A_113 = arith.remsi %add3A_95, %jit3A_96 : i32
    %ne3A_114 = arith.constant 0 : i32
    %ne3A_115 = arith.cmpi ne, %rem3A_113, %ne3A_114 : i32
    %and3A_116 = arith.andi %ne3A_112, %ne3A_115 : i1
    %sub3A_117 = arith.constant 1 : i32
    %sub3A_118 = arith.subi %div3A_97, %sub3A_117 : i32
    %select_n3A_119 = arith.select %and3A_116, %sub3A_118, %div3A_97 : i32
    %while3A_120 = arith.constant 0 : i32
    %while3A_121 = arith.subi %select_n3A_119, %while3A_120 : i32
    %while3A_122 = arith.addi %while3A_120, %while3A_121 : i32
    %while3A_123 = arith.constant 1 : i32
    %while3A_124 = arith.divsi %while3A_121, %while3A_123 : i32
    %while3A_125 = arith.muli %while3A_124, %while3A_123 : i32
    %while3A_126 = arith.addi %while3A_120, %while3A_125 : i32
    %while3A_127 = arith.constant 1 : i32
    %while3A_128:2 = scf.for %while3A_137 = %while3A_120 to %while3A_126 step %while3A_127 iter_args(%while3A_138 = %while3A_92#0, %while3A_139 = %while3A_92#1) -> (vector<256x128xf32>, vector<256x128xf32>)  : i32 {
      %mul3A_140 = arith.constant 2 : i32
      %mul3A_141 = arith.muli %mul3A_140, %while3A_137 : i32
      %add3A_142 = arith.addi %max3A_52, %mul3A_141 : i32
      %mul3A_143 = arith.constant 128 : i32
      %mul3A_144 = arith.muli %add3A_142, %mul3A_143 : i32
      %get3A_145 = arith.constant 0 : index
      %get3A_146 = arith.index_cast %mul3A_144 : i32 to index
      %get3A_147 = vector.load %arg11[%get3A_145, %get3A_146] : memref<1x2560xf32, #tpu.memory_space<vmem>>, vector<1x128xf32>
      %mul3A_148 = arith.constant 128 : i32
      %mul3A_149 = arith.muli %add3A_142, %mul3A_148 : i32
      %get3A_150 = arith.constant 0 : index
      %get3A_151 = arith.index_cast %mul3A_149 : i32 to index
      %get3A_152 = vector.load %arg12[%get3A_150, %get3A_151] : memref<1x2560xf32, #tpu.memory_space<vmem>>, vector<1x128xf32>
      %mul3A_153 = arith.constant 128 : i32
      %mul3A_154 = arith.muli %add3A_142, %mul3A_153 : i32
      %get3A_155 = arith.constant 0 : index
      %get3A_156 = arith.index_cast %mul3A_154 : i32 to index
      %get3A_157 = vector.load %arg13[%get3A_155, %get3A_156] : memref<1x2560xf32, #tpu.memory_space<vmem>>, vector<1x128xf32>
      %sub3A_158 = vector.broadcast %get3A_147 : vector<1x128xf32> to vector<256x128xf32>
      %sub3A_159 = vector.broadcast %get3A_1 : vector<256x1xf32> to vector<256x128xf32>
      %sub3A_160 = arith.subf %sub3A_158, %sub3A_159 : vector<256x128xf32>
      %sub3A_161 = vector.broadcast %get3A_152 : vector<1x128xf32> to vector<256x128xf32>
      %sub3A_162 = vector.broadcast %get3A_4 : vector<256x1xf32> to vector<256x128xf32>
      %sub3A_163 = arith.subf %sub3A_161, %sub3A_162 : vector<256x128xf32>
      %mul3A_164 = arith.mulf %sub3A_160, %sub3A_160 : vector<256x128xf32>
      %mul3A_165 = arith.mulf %sub3A_163, %sub3A_163 : vector<256x128xf32>
      %add3A_166 = arith.addf %mul3A_164, %mul3A_165 : vector<256x128xf32>
      %lt3A_167 = vector.broadcast %mul3A : f32 to vector<256x128xf32>
      %lt3A_168 = arith.cmpf olt, %add3A_166, %lt3A_167 : vector<256x128xf32>
      %convert_element_type3A_169 = arith.extui %lt3A_168 : vector<256x128xi1> to vector<256x128xi32>
      %convert_element_type3A_170 = arith.sitofp %convert_element_type3A_169 : vector<256x128xi32> to vector<256x128xf32>
      %sqrt3A = math.sqrt %add3A_166 : vector<256x128xf32>
      %mul3A_171 = arith.constant 2.000000e+00 : f32
      %mul3A_172 = arith.constant 3.500000e+00 : f32
      %mul3A_173 = arith.mulf %mul3A_171, %mul3A_172 : f32
      %mul3A_174 = arith.mulf %mul3A_173, %div3A_7 : f32
      %mul3A_175 = vector.broadcast %mul3A_174 : f32 to vector<256x128xf32>
      %mul3A_176 = arith.mulf %sqrt3A, %mul3A_175 : vector<256x128xf32>
      %min3A = arith.constant 7.000000e+00 : f32
      %min3A_177 = vector.broadcast %min3A : f32 to vector<256x128xf32>
      %min3A_178 = arith.minimumf %mul3A_176, %min3A_177 : vector<256x128xf32>
      %abs3A = math.absf %sub3A_160 : vector<256x128xf32>
      %abs3A_179 = math.absf %sub3A_163 : vector<256x128xf32>
      %max3A_180 = arith.maximumf %abs3A, %abs3A_179 : vector<256x128xf32>
      %min3A_181 = arith.minimumf %abs3A, %abs3A_179 : vector<256x128xf32>
      %max3A_182 = arith.constant 1.000000e-30 : f32
      %max3A_183 = vector.broadcast %max3A_182 : f32 to vector<256x128xf32>
      %max3A_184 = arith.maximumf %max3A_180, %max3A_183 : vector<256x128xf32>
      %div3A_185 = arith.divf %min3A_181, %max3A_184 : vector<256x128xf32>
      %mul3A_186 = arith.mulf %div3A_185, %div3A_185 : vector<256x128xf32>
      %mul3A_187 = arith.constant -0.0117191272 : f32
      %mul3A_188 = vector.broadcast %mul3A_187 : f32 to vector<256x128xf32>
      %mul3A_189 = arith.mulf %mul3A_188, %mul3A_186 : vector<256x128xf32>
      %add3A_190 = arith.constant 0.052647341 : f32
      %add3A_191 = vector.broadcast %add3A_190 : f32 to vector<256x128xf32>
      %add3A_192 = arith.addf %mul3A_189, %add3A_191 : vector<256x128xf32>
      %mul3A_193 = arith.mulf %add3A_192, %mul3A_186 : vector<256x128xf32>
      %add3A_194 = arith.constant -0.11642649 : f32
      %add3A_195 = vector.broadcast %add3A_194 : f32 to vector<256x128xf32>
      %add3A_196 = arith.addf %mul3A_193, %add3A_195 : vector<256x128xf32>
      %mul3A_197 = arith.mulf %add3A_196, %mul3A_186 : vector<256x128xf32>
      %add3A_198 = arith.constant 0.193540394 : f32
      %add3A_199 = vector.broadcast %add3A_198 : f32 to vector<256x128xf32>
      %add3A_200 = arith.addf %mul3A_197, %add3A_199 : vector<256x128xf32>
      %mul3A_201 = arith.mulf %add3A_200, %mul3A_186 : vector<256x128xf32>
      %add3A_202 = arith.constant -0.332622826 : f32
      %add3A_203 = vector.broadcast %add3A_202 : f32 to vector<256x128xf32>
      %add3A_204 = arith.addf %mul3A_201, %add3A_203 : vector<256x128xf32>
      %mul3A_205 = arith.mulf %add3A_204, %mul3A_186 : vector<256x128xf32>
      %add3A_206 = arith.constant 0.999977231 : f32
      %add3A_207 = vector.broadcast %add3A_206 : f32 to vector<256x128xf32>
      %add3A_208 = arith.addf %mul3A_205, %add3A_207 : vector<256x128xf32>
      %mul3A_209 = arith.mulf %add3A_208, %div3A_185 : vector<256x128xf32>
      %gt3A = arith.cmpf ogt, %abs3A_179, %abs3A : vector<256x128xf32>
      %sub3A_210 = arith.constant 1.57079637 : f32
      %sub3A_211 = vector.broadcast %sub3A_210 : f32 to vector<256x128xf32>
      %sub3A_212 = arith.subf %sub3A_211, %mul3A_209 : vector<256x128xf32>
      %select_n3A_213 = arith.select %gt3A, %sub3A_212, %mul3A_209 : vector<256x128xi1>, vector<256x128xf32>
      %lt3A_214 = arith.constant 0.000000e+00 : f32
      %lt3A_215 = vector.broadcast %lt3A_214 : f32 to vector<256x128xf32>
      %lt3A_216 = arith.cmpf olt, %sub3A_160, %lt3A_215 : vector<256x128xf32>
      %sub3A_217 = arith.constant 3.14159274 : f32
      %sub3A_218 = vector.broadcast %sub3A_217 : f32 to vector<256x128xf32>
      %sub3A_219 = arith.subf %sub3A_218, %select_n3A_213 : vector<256x128xf32>
      %select_n3A_220 = arith.select %lt3A_216, %sub3A_219, %select_n3A_213 : vector<256x128xi1>, vector<256x128xf32>
      %lt3A_221 = arith.constant 0.000000e+00 : f32
      %lt3A_222 = vector.broadcast %lt3A_221 : f32 to vector<256x128xf32>
      %lt3A_223 = arith.cmpf olt, %sub3A_163, %lt3A_222 : vector<256x128xf32>
      %neg3A = arith.constant 0.000000e+00 : f32
      %neg3A_224 = vector.broadcast %neg3A : f32 to vector<256x128xf32>
      %neg3A_225 = arith.subf %neg3A_224, %select_n3A_220 : vector<256x128xf32>
      %select_n3A_226 = arith.select %lt3A_223, %neg3A_225, %select_n3A_220 : vector<256x128xi1>, vector<256x128xf32>
      %mul3A_227 = arith.constant 0.318309873 : f32
      %mul3A_228 = vector.broadcast %mul3A_227 : f32 to vector<256x128xf32>
      %mul3A_229 = arith.mulf %select_n3A_226, %mul3A_228 : vector<256x128xf32>
      %add3A_230 = arith.constant 1.000000e+00 : f32
      %add3A_231 = vector.broadcast %add3A_230 : f32 to vector<256x128xf32>
      %add3A_232 = arith.addf %mul3A_229, %add3A_231 : vector<256x128xf32>
      %mul3A_233 = arith.constant 3.500000e+00 : f32
      %mul3A_234 = vector.broadcast %mul3A_233 : f32 to vector<256x128xf32>
      %mul3A_235 = arith.mulf %add3A_232, %mul3A_234 : vector<256x128xf32>
      %jit3A_236 = arith.constant 0.000000e+00 : f32
      %jit3A_237 = arith.constant 7.000000e+00 : f32
      %max3A_238 = vector.broadcast %jit3A_236 : f32 to vector<256x128xf32>
      %max3A_239 = arith.maximumf %max3A_238, %mul3A_235 : vector<256x128xf32>
      %min3A_240 = vector.broadcast %jit3A_237 : f32 to vector<256x128xf32>
      %min3A_241 = arith.minimumf %min3A_240, %max3A_239 : vector<256x128xf32>
      %convert_element_type3A_242 = arith.fptosi %min3A_178 : vector<256x128xf32> to vector<256x128xi32>
      %min3A_243 = arith.constant 6 : i32
      %min3A_244 = vector.broadcast %min3A_243 : i32 to vector<256x128xi32>
      %min3A_245 = arith.minsi %convert_element_type3A_242, %min3A_244 : vector<256x128xi32>
      %convert_element_type3A_246 = arith.fptosi %min3A_241 : vector<256x128xf32> to vector<256x128xi32>
      %min3A_247 = arith.constant 6 : i32
      %min3A_248 = vector.broadcast %min3A_247 : i32 to vector<256x128xi32>
      %min3A_249 = arith.minsi %convert_element_type3A_246, %min3A_248 : vector<256x128xi32>
      %convert_element_type3A_250 = arith.sitofp %min3A_245 : vector<256x128xi32> to vector<256x128xf32>
      %sub3A_251 = arith.subf %min3A_178, %convert_element_type3A_250 : vector<256x128xf32>
      %convert_element_type3A_252 = arith.sitofp %min3A_249 : vector<256x128xi32> to vector<256x128xf32>
      %sub3A_253 = arith.subf %min3A_241, %convert_element_type3A_252 : vector<256x128xf32>
      %mul3A_254 = arith.constant 8 : i32
      %mul3A_255 = vector.broadcast %mul3A_254 : i32 to vector<256x128xi32>
      %mul3A_256 = arith.muli %min3A_245, %mul3A_255 : vector<256x128xi32>
      %add3A_257 = arith.addi %mul3A_256, %min3A_249 : vector<256x128xi32>
      %reshape3A = vector.shape_cast %get3A_11 : vector<64xi32> to vector<1x64xi32>
      %broadcast_in_dim3A_258 = vector.shape_cast %reshape3A : vector<1x64xi32> to vector<1x64xi32>
      %broadcast_in_dim3A_259 = vector.broadcast %broadcast_in_dim3A_258 : vector<1x64xi32> to vector<256x64xi32>
      %reshape3A_260 = vector.shape_cast %add3A_257 : vector<256x128xi32> to vector<256x128x1xi32>
      %gather3A = vector.shape_cast %reshape3A_260 : vector<256x128x1xi32> to vector<256x128xi32>
      %gather3A_261 = tpu.dynamic_gather %broadcast_in_dim3A_259[%gather3A] in [1] : vector<256x64xi32>, vector<256x128xi32> -> vector<256x128xi32>
      %add3A_262 = arith.constant 8 : i32
      %add3A_263 = vector.broadcast %add3A_262 : i32 to vector<256x128xi32>
      %add3A_264 = arith.addi %add3A_257, %add3A_263 : vector<256x128xi32>
      %reshape3A_265 = vector.shape_cast %add3A_264 : vector<256x128xi32> to vector<256x128x1xi32>
      %gather3A_266 = vector.shape_cast %reshape3A_265 : vector<256x128x1xi32> to vector<256x128xi32>
      %gather3A_267 = tpu.dynamic_gather %broadcast_in_dim3A_259[%gather3A_266] in [1] : vector<256x64xi32>, vector<256x128xi32> -> vector<256x128xi32>
      %and3A_268 = arith.constant -65536 : i32
      %and3A_269 = vector.broadcast %and3A_268 : i32 to vector<256x128xi32>
      %and3A_270 = arith.andi %gather3A_261, %and3A_269 : vector<256x128xi32>
      %bitcast_convert_type3A = tpu.bitcast %and3A_270 : vector<256x128xi32> -> vector<256x128xf32>
      %shift_left3A = arith.constant 16 : i32
      %shift_left3A_271 = vector.broadcast %shift_left3A : i32 to vector<256x128xi32>
      %shift_left3A_272 = arith.shli %gather3A_261, %shift_left3A_271 : vector<256x128xi32>
      %bitcast_convert_type3A_273 = tpu.bitcast %shift_left3A_272 : vector<256x128xi32> -> vector<256x128xf32>
      %and3A_274 = arith.constant -65536 : i32
      %and3A_275 = vector.broadcast %and3A_274 : i32 to vector<256x128xi32>
      %and3A_276 = arith.andi %gather3A_267, %and3A_275 : vector<256x128xi32>
      %bitcast_convert_type3A_277 = tpu.bitcast %and3A_276 : vector<256x128xi32> -> vector<256x128xf32>
      %shift_left3A_278 = arith.constant 16 : i32
      %shift_left3A_279 = vector.broadcast %shift_left3A_278 : i32 to vector<256x128xi32>
      %shift_left3A_280 = arith.shli %gather3A_267, %shift_left3A_279 : vector<256x128xi32>
      %bitcast_convert_type3A_281 = tpu.bitcast %shift_left3A_280 : vector<256x128xi32> -> vector<256x128xf32>
      %sub3A_282 = arith.constant 1.000000e+00 : f32
      %sub3A_283 = vector.broadcast %sub3A_282 : f32 to vector<256x128xf32>
      %sub3A_284 = arith.subf %sub3A_283, %sub3A_251 : vector<256x128xf32>
      %sub3A_285 = arith.constant 1.000000e+00 : f32
      %sub3A_286 = vector.broadcast %sub3A_285 : f32 to vector<256x128xf32>
      %sub3A_287 = arith.subf %sub3A_286, %sub3A_253 : vector<256x128xf32>
      %mul3A_288 = arith.mulf %sub3A_287, %bitcast_convert_type3A : vector<256x128xf32>
      %mul3A_289 = arith.mulf %sub3A_253, %bitcast_convert_type3A_273 : vector<256x128xf32>
      %add3A_290 = arith.addf %mul3A_288, %mul3A_289 : vector<256x128xf32>
      %mul3A_291 = arith.mulf %sub3A_284, %add3A_290 : vector<256x128xf32>
      %sub3A_292 = arith.constant 1.000000e+00 : f32
      %sub3A_293 = vector.broadcast %sub3A_292 : f32 to vector<256x128xf32>
      %sub3A_294 = arith.subf %sub3A_293, %sub3A_253 : vector<256x128xf32>
      %mul3A_295 = arith.mulf %sub3A_294, %bitcast_convert_type3A_277 : vector<256x128xf32>
      %mul3A_296 = arith.mulf %sub3A_253, %bitcast_convert_type3A_281 : vector<256x128xf32>
      %add3A_297 = arith.addf %mul3A_295, %mul3A_296 : vector<256x128xf32>
      %mul3A_298 = arith.mulf %sub3A_251, %add3A_297 : vector<256x128xf32>
      %add3A_299 = arith.addf %mul3A_291, %mul3A_298 : vector<256x128xf32>
      %mul3A_300 = vector.broadcast %get3A_157 : vector<1x128xf32> to vector<256x128xf32>
      %mul3A_301 = arith.mulf %convert_element_type3A_170, %mul3A_300 : vector<256x128xf32>
      %mul3A_302 = arith.mulf %add3A_299, %mul3A_301 : vector<256x128xf32>
      %add3A_303 = arith.addf %while3A_138, %mul3A_302 : vector<256x128xf32>
      %add3A_304 = arith.constant 1 : i32
      %add3A_305 = arith.addi %add3A_142, %add3A_304 : i32
      %mul3A_306 = arith.constant 128 : i32
      %mul3A_307 = arith.muli %add3A_305, %mul3A_306 : i32
      %get3A_308 = arith.constant 0 : index
      %get3A_309 = arith.index_cast %mul3A_307 : i32 to index
      %get3A_310 = vector.load %arg11[%get3A_308, %get3A_309] : memref<1x2560xf32, #tpu.memory_space<vmem>>, vector<1x128xf32>
      %mul3A_311 = arith.constant 128 : i32
      %mul3A_312 = arith.muli %add3A_305, %mul3A_311 : i32
      %get3A_313 = arith.constant 0 : index
      %get3A_314 = arith.index_cast %mul3A_312 : i32 to index
      %get3A_315 = vector.load %arg12[%get3A_313, %get3A_314] : memref<1x2560xf32, #tpu.memory_space<vmem>>, vector<1x128xf32>
      %mul3A_316 = arith.constant 128 : i32
      %mul3A_317 = arith.muli %add3A_305, %mul3A_316 : i32
      %get3A_318 = arith.constant 0 : index
      %get3A_319 = arith.index_cast %mul3A_317 : i32 to index
      %get3A_320 = vector.load %arg13[%get3A_318, %get3A_319] : memref<1x2560xf32, #tpu.memory_space<vmem>>, vector<1x128xf32>
      %sub3A_321 = vector.broadcast %get3A_310 : vector<1x128xf32> to vector<256x128xf32>
      %sub3A_322 = vector.broadcast %get3A_1 : vector<256x1xf32> to vector<256x128xf32>
      %sub3A_323 = arith.subf %sub3A_321, %sub3A_322 : vector<256x128xf32>
      %sub3A_324 = vector.broadcast %get3A_315 : vector<1x128xf32> to vector<256x128xf32>
      %sub3A_325 = vector.broadcast %get3A_4 : vector<256x1xf32> to vector<256x128xf32>
      %sub3A_326 = arith.subf %sub3A_324, %sub3A_325 : vector<256x128xf32>
      %mul3A_327 = arith.mulf %sub3A_323, %sub3A_323 : vector<256x128xf32>
      %mul3A_328 = arith.mulf %sub3A_326, %sub3A_326 : vector<256x128xf32>
      %add3A_329 = arith.addf %mul3A_327, %mul3A_328 : vector<256x128xf32>
      %lt3A_330 = vector.broadcast %mul3A : f32 to vector<256x128xf32>
      %lt3A_331 = arith.cmpf olt, %add3A_329, %lt3A_330 : vector<256x128xf32>
      %convert_element_type3A_332 = arith.extui %lt3A_331 : vector<256x128xi1> to vector<256x128xi32>
      %convert_element_type3A_333 = arith.sitofp %convert_element_type3A_332 : vector<256x128xi32> to vector<256x128xf32>
      %sqrt3A_334 = math.sqrt %add3A_329 : vector<256x128xf32>
      %mul3A_335 = arith.constant 2.000000e+00 : f32
      %mul3A_336 = arith.constant 3.500000e+00 : f32
      %mul3A_337 = arith.mulf %mul3A_335, %mul3A_336 : f32
      %mul3A_338 = arith.mulf %mul3A_337, %div3A_7 : f32
      %mul3A_339 = vector.broadcast %mul3A_338 : f32 to vector<256x128xf32>
      %mul3A_340 = arith.mulf %sqrt3A_334, %mul3A_339 : vector<256x128xf32>
      %min3A_341 = arith.constant 7.000000e+00 : f32
      %min3A_342 = vector.broadcast %min3A_341 : f32 to vector<256x128xf32>
      %min3A_343 = arith.minimumf %mul3A_340, %min3A_342 : vector<256x128xf32>
      %abs3A_344 = math.absf %sub3A_323 : vector<256x128xf32>
      %abs3A_345 = math.absf %sub3A_326 : vector<256x128xf32>
      %max3A_346 = arith.maximumf %abs3A_344, %abs3A_345 : vector<256x128xf32>
      %min3A_347 = arith.minimumf %abs3A_344, %abs3A_345 : vector<256x128xf32>
      %max3A_348 = arith.constant 1.000000e-30 : f32
      %max3A_349 = vector.broadcast %max3A_348 : f32 to vector<256x128xf32>
      %max3A_350 = arith.maximumf %max3A_346, %max3A_349 : vector<256x128xf32>
      %div3A_351 = arith.divf %min3A_347, %max3A_350 : vector<256x128xf32>
      %mul3A_352 = arith.mulf %div3A_351, %div3A_351 : vector<256x128xf32>
      %mul3A_353 = arith.constant -0.0117191272 : f32
      %mul3A_354 = vector.broadcast %mul3A_353 : f32 to vector<256x128xf32>
      %mul3A_355 = arith.mulf %mul3A_354, %mul3A_352 : vector<256x128xf32>
      %add3A_356 = arith.constant 0.052647341 : f32
      %add3A_357 = vector.broadcast %add3A_356 : f32 to vector<256x128xf32>
      %add3A_358 = arith.addf %mul3A_355, %add3A_357 : vector<256x128xf32>
      %mul3A_359 = arith.mulf %add3A_358, %mul3A_352 : vector<256x128xf32>
      %add3A_360 = arith.constant -0.11642649 : f32
      %add3A_361 = vector.broadcast %add3A_360 : f32 to vector<256x128xf32>
      %add3A_362 = arith.addf %mul3A_359, %add3A_361 : vector<256x128xf32>
      %mul3A_363 = arith.mulf %add3A_362, %mul3A_352 : vector<256x128xf32>
      %add3A_364 = arith.constant 0.193540394 : f32
      %add3A_365 = vector.broadcast %add3A_364 : f32 to vector<256x128xf32>
      %add3A_366 = arith.addf %mul3A_363, %add3A_365 : vector<256x128xf32>
      %mul3A_367 = arith.mulf %add3A_366, %mul3A_352 : vector<256x128xf32>
      %add3A_368 = arith.constant -0.332622826 : f32
      %add3A_369 = vector.broadcast %add3A_368 : f32 to vector<256x128xf32>
      %add3A_370 = arith.addf %mul3A_367, %add3A_369 : vector<256x128xf32>
      %mul3A_371 = arith.mulf %add3A_370, %mul3A_352 : vector<256x128xf32>
      %add3A_372 = arith.constant 0.999977231 : f32
      %add3A_373 = vector.broadcast %add3A_372 : f32 to vector<256x128xf32>
      %add3A_374 = arith.addf %mul3A_371, %add3A_373 : vector<256x128xf32>
      %mul3A_375 = arith.mulf %add3A_374, %div3A_351 : vector<256x128xf32>
      %gt3A_376 = arith.cmpf ogt, %abs3A_345, %abs3A_344 : vector<256x128xf32>
      %sub3A_377 = arith.constant 1.57079637 : f32
      %sub3A_378 = vector.broadcast %sub3A_377 : f32 to vector<256x128xf32>
      %sub3A_379 = arith.subf %sub3A_378, %mul3A_375 : vector<256x128xf32>
      %select_n3A_380 = arith.select %gt3A_376, %sub3A_379, %mul3A_375 : vector<256x128xi1>, vector<256x128xf32>
      %lt3A_381 = arith.constant 0.000000e+00 : f32
      %lt3A_382 = vector.broadcast %lt3A_381 : f32 to vector<256x128xf32>
      %lt3A_383 = arith.cmpf olt, %sub3A_323, %lt3A_382 : vector<256x128xf32>
      %sub3A_384 = arith.constant 3.14159274 : f32
      %sub3A_385 = vector.broadcast %sub3A_384 : f32 to vector<256x128xf32>
      %sub3A_386 = arith.subf %sub3A_385, %select_n3A_380 : vector<256x128xf32>
      %select_n3A_387 = arith.select %lt3A_383, %sub3A_386, %select_n3A_380 : vector<256x128xi1>, vector<256x128xf32>
      %lt3A_388 = arith.constant 0.000000e+00 : f32
      %lt3A_389 = vector.broadcast %lt3A_388 : f32 to vector<256x128xf32>
      %lt3A_390 = arith.cmpf olt, %sub3A_326, %lt3A_389 : vector<256x128xf32>
      %neg3A_391 = arith.constant 0.000000e+00 : f32
      %neg3A_392 = vector.broadcast %neg3A_391 : f32 to vector<256x128xf32>
      %neg3A_393 = arith.subf %neg3A_392, %select_n3A_387 : vector<256x128xf32>
      %select_n3A_394 = arith.select %lt3A_390, %neg3A_393, %select_n3A_387 : vector<256x128xi1>, vector<256x128xf32>
      %mul3A_395 = arith.constant 0.318309873 : f32
      %mul3A_396 = vector.broadcast %mul3A_395 : f32 to vector<256x128xf32>
      %mul3A_397 = arith.mulf %select_n3A_394, %mul3A_396 : vector<256x128xf32>
      %add3A_398 = arith.constant 1.000000e+00 : f32
      %add3A_399 = vector.broadcast %add3A_398 : f32 to vector<256x128xf32>
      %add3A_400 = arith.addf %mul3A_397, %add3A_399 : vector<256x128xf32>
      %mul3A_401 = arith.constant 3.500000e+00 : f32
      %mul3A_402 = vector.broadcast %mul3A_401 : f32 to vector<256x128xf32>
      %mul3A_403 = arith.mulf %add3A_400, %mul3A_402 : vector<256x128xf32>
      %jit3A_404 = arith.constant 0.000000e+00 : f32
      %jit3A_405 = arith.constant 7.000000e+00 : f32
      %max3A_406 = vector.broadcast %jit3A_404 : f32 to vector<256x128xf32>
      %max3A_407 = arith.maximumf %max3A_406, %mul3A_403 : vector<256x128xf32>
      %min3A_408 = vector.broadcast %jit3A_405 : f32 to vector<256x128xf32>
      %min3A_409 = arith.minimumf %min3A_408, %max3A_407 : vector<256x128xf32>
      %convert_element_type3A_410 = arith.fptosi %min3A_343 : vector<256x128xf32> to vector<256x128xi32>
      %min3A_411 = arith.constant 6 : i32
      %min3A_412 = vector.broadcast %min3A_411 : i32 to vector<256x128xi32>
      %min3A_413 = arith.minsi %convert_element_type3A_410, %min3A_412 : vector<256x128xi32>
      %convert_element_type3A_414 = arith.fptosi %min3A_409 : vector<256x128xf32> to vector<256x128xi32>
      %min3A_415 = arith.constant 6 : i32
      %min3A_416 = vector.broadcast %min3A_415 : i32 to vector<256x128xi32>
      %min3A_417 = arith.minsi %convert_element_type3A_414, %min3A_416 : vector<256x128xi32>
      %convert_element_type3A_418 = arith.sitofp %min3A_413 : vector<256x128xi32> to vector<256x128xf32>
      %sub3A_419 = arith.subf %min3A_343, %convert_element_type3A_418 : vector<256x128xf32>
      %convert_element_type3A_420 = arith.sitofp %min3A_417 : vector<256x128xi32> to vector<256x128xf32>
      %sub3A_421 = arith.subf %min3A_409, %convert_element_type3A_420 : vector<256x128xf32>
      %mul3A_422 = arith.constant 8 : i32
      %mul3A_423 = vector.broadcast %mul3A_422 : i32 to vector<256x128xi32>
      %mul3A_424 = arith.muli %min3A_413, %mul3A_423 : vector<256x128xi32>
      %add3A_425 = arith.addi %mul3A_424, %min3A_417 : vector<256x128xi32>
      %reshape3A_426 = vector.shape_cast %get3A_11 : vector<64xi32> to vector<1x64xi32>
      %broadcast_in_dim3A_427 = vector.shape_cast %reshape3A_426 : vector<1x64xi32> to vector<1x64xi32>
      %broadcast_in_dim3A_428 = vector.broadcast %broadcast_in_dim3A_427 : vector<1x64xi32> to vector<256x64xi32>
      %reshape3A_429 = vector.shape_cast %add3A_425 : vector<256x128xi32> to vector<256x128x1xi32>
      %gather3A_430 = vector.shape_cast %reshape3A_429 : vector<256x128x1xi32> to vector<256x128xi32>
      %gather3A_431 = tpu.dynamic_gather %broadcast_in_dim3A_428[%gather3A_430] in [1] : vector<256x64xi32>, vector<256x128xi32> -> vector<256x128xi32>
      %add3A_432 = arith.constant 8 : i32
      %add3A_433 = vector.broadcast %add3A_432 : i32 to vector<256x128xi32>
      %add3A_434 = arith.addi %add3A_425, %add3A_433 : vector<256x128xi32>
      %reshape3A_435 = vector.shape_cast %add3A_434 : vector<256x128xi32> to vector<256x128x1xi32>
      %gather3A_436 = vector.shape_cast %reshape3A_435 : vector<256x128x1xi32> to vector<256x128xi32>
      %gather3A_437 = tpu.dynamic_gather %broadcast_in_dim3A_428[%gather3A_436] in [1] : vector<256x64xi32>, vector<256x128xi32> -> vector<256x128xi32>
      %and3A_438 = arith.constant -65536 : i32
      %and3A_439 = vector.broadcast %and3A_438 : i32 to vector<256x128xi32>
      %and3A_440 = arith.andi %gather3A_431, %and3A_439 : vector<256x128xi32>
      %bitcast_convert_type3A_441 = tpu.bitcast %and3A_440 : vector<256x128xi32> -> vector<256x128xf32>
      %shift_left3A_442 = arith.constant 16 : i32
      %shift_left3A_443 = vector.broadcast %shift_left3A_442 : i32 to vector<256x128xi32>
      %shift_left3A_444 = arith.shli %gather3A_431, %shift_left3A_443 : vector<256x128xi32>
      %bitcast_convert_type3A_445 = tpu.bitcast %shift_left3A_444 : vector<256x128xi32> -> vector<256x128xf32>
      %and3A_446 = arith.constant -65536 : i32
      %and3A_447 = vector.broadcast %and3A_446 : i32 to vector<256x128xi32>
      %and3A_448 = arith.andi %gather3A_437, %and3A_447 : vector<256x128xi32>
      %bitcast_convert_type3A_449 = tpu.bitcast %and3A_448 : vector<256x128xi32> -> vector<256x128xf32>
      %shift_left3A_450 = arith.constant 16 : i32
      %shift_left3A_451 = vector.broadcast %shift_left3A_450 : i32 to vector<256x128xi32>
      %shift_left3A_452 = arith.shli %gather3A_437, %shift_left3A_451 : vector<256x128xi32>
      %bitcast_convert_type3A_453 = tpu.bitcast %shift_left3A_452 : vector<256x128xi32> -> vector<256x128xf32>
      %sub3A_454 = arith.constant 1.000000e+00 : f32
      %sub3A_455 = vector.broadcast %sub3A_454 : f32 to vector<256x128xf32>
      %sub3A_456 = arith.subf %sub3A_455, %sub3A_419 : vector<256x128xf32>
      %sub3A_457 = arith.constant 1.000000e+00 : f32
      %sub3A_458 = vector.broadcast %sub3A_457 : f32 to vector<256x128xf32>
      %sub3A_459 = arith.subf %sub3A_458, %sub3A_421 : vector<256x128xf32>
      %mul3A_460 = arith.mulf %sub3A_459, %bitcast_convert_type3A_441 : vector<256x128xf32>
      %mul3A_461 = arith.mulf %sub3A_421, %bitcast_convert_type3A_445 : vector<256x128xf32>
      %add3A_462 = arith.addf %mul3A_460, %mul3A_461 : vector<256x128xf32>
      %mul3A_463 = arith.mulf %sub3A_456, %add3A_462 : vector<256x128xf32>
      %sub3A_464 = arith.constant 1.000000e+00 : f32
      %sub3A_465 = vector.broadcast %sub3A_464 : f32 to vector<256x128xf32>
      %sub3A_466 = arith.subf %sub3A_465, %sub3A_421 : vector<256x128xf32>
      %mul3A_467 = arith.mulf %sub3A_466, %bitcast_convert_type3A_449 : vector<256x128xf32>
      %mul3A_468 = arith.mulf %sub3A_421, %bitcast_convert_type3A_453 : vector<256x128xf32>
      %add3A_469 = arith.addf %mul3A_467, %mul3A_468 : vector<256x128xf32>
      %mul3A_470 = arith.mulf %sub3A_419, %add3A_469 : vector<256x128xf32>
      %add3A_471 = arith.addf %mul3A_463, %mul3A_470 : vector<256x128xf32>
      %mul3A_472 = vector.broadcast %get3A_320 : vector<1x128xf32> to vector<256x128xf32>
      %mul3A_473 = arith.mulf %convert_element_type3A_333, %mul3A_472 : vector<256x128xf32>
      %mul3A_474 = arith.mulf %add3A_471, %mul3A_473 : vector<256x128xf32>
      %add3A_475 = arith.addf %while3A_139, %mul3A_474 : vector<256x128xf32>
      scf.yield %add3A_303, %add3A_475 : vector<256x128xf32>, vector<256x128xf32>
    }
    %while3A_129 = arith.constant 1 : i32
    %while3A_130:2 = scf.for %while3A_137 = %while3A_126 to %while3A_122 step %while3A_129 iter_args(%while3A_138 = %while3A_128#0, %while3A_139 = %while3A_128#1) -> (vector<256x128xf32>, vector<256x128xf32>)  : i32 {
      %mul3A_140 = arith.constant 2 : i32
      %mul3A_141 = arith.muli %mul3A_140, %while3A_137 : i32
      %add3A_142 = arith.addi %max3A_52, %mul3A_141 : i32
      %mul3A_143 = arith.constant 128 : i32
      %mul3A_144 = arith.muli %add3A_142, %mul3A_143 : i32
      %get3A_145 = arith.constant 0 : index
      %get3A_146 = arith.index_cast %mul3A_144 : i32 to index
      %get3A_147 = vector.load %arg11[%get3A_145, %get3A_146] : memref<1x2560xf32, #tpu.memory_space<vmem>>, vector<1x128xf32>
      %mul3A_148 = arith.constant 128 : i32
      %mul3A_149 = arith.muli %add3A_142, %mul3A_148 : i32
      %get3A_150 = arith.constant 0 : index
      %get3A_151 = arith.index_cast %mul3A_149 : i32 to index
      %get3A_152 = vector.load %arg12[%get3A_150, %get3A_151] : memref<1x2560xf32, #tpu.memory_space<vmem>>, vector<1x128xf32>
      %mul3A_153 = arith.constant 128 : i32
      %mul3A_154 = arith.muli %add3A_142, %mul3A_153 : i32
      %get3A_155 = arith.constant 0 : index
      %get3A_156 = arith.index_cast %mul3A_154 : i32 to index
      %get3A_157 = vector.load %arg13[%get3A_155, %get3A_156] : memref<1x2560xf32, #tpu.memory_space<vmem>>, vector<1x128xf32>
      %sub3A_158 = vector.broadcast %get3A_147 : vector<1x128xf32> to vector<256x128xf32>
      %sub3A_159 = vector.broadcast %get3A_1 : vector<256x1xf32> to vector<256x128xf32>
      %sub3A_160 = arith.subf %sub3A_158, %sub3A_159 : vector<256x128xf32>
      %sub3A_161 = vector.broadcast %get3A_152 : vector<1x128xf32> to vector<256x128xf32>
      %sub3A_162 = vector.broadcast %get3A_4 : vector<256x1xf32> to vector<256x128xf32>
      %sub3A_163 = arith.subf %sub3A_161, %sub3A_162 : vector<256x128xf32>
      %mul3A_164 = arith.mulf %sub3A_160, %sub3A_160 : vector<256x128xf32>
      %mul3A_165 = arith.mulf %sub3A_163, %sub3A_163 : vector<256x128xf32>
      %add3A_166 = arith.addf %mul3A_164, %mul3A_165 : vector<256x128xf32>
      %lt3A_167 = vector.broadcast %mul3A : f32 to vector<256x128xf32>
      %lt3A_168 = arith.cmpf olt, %add3A_166, %lt3A_167 : vector<256x128xf32>
      %convert_element_type3A_169 = arith.extui %lt3A_168 : vector<256x128xi1> to vector<256x128xi32>
      %convert_element_type3A_170 = arith.sitofp %convert_element_type3A_169 : vector<256x128xi32> to vector<256x128xf32>
      %sqrt3A = math.sqrt %add3A_166 : vector<256x128xf32>
      %mul3A_171 = arith.constant 2.000000e+00 : f32
      %mul3A_172 = arith.constant 3.500000e+00 : f32
      %mul3A_173 = arith.mulf %mul3A_171, %mul3A_172 : f32
      %mul3A_174 = arith.mulf %mul3A_173, %div3A_7 : f32
      %mul3A_175 = vector.broadcast %mul3A_174 : f32 to vector<256x128xf32>
      %mul3A_176 = arith.mulf %sqrt3A, %mul3A_175 : vector<256x128xf32>
      %min3A = arith.constant 7.000000e+00 : f32
      %min3A_177 = vector.broadcast %min3A : f32 to vector<256x128xf32>
      %min3A_178 = arith.minimumf %mul3A_176, %min3A_177 : vector<256x128xf32>
      %abs3A = math.absf %sub3A_160 : vector<256x128xf32>
      %abs3A_179 = math.absf %sub3A_163 : vector<256x128xf32>
      %max3A_180 = arith.maximumf %abs3A, %abs3A_179 : vector<256x128xf32>
      %min3A_181 = arith.minimumf %abs3A, %abs3A_179 : vector<256x128xf32>
      %max3A_182 = arith.constant 1.000000e-30 : f32
      %max3A_183 = vector.broadcast %max3A_182 : f32 to vector<256x128xf32>
      %max3A_184 = arith.maximumf %max3A_180, %max3A_183 : vector<256x128xf32>
      %div3A_185 = arith.divf %min3A_181, %max3A_184 : vector<256x128xf32>
      %mul3A_186 = arith.mulf %div3A_185, %div3A_185 : vector<256x128xf32>
      %mul3A_187 = arith.constant -0.0117191272 : f32
      %mul3A_188 = vector.broadcast %mul3A_187 : f32 to vector<256x128xf32>
      %mul3A_189 = arith.mulf %mul3A_188, %mul3A_186 : vector<256x128xf32>
      %add3A_190 = arith.constant 0.052647341 : f32
      %add3A_191 = vector.broadcast %add3A_190 : f32 to vector<256x128xf32>
      %add3A_192 = arith.addf %mul3A_189, %add3A_191 : vector<256x128xf32>
      %mul3A_193 = arith.mulf %add3A_192, %mul3A_186 : vector<256x128xf32>
      %add3A_194 = arith.constant -0.11642649 : f32
      %add3A_195 = vector.broadcast %add3A_194 : f32 to vector<256x128xf32>
      %add3A_196 = arith.addf %mul3A_193, %add3A_195 : vector<256x128xf32>
      %mul3A_197 = arith.mulf %add3A_196, %mul3A_186 : vector<256x128xf32>
      %add3A_198 = arith.constant 0.193540394 : f32
      %add3A_199 = vector.broadcast %add3A_198 : f32 to vector<256x128xf32>
      %add3A_200 = arith.addf %mul3A_197, %add3A_199 : vector<256x128xf32>
      %mul3A_201 = arith.mulf %add3A_200, %mul3A_186 : vector<256x128xf32>
      %add3A_202 = arith.constant -0.332622826 : f32
      %add3A_203 = vector.broadcast %add3A_202 : f32 to vector<256x128xf32>
      %add3A_204 = arith.addf %mul3A_201, %add3A_203 : vector<256x128xf32>
      %mul3A_205 = arith.mulf %add3A_204, %mul3A_186 : vector<256x128xf32>
      %add3A_206 = arith.constant 0.999977231 : f32
      %add3A_207 = vector.broadcast %add3A_206 : f32 to vector<256x128xf32>
      %add3A_208 = arith.addf %mul3A_205, %add3A_207 : vector<256x128xf32>
      %mul3A_209 = arith.mulf %add3A_208, %div3A_185 : vector<256x128xf32>
      %gt3A = arith.cmpf ogt, %abs3A_179, %abs3A : vector<256x128xf32>
      %sub3A_210 = arith.constant 1.57079637 : f32
      %sub3A_211 = vector.broadcast %sub3A_210 : f32 to vector<256x128xf32>
      %sub3A_212 = arith.subf %sub3A_211, %mul3A_209 : vector<256x128xf32>
      %select_n3A_213 = arith.select %gt3A, %sub3A_212, %mul3A_209 : vector<256x128xi1>, vector<256x128xf32>
      %lt3A_214 = arith.constant 0.000000e+00 : f32
      %lt3A_215 = vector.broadcast %lt3A_214 : f32 to vector<256x128xf32>
      %lt3A_216 = arith.cmpf olt, %sub3A_160, %lt3A_215 : vector<256x128xf32>
      %sub3A_217 = arith.constant 3.14159274 : f32
      %sub3A_218 = vector.broadcast %sub3A_217 : f32 to vector<256x128xf32>
      %sub3A_219 = arith.subf %sub3A_218, %select_n3A_213 : vector<256x128xf32>
      %select_n3A_220 = arith.select %lt3A_216, %sub3A_219, %select_n3A_213 : vector<256x128xi1>, vector<256x128xf32>
      %lt3A_221 = arith.constant 0.000000e+00 : f32
      %lt3A_222 = vector.broadcast %lt3A_221 : f32 to vector<256x128xf32>
      %lt3A_223 = arith.cmpf olt, %sub3A_163, %lt3A_222 : vector<256x128xf32>
      %neg3A = arith.constant 0.000000e+00 : f32
      %neg3A_224 = vector.broadcast %neg3A : f32 to vector<256x128xf32>
      %neg3A_225 = arith.subf %neg3A_224, %select_n3A_220 : vector<256x128xf32>
      %select_n3A_226 = arith.select %lt3A_223, %neg3A_225, %select_n3A_220 : vector<256x128xi1>, vector<256x128xf32>
      %mul3A_227 = arith.constant 0.318309873 : f32
      %mul3A_228 = vector.broadcast %mul3A_227 : f32 to vector<256x128xf32>
      %mul3A_229 = arith.mulf %select_n3A_226, %mul3A_228 : vector<256x128xf32>
      %add3A_230 = arith.constant 1.000000e+00 : f32
      %add3A_231 = vector.broadcast %add3A_230 : f32 to vector<256x128xf32>
      %add3A_232 = arith.addf %mul3A_229, %add3A_231 : vector<256x128xf32>
      %mul3A_233 = arith.constant 3.500000e+00 : f32
      %mul3A_234 = vector.broadcast %mul3A_233 : f32 to vector<256x128xf32>
      %mul3A_235 = arith.mulf %add3A_232, %mul3A_234 : vector<256x128xf32>
      %jit3A_236 = arith.constant 0.000000e+00 : f32
      %jit3A_237 = arith.constant 7.000000e+00 : f32
      %max3A_238 = vector.broadcast %jit3A_236 : f32 to vector<256x128xf32>
      %max3A_239 = arith.maximumf %max3A_238, %mul3A_235 : vector<256x128xf32>
      %min3A_240 = vector.broadcast %jit3A_237 : f32 to vector<256x128xf32>
      %min3A_241 = arith.minimumf %min3A_240, %max3A_239 : vector<256x128xf32>
      %convert_element_type3A_242 = arith.fptosi %min3A_178 : vector<256x128xf32> to vector<256x128xi32>
      %min3A_243 = arith.constant 6 : i32
      %min3A_244 = vector.broadcast %min3A_243 : i32 to vector<256x128xi32>
      %min3A_245 = arith.minsi %convert_element_type3A_242, %min3A_244 : vector<256x128xi32>
      %convert_element_type3A_246 = arith.fptosi %min3A_241 : vector<256x128xf32> to vector<256x128xi32>
      %min3A_247 = arith.constant 6 : i32
      %min3A_248 = vector.broadcast %min3A_247 : i32 to vector<256x128xi32>
      %min3A_249 = arith.minsi %convert_element_type3A_246, %min3A_248 : vector<256x128xi32>
      %convert_element_type3A_250 = arith.sitofp %min3A_245 : vector<256x128xi32> to vector<256x128xf32>
      %sub3A_251 = arith.subf %min3A_178, %convert_element_type3A_250 : vector<256x128xf32>
      %convert_element_type3A_252 = arith.sitofp %min3A_249 : vector<256x128xi32> to vector<256x128xf32>
      %sub3A_253 = arith.subf %min3A_241, %convert_element_type3A_252 : vector<256x128xf32>
      %mul3A_254 = arith.constant 8 : i32
      %mul3A_255 = vector.broadcast %mul3A_254 : i32 to vector<256x128xi32>
      %mul3A_256 = arith.muli %min3A_245, %mul3A_255 : vector<256x128xi32>
      %add3A_257 = arith.addi %mul3A_256, %min3A_249 : vector<256x128xi32>
      %reshape3A = vector.shape_cast %get3A_11 : vector<64xi32> to vector<1x64xi32>
      %broadcast_in_dim3A_258 = vector.shape_cast %reshape3A : vector<1x64xi32> to vector<1x64xi32>
      %broadcast_in_dim3A_259 = vector.broadcast %broadcast_in_dim3A_258 : vector<1x64xi32> to vector<256x64xi32>
      %reshape3A_260 = vector.shape_cast %add3A_257 : vector<256x128xi32> to vector<256x128x1xi32>
      %gather3A = vector.shape_cast %reshape3A_260 : vector<256x128x1xi32> to vector<256x128xi32>
      %gather3A_261 = tpu.dynamic_gather %broadcast_in_dim3A_259[%gather3A] in [1] : vector<256x64xi32>, vector<256x128xi32> -> vector<256x128xi32>
      %add3A_262 = arith.constant 8 : i32
      %add3A_263 = vector.broadcast %add3A_262 : i32 to vector<256x128xi32>
      %add3A_264 = arith.addi %add3A_257, %add3A_263 : vector<256x128xi32>
      %reshape3A_265 = vector.shape_cast %add3A_264 : vector<256x128xi32> to vector<256x128x1xi32>
      %gather3A_266 = vector.shape_cast %reshape3A_265 : vector<256x128x1xi32> to vector<256x128xi32>
      %gather3A_267 = tpu.dynamic_gather %broadcast_in_dim3A_259[%gather3A_266] in [1] : vector<256x64xi32>, vector<256x128xi32> -> vector<256x128xi32>
      %and3A_268 = arith.constant -65536 : i32
      %and3A_269 = vector.broadcast %and3A_268 : i32 to vector<256x128xi32>
      %and3A_270 = arith.andi %gather3A_261, %and3A_269 : vector<256x128xi32>
      %bitcast_convert_type3A = tpu.bitcast %and3A_270 : vector<256x128xi32> -> vector<256x128xf32>
      %shift_left3A = arith.constant 16 : i32
      %shift_left3A_271 = vector.broadcast %shift_left3A : i32 to vector<256x128xi32>
      %shift_left3A_272 = arith.shli %gather3A_261, %shift_left3A_271 : vector<256x128xi32>
      %bitcast_convert_type3A_273 = tpu.bitcast %shift_left3A_272 : vector<256x128xi32> -> vector<256x128xf32>
      %and3A_274 = arith.constant -65536 : i32
      %and3A_275 = vector.broadcast %and3A_274 : i32 to vector<256x128xi32>
      %and3A_276 = arith.andi %gather3A_267, %and3A_275 : vector<256x128xi32>
      %bitcast_convert_type3A_277 = tpu.bitcast %and3A_276 : vector<256x128xi32> -> vector<256x128xf32>
      %shift_left3A_278 = arith.constant 16 : i32
      %shift_left3A_279 = vector.broadcast %shift_left3A_278 : i32 to vector<256x128xi32>
      %shift_left3A_280 = arith.shli %gather3A_267, %shift_left3A_279 : vector<256x128xi32>
      %bitcast_convert_type3A_281 = tpu.bitcast %shift_left3A_280 : vector<256x128xi32> -> vector<256x128xf32>
      %sub3A_282 = arith.constant 1.000000e+00 : f32
      %sub3A_283 = vector.broadcast %sub3A_282 : f32 to vector<256x128xf32>
      %sub3A_284 = arith.subf %sub3A_283, %sub3A_251 : vector<256x128xf32>
      %sub3A_285 = arith.constant 1.000000e+00 : f32
      %sub3A_286 = vector.broadcast %sub3A_285 : f32 to vector<256x128xf32>
      %sub3A_287 = arith.subf %sub3A_286, %sub3A_253 : vector<256x128xf32>
      %mul3A_288 = arith.mulf %sub3A_287, %bitcast_convert_type3A : vector<256x128xf32>
      %mul3A_289 = arith.mulf %sub3A_253, %bitcast_convert_type3A_273 : vector<256x128xf32>
      %add3A_290 = arith.addf %mul3A_288, %mul3A_289 : vector<256x128xf32>
      %mul3A_291 = arith.mulf %sub3A_284, %add3A_290 : vector<256x128xf32>
      %sub3A_292 = arith.constant 1.000000e+00 : f32
      %sub3A_293 = vector.broadcast %sub3A_292 : f32 to vector<256x128xf32>
      %sub3A_294 = arith.subf %sub3A_293, %sub3A_253 : vector<256x128xf32>
      %mul3A_295 = arith.mulf %sub3A_294, %bitcast_convert_type3A_277 : vector<256x128xf32>
      %mul3A_296 = arith.mulf %sub3A_253, %bitcast_convert_type3A_281 : vector<256x128xf32>
      %add3A_297 = arith.addf %mul3A_295, %mul3A_296 : vector<256x128xf32>
      %mul3A_298 = arith.mulf %sub3A_251, %add3A_297 : vector<256x128xf32>
      %add3A_299 = arith.addf %mul3A_291, %mul3A_298 : vector<256x128xf32>
      %mul3A_300 = vector.broadcast %get3A_157 : vector<1x128xf32> to vector<256x128xf32>
      %mul3A_301 = arith.mulf %convert_element_type3A_170, %mul3A_300 : vector<256x128xf32>
      %mul3A_302 = arith.mulf %add3A_299, %mul3A_301 : vector<256x128xf32>
      %add3A_303 = arith.addf %while3A_138, %mul3A_302 : vector<256x128xf32>
      %add3A_304 = arith.constant 1 : i32
      %add3A_305 = arith.addi %add3A_142, %add3A_304 : i32
      %mul3A_306 = arith.constant 128 : i32
      %mul3A_307 = arith.muli %add3A_305, %mul3A_306 : i32
      %get3A_308 = arith.constant 0 : index
      %get3A_309 = arith.index_cast %mul3A_307 : i32 to index
      %get3A_310 = vector.load %arg11[%get3A_308, %get3A_309] : memref<1x2560xf32, #tpu.memory_space<vmem>>, vector<1x128xf32>
      %mul3A_311 = arith.constant 128 : i32
      %mul3A_312 = arith.muli %add3A_305, %mul3A_311 : i32
      %get3A_313 = arith.constant 0 : index
      %get3A_314 = arith.index_cast %mul3A_312 : i32 to index
      %get3A_315 = vector.load %arg12[%get3A_313, %get3A_314] : memref<1x2560xf32, #tpu.memory_space<vmem>>, vector<1x128xf32>
      %mul3A_316 = arith.constant 128 : i32
      %mul3A_317 = arith.muli %add3A_305, %mul3A_316 : i32
      %get3A_318 = arith.constant 0 : index
      %get3A_319 = arith.index_cast %mul3A_317 : i32 to index
      %get3A_320 = vector.load %arg13[%get3A_318, %get3A_319] : memref<1x2560xf32, #tpu.memory_space<vmem>>, vector<1x128xf32>
      %sub3A_321 = vector.broadcast %get3A_310 : vector<1x128xf32> to vector<256x128xf32>
      %sub3A_322 = vector.broadcast %get3A_1 : vector<256x1xf32> to vector<256x128xf32>
      %sub3A_323 = arith.subf %sub3A_321, %sub3A_322 : vector<256x128xf32>
      %sub3A_324 = vector.broadcast %get3A_315 : vector<1x128xf32> to vector<256x128xf32>
      %sub3A_325 = vector.broadcast %get3A_4 : vector<256x1xf32> to vector<256x128xf32>
      %sub3A_326 = arith.subf %sub3A_324, %sub3A_325 : vector<256x128xf32>
      %mul3A_327 = arith.mulf %sub3A_323, %sub3A_323 : vector<256x128xf32>
      %mul3A_328 = arith.mulf %sub3A_326, %sub3A_326 : vector<256x128xf32>
      %add3A_329 = arith.addf %mul3A_327, %mul3A_328 : vector<256x128xf32>
      %lt3A_330 = vector.broadcast %mul3A : f32 to vector<256x128xf32>
      %lt3A_331 = arith.cmpf olt, %add3A_329, %lt3A_330 : vector<256x128xf32>
      %convert_element_type3A_332 = arith.extui %lt3A_331 : vector<256x128xi1> to vector<256x128xi32>
      %convert_element_type3A_333 = arith.sitofp %convert_element_type3A_332 : vector<256x128xi32> to vector<256x128xf32>
      %sqrt3A_334 = math.sqrt %add3A_329 : vector<256x128xf32>
      %mul3A_335 = arith.constant 2.000000e+00 : f32
      %mul3A_336 = arith.constant 3.500000e+00 : f32
      %mul3A_337 = arith.mulf %mul3A_335, %mul3A_336 : f32
      %mul3A_338 = arith.mulf %mul3A_337, %div3A_7 : f32
      %mul3A_339 = vector.broadcast %mul3A_338 : f32 to vector<256x128xf32>
      %mul3A_340 = arith.mulf %sqrt3A_334, %mul3A_339 : vector<256x128xf32>
      %min3A_341 = arith.constant 7.000000e+00 : f32
      %min3A_342 = vector.broadcast %min3A_341 : f32 to vector<256x128xf32>
      %min3A_343 = arith.minimumf %mul3A_340, %min3A_342 : vector<256x128xf32>
      %abs3A_344 = math.absf %sub3A_323 : vector<256x128xf32>
      %abs3A_345 = math.absf %sub3A_326 : vector<256x128xf32>
      %max3A_346 = arith.maximumf %abs3A_344, %abs3A_345 : vector<256x128xf32>
      %min3A_347 = arith.minimumf %abs3A_344, %abs3A_345 : vector<256x128xf32>
      %max3A_348 = arith.constant 1.000000e-30 : f32
      %max3A_349 = vector.broadcast %max3A_348 : f32 to vector<256x128xf32>
      %max3A_350 = arith.maximumf %max3A_346, %max3A_349 : vector<256x128xf32>
      %div3A_351 = arith.divf %min3A_347, %max3A_350 : vector<256x128xf32>
      %mul3A_352 = arith.mulf %div3A_351, %div3A_351 : vector<256x128xf32>
      %mul3A_353 = arith.constant -0.0117191272 : f32
      %mul3A_354 = vector.broadcast %mul3A_353 : f32 to vector<256x128xf32>
      %mul3A_355 = arith.mulf %mul3A_354, %mul3A_352 : vector<256x128xf32>
      %add3A_356 = arith.constant 0.052647341 : f32
      %add3A_357 = vector.broadcast %add3A_356 : f32 to vector<256x128xf32>
      %add3A_358 = arith.addf %mul3A_355, %add3A_357 : vector<256x128xf32>
      %mul3A_359 = arith.mulf %add3A_358, %mul3A_352 : vector<256x128xf32>
      %add3A_360 = arith.constant -0.11642649 : f32
      %add3A_361 = vector.broadcast %add3A_360 : f32 to vector<256x128xf32>
      %add3A_362 = arith.addf %mul3A_359, %add3A_361 : vector<256x128xf32>
      %mul3A_363 = arith.mulf %add3A_362, %mul3A_352 : vector<256x128xf32>
      %add3A_364 = arith.constant 0.193540394 : f32
      %add3A_365 = vector.broadcast %add3A_364 : f32 to vector<256x128xf32>
      %add3A_366 = arith.addf %mul3A_363, %add3A_365 : vector<256x128xf32>
      %mul3A_367 = arith.mulf %add3A_366, %mul3A_352 : vector<256x128xf32>
      %add3A_368 = arith.constant -0.332622826 : f32
      %add3A_369 = vector.broadcast %add3A_368 : f32 to vector<256x128xf32>
      %add3A_370 = arith.addf %mul3A_367, %add3A_369 : vector<256x128xf32>
      %mul3A_371 = arith.mulf %add3A_370, %mul3A_352 : vector<256x128xf32>
      %add3A_372 = arith.constant 0.999977231 : f32
      %add3A_373 = vector.broadcast %add3A_372 : f32 to vector<256x128xf32>
      %add3A_374 = arith.addf %mul3A_371, %add3A_373 : vector<256x128xf32>
      %mul3A_375 = arith.mulf %add3A_374, %div3A_351 : vector<256x128xf32>
      %gt3A_376 = arith.cmpf ogt, %abs3A_345, %abs3A_344 : vector<256x128xf32>
      %sub3A_377 = arith.constant 1.57079637 : f32
      %sub3A_378 = vector.broadcast %sub3A_377 : f32 to vector<256x128xf32>
      %sub3A_379 = arith.subf %sub3A_378, %mul3A_375 : vector<256x128xf32>
      %select_n3A_380 = arith.select %gt3A_376, %sub3A_379, %mul3A_375 : vector<256x128xi1>, vector<256x128xf32>
      %lt3A_381 = arith.constant 0.000000e+00 : f32
      %lt3A_382 = vector.broadcast %lt3A_381 : f32 to vector<256x128xf32>
      %lt3A_383 = arith.cmpf olt, %sub3A_323, %lt3A_382 : vector<256x128xf32>
      %sub3A_384 = arith.constant 3.14159274 : f32
      %sub3A_385 = vector.broadcast %sub3A_384 : f32 to vector<256x128xf32>
      %sub3A_386 = arith.subf %sub3A_385, %select_n3A_380 : vector<256x128xf32>
      %select_n3A_387 = arith.select %lt3A_383, %sub3A_386, %select_n3A_380 : vector<256x128xi1>, vector<256x128xf32>
      %lt3A_388 = arith.constant 0.000000e+00 : f32
      %lt3A_389 = vector.broadcast %lt3A_388 : f32 to vector<256x128xf32>
      %lt3A_390 = arith.cmpf olt, %sub3A_326, %lt3A_389 : vector<256x128xf32>
      %neg3A_391 = arith.constant 0.000000e+00 : f32
      %neg3A_392 = vector.broadcast %neg3A_391 : f32 to vector<256x128xf32>
      %neg3A_393 = arith.subf %neg3A_392, %select_n3A_387 : vector<256x128xf32>
      %select_n3A_394 = arith.select %lt3A_390, %neg3A_393, %select_n3A_387 : vector<256x128xi1>, vector<256x128xf32>
      %mul3A_395 = arith.constant 0.318309873 : f32
      %mul3A_396 = vector.broadcast %mul3A_395 : f32 to vector<256x128xf32>
      %mul3A_397 = arith.mulf %select_n3A_394, %mul3A_396 : vector<256x128xf32>
      %add3A_398 = arith.constant 1.000000e+00 : f32
      %add3A_399 = vector.broadcast %add3A_398 : f32 to vector<256x128xf32>
      %add3A_400 = arith.addf %mul3A_397, %add3A_399 : vector<256x128xf32>
      %mul3A_401 = arith.constant 3.500000e+00 : f32
      %mul3A_402 = vector.broadcast %mul3A_401 : f32 to vector<256x128xf32>
      %mul3A_403 = arith.mulf %add3A_400, %mul3A_402 : vector<256x128xf32>
      %jit3A_404 = arith.constant 0.000000e+00 : f32
      %jit3A_405 = arith.constant 7.000000e+00 : f32
      %max3A_406 = vector.broadcast %jit3A_404 : f32 to vector<256x128xf32>
      %max3A_407 = arith.maximumf %max3A_406, %mul3A_403 : vector<256x128xf32>
      %min3A_408 = vector.broadcast %jit3A_405 : f32 to vector<256x128xf32>
      %min3A_409 = arith.minimumf %min3A_408, %max3A_407 : vector<256x128xf32>
      %convert_element_type3A_410 = arith.fptosi %min3A_343 : vector<256x128xf32> to vector<256x128xi32>
      %min3A_411 = arith.constant 6 : i32
      %min3A_412 = vector.broadcast %min3A_411 : i32 to vector<256x128xi32>
      %min3A_413 = arith.minsi %convert_element_type3A_410, %min3A_412 : vector<256x128xi32>
      %convert_element_type3A_414 = arith.fptosi %min3A_409 : vector<256x128xf32> to vector<256x128xi32>
      %min3A_415 = arith.constant 6 : i32
      %min3A_416 = vector.broadcast %min3A_415 : i32 to vector<256x128xi32>
      %min3A_417 = arith.minsi %convert_element_type3A_414, %min3A_416 : vector<256x128xi32>
      %convert_element_type3A_418 = arith.sitofp %min3A_413 : vector<256x128xi32> to vector<256x128xf32>
      %sub3A_419 = arith.subf %min3A_343, %convert_element_type3A_418 : vector<256x128xf32>
      %convert_element_type3A_420 = arith.sitofp %min3A_417 : vector<256x128xi32> to vector<256x128xf32>
      %sub3A_421 = arith.subf %min3A_409, %convert_element_type3A_420 : vector<256x128xf32>
      %mul3A_422 = arith.constant 8 : i32
      %mul3A_423 = vector.broadcast %mul3A_422 : i32 to vector<256x128xi32>
      %mul3A_424 = arith.muli %min3A_413, %mul3A_423 : vector<256x128xi32>
      %add3A_425 = arith.addi %mul3A_424, %min3A_417 : vector<256x128xi32>
      %reshape3A_426 = vector.shape_cast %get3A_11 : vector<64xi32> to vector<1x64xi32>
      %broadcast_in_dim3A_427 = vector.shape_cast %reshape3A_426 : vector<1x64xi32> to vector<1x64xi32>
      %broadcast_in_dim3A_428 = vector.broadcast %broadcast_in_dim3A_427 : vector<1x64xi32> to vector<256x64xi32>
      %reshape3A_429 = vector.shape_cast %add3A_425 : vector<256x128xi32> to vector<256x128x1xi32>
      %gather3A_430 = vector.shape_cast %reshape3A_429 : vector<256x128x1xi32> to vector<256x128xi32>
      %gather3A_431 = tpu.dynamic_gather %broadcast_in_dim3A_428[%gather3A_430] in [1] : vector<256x64xi32>, vector<256x128xi32> -> vector<256x128xi32>
      %add3A_432 = arith.constant 8 : i32
      %add3A_433 = vector.broadcast %add3A_432 : i32 to vector<256x128xi32>
      %add3A_434 = arith.addi %add3A_425, %add3A_433 : vector<256x128xi32>
      %reshape3A_435 = vector.shape_cast %add3A_434 : vector<256x128xi32> to vector<256x128x1xi32>
      %gather3A_436 = vector.shape_cast %reshape3A_435 : vector<256x128x1xi32> to vector<256x128xi32>
      %gather3A_437 = tpu.dynamic_gather %broadcast_in_dim3A_428[%gather3A_436] in [1] : vector<256x64xi32>, vector<256x128xi32> -> vector<256x128xi32>
      %and3A_438 = arith.constant -65536 : i32
      %and3A_439 = vector.broadcast %and3A_438 : i32 to vector<256x128xi32>
      %and3A_440 = arith.andi %gather3A_431, %and3A_439 : vector<256x128xi32>
      %bitcast_convert_type3A_441 = tpu.bitcast %and3A_440 : vector<256x128xi32> -> vector<256x128xf32>
      %shift_left3A_442 = arith.constant 16 : i32
      %shift_left3A_443 = vector.broadcast %shift_left3A_442 : i32 to vector<256x128xi32>
      %shift_left3A_444 = arith.shli %gather3A_431, %shift_left3A_443 : vector<256x128xi32>
      %bitcast_convert_type3A_445 = tpu.bitcast %shift_left3A_444 : vector<256x128xi32> -> vector<256x128xf32>
      %and3A_446 = arith.constant -65536 : i32
      %and3A_447 = vector.broadcast %and3A_446 : i32 to vector<256x128xi32>
      %and3A_448 = arith.andi %gather3A_437, %and3A_447 : vector<256x128xi32>
      %bitcast_convert_type3A_449 = tpu.bitcast %and3A_448 : vector<256x128xi32> -> vector<256x128xf32>
      %shift_left3A_450 = arith.constant 16 : i32
      %shift_left3A_451 = vector.broadcast %shift_left3A_450 : i32 to vector<256x128xi32>
      %shift_left3A_452 = arith.shli %gather3A_437, %shift_left3A_451 : vector<256x128xi32>
      %bitcast_convert_type3A_453 = tpu.bitcast %shift_left3A_452 : vector<256x128xi32> -> vector<256x128xf32>
      %sub3A_454 = arith.constant 1.000000e+00 : f32
      %sub3A_455 = vector.broadcast %sub3A_454 : f32 to vector<256x128xf32>
      %sub3A_456 = arith.subf %sub3A_455, %sub3A_419 : vector<256x128xf32>
      %sub3A_457 = arith.constant 1.000000e+00 : f32
      %sub3A_458 = vector.broadcast %sub3A_457 : f32 to vector<256x128xf32>
      %sub3A_459 = arith.subf %sub3A_458, %sub3A_421 : vector<256x128xf32>
      %mul3A_460 = arith.mulf %sub3A_459, %bitcast_convert_type3A_441 : vector<256x128xf32>
      %mul3A_461 = arith.mulf %sub3A_421, %bitcast_convert_type3A_445 : vector<256x128xf32>
      %add3A_462 = arith.addf %mul3A_460, %mul3A_461 : vector<256x128xf32>
      %mul3A_463 = arith.mulf %sub3A_456, %add3A_462 : vector<256x128xf32>
      %sub3A_464 = arith.constant 1.000000e+00 : f32
      %sub3A_465 = vector.broadcast %sub3A_464 : f32 to vector<256x128xf32>
      %sub3A_466 = arith.subf %sub3A_465, %sub3A_421 : vector<256x128xf32>
      %mul3A_467 = arith.mulf %sub3A_466, %bitcast_convert_type3A_449 : vector<256x128xf32>
      %mul3A_468 = arith.mulf %sub3A_421, %bitcast_convert_type3A_453 : vector<256x128xf32>
      %add3A_469 = arith.addf %mul3A_467, %mul3A_468 : vector<256x128xf32>
      %mul3A_470 = arith.mulf %sub3A_419, %add3A_469 : vector<256x128xf32>
      %add3A_471 = arith.addf %mul3A_463, %mul3A_470 : vector<256x128xf32>
      %mul3A_472 = vector.broadcast %get3A_320 : vector<1x128xf32> to vector<256x128xf32>
      %mul3A_473 = arith.mulf %convert_element_type3A_333, %mul3A_472 : vector<256x128xf32>
      %mul3A_474 = arith.mulf %add3A_471, %mul3A_473 : vector<256x128xf32>
      %add3A_475 = arith.addf %while3A_139, %mul3A_474 : vector<256x128xf32>
      scf.yield %add3A_303, %add3A_475 : vector<256x128xf32>, vector<256x128xf32>
    }
    %add3A_131 = arith.addf %while3A_130#0, %while3A_130#1 : vector<256x128xf32>
    %reduce_sum3A_132 = arith.constant dense<0.000000e+00> : vector<256xf32>
    %reduce_sum3A_133 = vector.multi_reduction <add>, %add3A_131, %reduce_sum3A_132 [1] : vector<256x128xf32> to vector<256xf32>
    %broadcast_in_dim3A_134 = vector.shape_cast %reduce_sum3A_133 : vector<256xf32> to vector<256x1xf32>
    %swap3A = arith.constant 0 : index
    %swap3A_135 = arith.constant 0 : index
    %swap3A_136 = vector.load %arg14[%swap3A, %swap3A_135] : memref<256x1xf32, #tpu.memory_space<vmem>>, vector<256x1xf32>
    tpu.vector_store %arg14[%swap3A, %swap3A_135], %broadcast_in_dim3A_134 {strides = array<i32>} : memref<256x1xf32, #tpu.memory_space<vmem>>, vector<256x1xf32>,
    return
  }
  func.func @transform_0(%arg0: i32) -> i32 {
    %c0_i32 = arith.constant 0 : i32
    %c0_i32_0 = arith.constant 0 : i32
    return %c0_i32 : i32
  }
  func.func @transform_1(%arg0: i32) -> i32 {
    %c0_i32 = arith.constant 0 : i32
    %c0_i32_0 = arith.constant 0 : i32
    return %c0_i32 : i32
  }
  func.func @transform_2(%arg0: i32) -> i32 {
    %c0_i32 = arith.constant 0 : i32
    %c0_i32_0 = arith.constant 0 : i32
    return %c0_i32 : i32
  }
  func.func @transform_3(%arg0: i32) -> (i32, i32) {
    %c0_i32 = arith.constant 0 : i32
    %c0_i32_0 = arith.constant 0 : i32
    return %arg0, %c0_i32 : i32, i32
  }
  func.func @transform_4(%arg0: i32) -> (i32, i32) {
    %c0_i32 = arith.constant 0 : i32
    %c0_i32_0 = arith.constant 0 : i32
    return %arg0, %c0_i32 : i32, i32
  }
  func.func @transform_5(%arg0: i32) -> (i32, i32) {
    %c0_i32 = arith.constant 0 : i32
    %c0_i32_0 = arith.constant 0 : i32
    %c0_i32_1 = arith.constant 0 : i32
    return %c0_i32, %c0_i32_0 : i32, i32
  }
  func.func @transform_6(%arg0: i32) -> (i32, i32) {
    %c0_i32 = arith.constant 0 : i32
    %c0_i32_0 = arith.constant 0 : i32
    %c0_i32_1 = arith.constant 0 : i32
    return %c0_i32, %c0_i32_0 : i32, i32
  }
  func.func @transform_7(%arg0: i32) -> (i32, i32) {
    %c0_i32 = arith.constant 0 : i32
    %c0_i32_0 = arith.constant 0 : i32
    %c0_i32_1 = arith.constant 0 : i32
    return %c0_i32, %c0_i32_0 : i32, i32
  }
  func.func @transform_8(%arg0: i32) -> (i32, i32) {
    %c0_i32 = arith.constant 0 : i32
    %c0_i32_0 = arith.constant 0 : i32
    %c0_i32_1 = arith.constant 0 : i32
    return %c0_i32, %c0_i32_0 : i32, i32
  }
  func.func @transform_9(%arg0: i32) -> (i32, i32) {
    %c0_i32 = arith.constant 0 : i32
    %c0_i32_0 = arith.constant 0 : i32
    %c0_i32_1 = arith.constant 0 : i32
    return %c0_i32, %c0_i32_0 : i32, i32
  }
  func.func @transform_10(%arg0: i32) -> (i32, i32) {
    %c0_i32 = arith.constant 0 : i32
    %c0_i32_0 = arith.constant 0 : i32
    %c0_i32_1 = arith.constant 0 : i32
    return %c0_i32, %c0_i32_0 : i32, i32
  }
  func.func @transform_11(%arg0: i32) -> (i32, i32) {
    %c0_i32 = arith.constant 0 : i32
    %c0_i32_0 = arith.constant 0 : i32
    %c0_i32_1 = arith.constant 0 : i32
    return %c0_i32, %c0_i32_0 : i32, i32
  }
  func.func @transform_12(%arg0: i32) -> (i32, i32) {
    %c0_i32 = arith.constant 0 : i32
    %c0_i32_0 = arith.constant 0 : i32
    %c0_i32_1 = arith.constant 0 : i32
    return %c0_i32, %c0_i32_0 : i32, i32
  }
  func.func @transform_13(%arg0: i32) -> (i32, i32) {
    %c0_i32 = arith.constant 0 : i32
    %c0_i32_0 = arith.constant 0 : i32
    return %arg0, %c0_i32 : i32, i32
  }
}

</mosaic_0001>

<sc_bundles>
// kernel: kernel.4.cloned.1.call-start
scs
__scs_entry_jumppad:
0x0: {  	(pc) =	sbr.rel $0x88, $3  }
0x1: {  	(tag) =	ssettag $0x0;
	lr =	simm.s32 $0x1  }
0x2: {  	[smem:$0x3F9A] =	sst lr;
	_ =	strace $0xD0000000  }
0x3: {  	_ = 	snop  }
0x4: {  	_ = 	snop  }
0x5: {  	_ = 	snop  }
0x6: {  	_ = 	snop  }
0x7: {  	_ = 	snop  }
__scs_overlays_trampoline_lowered:
0x8: {  	[smem:$0x3FA9] =	sst s0  }
0x9: {  	[smem:$0x3FAA] =	sst s1  }
0xa: {  	[smem:$0x3FAB] =	sst s2  }
0xb: {  	[smem:$0x3FAC] =	sst s3  }
0xc: {  	[smem:$0x3FAD] =	sst s4  }
0xd: {  	[smem:$0x3FAE] =	sst s5  }
0xe: {  	[smem:$0x3FAF] =	sst s6  }
0xf: {  	[smem:$0x3FB0] =	sst s7  }
0x10: {  	[smem:$0x3FB1] =	sst s8  }
0x11: {  	[smem:$0x3FB2] =	sst s9;
	s0 =	simm.s32 @!p0 $0x0  }
0x12: {  	s1 =	sld [smem:$0x3F98];
	s0 =	simm.s32 @p0 $0x1  }
0x13: {  	[smem:$0x3FB3] =	sst s0;
	s0 =	simm.s32 @!p1 $0x0  }
0x14: {  	s2 =	sld [smem:$0x3F97];
	s0 =	simm.s32 @p1 $0x1  }
0x15: {  	[smem:$0x3FB4] =	sst s0;
	s0 =	simm.s32 @!p2 $0x0  }
0x16: {  	s3 =	sld [smem:$0x3FDB];
	s0 =	simm.s32 @p2 $0x1  }
0x17: {  	s4 =	simm.s32 $0x1BF5;
	[smem:$0x3FB6] =	sst s0  }
0x18: {  	s0 =	sld [smem:$0x3F99];
	_ =	swait.ge [sflag:s4], $0x0  }
0x19: {  	s7 =	sld [smem:$0x3F9A]  }
0x1a: {  	s8 =	sadd.s32 $0xFFFFE003, lr  }
0x1b: {  	s9 =	sadd.s32 $0xFFFFFEF7, lr;
	s5 =	simm.s32 $0xFFFFFFFF;
	p2 =	slt.u32 s8, $0xFFFFF086  }
0x1c: {  	p1 =	slt.u32 s9, $0xF7A;
	s5 =	simm.s32 @!p2 $0x0  }
0x1d: {  	s5 =	simm.s32 @p1 $0x1;
	p0 =	seq.s32 s7, s2  }
0x1e: {  	s7 =	smul.u32 @!p0 $0xF7A, s2;
	p2 =	seq.s32 @!p0 s5, $0x0  }
0x1f: {  	s9 =	smul.u32 $0xF7A, s1;
	s8 =	simm.s32 @!p0 $0x1BF5;
	p2 =	por !p2, p0  }
0x20: {  	[sflag:s8] =	ssyncset.s32 @!p0 $0xFFFFF086;
	s6 =	sadd.s32 @!p0 s3, s7;
	s7 =	simm.s32 @!p0 $0x108  }
0x21: {  	s3 =	sadd.s32 s3, s9;
	s6 =	sadd.s32 @!p0 $0x88, s6;
	s7 =	simm.s32 @p2 $0x1082  }
0x22: {  	[simem:s7], [sflag:s8] =	dma.local @!p0 [hbm:s6], $0xF7A  }
0x23: {  	s9 =	sor.u32 $0xD0000000, s2;
	s6 =	simm.s32 $0x108;
	_ =	swait.ge @!p0 [sflag:s8], $0x0  }
0x24: {  	s3 =	sadd.s32 $0x88, s3;
	s6 =	simm.s32 @!p1 $0x1082;
	[sflag:s4] =	ssyncset.s32 $0xFFFFF086  }
0x25: {  	[simem:s6], [sflag:s4] =	dma.local [hbm:s3], $0xF7A  }
0x26: {  	[smem:$0x3F9A] =	sst s1;
	(tag) =	ssettag s2;
	_ =	strace s9  }
0x27: {  	s1 =	sld [smem:$0x3FAA]  }
0x28: {  	s2 =	sld [smem:$0x3FAB]  }
0x29: {  	s4 =	sld [smem:$0x3FAD]  }
0x2a: {  	p0 =	seq.s32 s5, $0x0;
	s5 =	sld [smem:$0x3FAE]  }
0x2b: {  	s6 =	sld [smem:$0x3FAF]  }
0x2c: {  	s7 =	sld [smem:$0x3FB0]  }
0x2d: {  	s3 =	simm.s32 $0x108;
	s8 =	sld [smem:$0x3FB1]  }
0x2e: {  	s3 =	simm.s32 @!p0 $0x1082;
	s9 =	sld [smem:$0x3FB2]  }
0x2f: {  	lr =	sadd.s32 s0, s3;
	s0 =	sld [smem:$0x3FA9]  }
0x30: {  	s3 =	sld [smem:$0x3FAC]  }
0x31: {  	[smem:$0x3FB5] =	sst s10  }
0x32: {  	s10 =	sld [smem:$0x3FB3];
	_ =	sdelay $0x3  }
0x33: {  	p0 =	seq.s32 s10, $0x1;
	s10 =	sld [smem:$0x3FB5];
	_ =	sdelay $0x3  }
0x34: {  	[smem:$0x3FB5] =	sst s10  }
0x35: {  	s10 =	sld [smem:$0x3FB4];
	_ =	sdelay $0x3  }
0x36: {  	p1 =	seq.s32 s10, $0x1;
	s10 =	sld [smem:$0x3FB5];
	_ =	sdelay $0x3  }
0x37: {  	[smem:$0x3FB5] =	sst s10  }
0x38: {  	s10 =	sld [smem:$0x3FB6]  }
0x39: {  	_ = 	snop;
	(pc) =	sbr.ind lr, $3  }
0x3a: {  	_ = 	snop  }
0x3b: {  	_ = 	snop  }
0x3c: {  	p2 =	seq.s32 s10, $0x1;
	s10 =	sld [smem:$0x3FB5]  }
0x3d: {  	_ =	shalt  }
0x3e: {  	_ =	shalt  }
0x3f: {  	_ =	shalt  }
0x40: {  	_ =	shalt  }
0x41: {  	_ =	shalt  }
0x42: {  	_ =	shalt  }
0x43: {  	_ =	shalt  }
0x44: {  	_ =	shalt  }
0x45: {  	_ =	shalt  }
0x46: {  	_ =	shalt  }
0x47: {  	_ =	shalt  }
0x48: {  	_ =	shalt  }
0x49: {  	_ =	shalt  }
0x4a: {  	_ =	shalt  }
0x4b: {  	_ =	shalt  }
0x4c: {  	_ =	shalt  }
0x4d: {  	_ =	shalt  }
0x4e: {  	_ =	shalt  }
0x4f: {  	_ =	shalt  }
0x50: {  	_ =	shalt  }
0x51: {  	_ =	shalt  }
0x52: {  	_ =	shalt  }
0x53: {  	_ =	shalt  }
0x54: {  	_ =	shalt  }
0x55: {  	_ =	shalt  }
0x56: {  	_ =	shalt  }
0x57: {  	_ =	shalt  }
0x58: {  	_ =	shalt  }
0x59: {  	_ =	shalt  }
0x5a: {  	_ =	shalt  }
0x5b: {  	_ =	shalt  }
0x5c: {  	_ =	shalt  }
0x5d: {  	_ =	shalt  }
0x5e: {  	_ =	shalt  }
0x5f: {  	_ =	shalt  }
0x60: {  	_ =	shalt  }
0x61: {  	_ =	shalt  }
0x62: {  	_ =	shalt  }
0x63: {  	_ =	shalt  }
0x64: {  	_ =	shalt  }
0x65: {  	_ =	shalt  }
0x66: {  	_ =	shalt  }
0x67: {  	_ =	shalt  }
0x68: {  	_ =	shalt  }
0x69: {  	_ =	shalt  }
0x6a: {  	_ =	shalt  }
0x6b: {  	_ =	shalt  }
0x6c: {  	_ =	shalt  }
0x6d: {  	_ =	shalt  }
0x6e: {  	_ =	shalt  }
0x6f: {  	_ =	shalt  }
0x70: {  	_ =	shalt  }
0x71: {  	_ =	shalt  }
0x72: {  	_ =	shalt  }
0x73: {  	_ =	shalt  }
0x74: {  	_ =	shalt  }
0x75: {  	_ =	shalt  }
0x76: {  	_ =	shalt  }
0x77: {  	_ =	shalt  }
0x78: {  	_ =	shalt  }
0x79: {  	_ =	shalt  }
0x7a: {  	_ =	shalt  }
0x7b: {  	_ =	shalt  }
0x7c: {  	_ =	shalt  }
0x7d: {  	_ =	shalt  }
0x7e: {  	_ =	shalt  }
0x7f: {  	_ =	shalt  }
0x80: {  	_ =	shalt  }
0x81: {  	_ =	shalt  }
0x82: {  	_ =	shalt  }
0x83: {  	_ =	shalt  }
0x84: {  	_ =	shalt  }
0x85: {  	_ =	shalt  }
0x86: {  	_ =	shalt  }
0x87: {  	_ =	shalt  }
.Lfunc_end0:
.L_simem_size_0:
called_computation_lowered:
.L_overlay_start_0:
0x88: {  	s2 =	sld [smem:$0x3FD9]  }
0x89: {  	s3 =	sld [smem:$0x3FFE];
	_ =	sdelay $0x1  }
0x8a: {  	s1 =	srdreg.scid  }
0x8b: {  	s0 =	sand.u32 $0x1, s1  }
0x8c: {  	s17 =	sshll.u32 s0, $0xA;
	s2 =	sadd.s32 s3, s2  }
0x8d: {  	s2 =	sadd.s32 s2, s17  }
0x8e: {  	[smem:$0x3FC1] =	sst s2  }
0x8f: {  	_ = 	snop  }
0x90: {  	s2 =	sld [smem:$0x3FD0];
	(tm) =	ssettm $0x1  }
0x91: {  	s18 =	sld [smem:$0x3FFB];
	_ =	sdelay $0x3  }
0x92: {  	_ =	strace s18  }
0x93: {  	s3 =	sld [smem:$0x3FFC];
	_ =	sdelay $0x3  }
0x94: {  	_ =	strace s3  }
0x95: {  	s3 =	sld [smem:$0x3FFD];
	_ =	sdelay $0x3  }
0x96: {  	_ =	strace s3  }
0x97: {  	_ =	strace $0x8FFFFFFF  }
0x98: {  	s19 =	sld [smem:$0x3FDB];
	_ =	sdelay $0x1  }
0x99: {  	s4 =	simm.s32 $_scs_section_size  }
0x9a: {  	s5 =	simm.s32 $_size__tile_overlayer_lowered;
	s6 =	simm.s32 $_tile_overlayer_lowered  }
0x9b: {  	s22 =	simm.s32 $0x1BFF;
	s21 =	sshll.u32 s6, $0x1;
	s3 =	sadd.s32 s4, s19  }
0x9c: {  	s7 =	simm.s32 $0x0;
	s20 =	sshll.u32 s5, $0x1;
	s5 =	sadd.s32 s21, s3  }
0x9d: {  	[timem:s7], [sflag:s22] =	dma.local [hbm:s5], s20  }
0x9e: {  	_ =	swait.ge [sflag:s22], s20  }
0x9f: {  	s4 =	ssub.s32 $0x0, s20;
	[sflag:s22] =	ssyncset.done $0x0  }
0xa0: {  	[sflag:s22] =	ssyncadd.s32 s4;
	_ =	sdelay $0x1  }
0xa1: {  	s23 =	simm.s32 $0x1B8B  }
0xa2: {  	_ =	swait.ge [sflag:s23], $0x1  }
0xa3: {  	[sflag:s23] =	ssyncset.done $0x0  }
0xa4: {  	s25 =	simm.s32 $0x1B8E;
	s24 =	sld [smem:$0x3FFE];
	[sflag:s23] =	ssyncadd.s32 $0xFFFFFFFF  }
0xa5: {  	s26 =	simm.s32 $execute0_lowered;
	[smem:$0x3FD2] =	sst s25  }
0xa6: {  	s5 =	sshll.u32 s26, $0x1;
	_ =	strace $0x80000046;
	[dreg:$0x1] =	wrdreg $0xFFFFFFFF  }
0xa7: {  	s28 =	simm.s32 $_size_execute0_lowered;
	s3 =	sadd.s32 s3, s5;
	[dreg:$0x0] =	wrdreg $0x0  }
0xa8: {  	s5 =	sshll.u32 s28, $0x1;
	[dreg:$0x2] =	wrdreg s3  }
0xa9: {  	[dreg:$0x3] =	wrdreg s5  }
0xaa: {  	[dreg:$0x4] =	wrdreg $0xC0  }
0xab: {  	_ =	task [dreg:s7], $0x5FFFF  }
0xac: {  	[dreg:$0x1] =	wrdreg $0xFFFFFFFF  }
0xad: {  	[dreg:$0x0] =	wrdreg $0x60  }
0xae: {  	[dreg:$0x2] =	wrdreg s24  }
0xaf: {  	[dreg:$0x3] =	wrdreg s2  }
0xb0: {  	[dreg:$0x4] =	wrdreg $0x9  }
0xb1: {  	_ =	task.clear_ibuf [dreg:s7], $0x5FFFF;
	_ =	strace $0x90000046  }
0xb2: {  	s29 =	simm.s32 $0x9;
	_ =	strace $0x80000048  }
0xb3: {  	_ =	swait.ge [sflag:s29], $0x1  }
0xb4: {  	[sflag:s29] =	ssyncadd.s32 $0xFFFFFFFF  }
0xb5: {  	_ =	strace $0x90000048  }
0xb6: {  	_ =	sfence  }
0xb7: {  	s30 =	sld [smem:$0x0];
	_ =	sdelay $0x2  }
0xb8: {  	s31 =	sshll.u32 s1, $0xD;
	s1 =	sshrl.u32 s1, $0x2  }
0xb9: {  	s3 =	sand.u32 $0x4000, s31;
	s1 =	sadd.s32 s1, s30  }
0xba: {  	s0 =	sor.u32 s3, s0;
	s1 =	sshll.u32 s1, $0x11  }
0xbb: {  	s0 =	sor.u32 s1, s0  }
0xbc: {  	s0 =	sadd.s32 $0x8F2B, s0  }
0xbd: {  	[sflag:s0] =	ssyncadd.remote.s32 $0x1  }
0xbe: {  	_ =	sfence.sel $0xFFFF  }
0xbf: {  	[dreg:$0x0] =	wrdreg $0xFFFFFFFF;
	(pc) =	sbr.abs _section_cstart, $3  }
0xc0: {  	[dreg:$0x1] =	wrdreg $0xFFFFFFFF  }
0xc1: {  	_ =	task.clear_ibuf [dreg:s7], $0x2FFFF;
	_ =	strace $0x9FFFFFFF  }
0xc2: {  	(tm) =	ssettm $0x7FFFFFFF  }
0xc3: {  	_ =	shalt  }
tec
execute0_lowered:
.L_overlay_start_1:
0x0: {  	(tag) =	ssettag $0x1  }
0x1: {  	s2 =	rddreg [dreg:$0x0]  }
0x2: {  	s3 =	rddreg [dreg:$0x1]  }
0x3: {  	s0 =	rddreg [dreg:$0x2];
	s5 =	srdreg.scid  }
0x4: {  	s1 =	stileid.u32;
	s4 =	simm.s32 $0x0;
	s18 =	simm.s32 $0x3400  }
0x5: {  	s19 =	simm.s32 $0x1;
	s20 =	simm.s32 $0x3580;
	s21 =	simm.s32 $0x3600  }
0x6: {  	s22 =	simm.s32 $0x2A00;
	s7 =	sand.u32 $0x1, s5;
	s31 =	sshll.u32 s1, $0x1  }
0x7: {  	s23 =	simm.s32 $0x3780;
	[smem:$0x7FF] =	sst s4;
	s8 =	sor.u32 s7, s31  }
0x8: {  	s5 =	sadd.s32 $0x1000, s2;
	s6 =	sadd.s32 $0xA00, s2;
	s9 =	smul.u32 $0x2A, s8  }
0x9: {  	_ =	strace $0x80000047;
	s11 =	ssub.s32 $0x2, s7;
	s10 =	smul.u32 $0xA, s8  }
0xa: {  	s7 =	sadd.s32 $0x400, s2;
	s8 =	sadd.s32 $0x200, s2;
	s12 =	sshrl.u32 s11, $0x1  }
0xb: {  	s17 =	ssub.s32 s11, s12;
	s13 =	sadd.s32 s9, s2;
	s16 =	sadd.s32 s10, s2  }
0xc: {  	s17 =	smax.u32 s17, $0x1;
	s9 =	sadd.s32 $0x2000, s13;
	s10 =	sadd.s32 $0x1800, s16  }
0xd: {  	s11 =	sadd.s32 $0x3000, s13;
	s12 =	sadd.s32 $0x1A00, s13;
	s13 =	sadd.s32 $0x2600, s13  }
0xe: {  	s14 =	sadd.s32 $0x1600, s16;
	s15 =	sadd.s32 $0x2C00, s16;
	s16 =	sadd.s32 $0x2E00, s16  }
.LBB2_1:
0xf: {  	[tilespmem:s18], [sflag:$0x1] =	stream.linear.gather [hbm4b:s9+s4], $0x150, $0x38;
	[tilespmem:$0x3800] =	vst v63  }
0x10: {  	_ =	swait.ge [sflag:s19], $0x150  }
0x11: {  	[sflag:s19] =	ssyncset.done $0x0  }
0x12: {  	[sflag:s19] =	ssyncadd.s32 $0xFFFFFEB0  }
0x13: {  	[tilespmem:s20], [sflag:$0x1] =	stream.linear.gather [hbm4b:s10+s4], $0x50, $0x38;
	[tilespmem:$0x3800] =	vst v63  }
0x14: {  	_ =	swait.ge [sflag:s19], $0x50  }
0x15: {  	[sflag:s19] =	ssyncset.done $0x0  }
0x16: {  	[sflag:s19] =	ssyncadd.s32 $0xFFFFFFB0  }
0x17: {  	[tilespmem:s4], [sflag:$0x1] =	stream.linear.gather [hbm4b:s5+s4], $0x2A00, $0x38;
	[tilespmem:$0x3800] =	vst v63  }
0x18: {  	_ =	swait.ge [sflag:s19], $0x2A00  }
0x19: {  	[sflag:s19] =	ssyncset.done $0x0  }
0x1a: {  	[sflag:s19] =	ssyncadd.s32 $0xFFFFD600  }
0x1b: {  	v0 =	vld [tilespmem:$0x3400];
	_ =	sdelay $0x5  }
0x1c: {  	v1 =	vld [tilespmem:$0x3410];
	_ =	sdelay $0x1  }
0x1d: {  	v0 =	vld.idx.msk [tilespmem:v0+s4+$0x0], $0xffff;
	_ =	sdelay $0x3  }
0x1e: {  	v2 =	vld [tilespmem:$0x3420]  }
0x1f: {  	[tilespmem:$0x3600] =	vst v0  }
0x20: {  	v0 =	vld.idx.msk [tilespmem:v1+s4+$0x0], $0xffff;
	_ =	sdelay $0x3  }
0x21: {  	v49 =	vld [tilespmem:$0x3430]  }
0x22: {  	[tilespmem:$0x3610] =	vst v0  }
0x23: {  	v0 =	vld.idx.msk [tilespmem:v2+s4+$0x0], $0xffff;
	_ =	sdelay $0x3  }
0x24: {  	v50 =	vld [tilespmem:$0x3440]  }
0x25: {  	[tilespmem:$0x3620] =	vst v0  }
0x26: {  	v0 =	vld.idx.msk [tilespmem:v49+s4+$0x0], $0xffff;
	_ =	sdelay $0x3  }
0x27: {  	v51 =	vld [tilespmem:$0x3450]  }
0x28: {  	[tilespmem:$0x3630] =	vst v0  }
0x29: {  	v0 =	vld.idx.msk [tilespmem:v50+s4+$0x0], $0xffff;
	_ =	sdelay $0x3  }
0x2a: {  	v52 =	vld [tilespmem:$0x3460]  }
0x2b: {  	[tilespmem:$0x3640] =	vst v0  }
0x2c: {  	v0 =	vld.idx.msk [tilespmem:v51+s4+$0x0], $0xffff;
	_ =	sdelay $0x3  }
0x2d: {  	v53 =	vld [tilespmem:$0x3470]  }
0x2e: {  	[tilespmem:$0x3650] =	vst v0  }
0x2f: {  	v0 =	vld.idx.msk [tilespmem:v52+s4+$0x0], $0xffff;
	_ =	sdelay $0x3  }
0x30: {  	v54 =	vld [tilespmem:$0x3480]  }
0x31: {  	[tilespmem:$0x3660] =	vst v0  }
0x32: {  	v0 =	vld.idx.msk [tilespmem:v53+s4+$0x0], $0xffff;
	_ =	sdelay $0x3  }
0x33: {  	v55 =	vld [tilespmem:$0x3490]  }
0x34: {  	[tilespmem:$0x3670] =	vst v0  }
0x35: {  	v0 =	vld.idx.msk [tilespmem:v54+s4+$0x0], $0xffff;
	_ =	sdelay $0x3  }
0x36: {  	v56 =	vld [tilespmem:$0x34A0]  }
0x37: {  	[tilespmem:$0x3680] =	vst v0  }
0x38: {  	v0 =	vld.idx.msk [tilespmem:v55+s4+$0x0], $0xffff;
	_ =	sdelay $0x3  }
0x39: {  	v57 =	vld [tilespmem:$0x34B0]  }
0x3a: {  	[tilespmem:$0x3690] =	vst v0  }
0x3b: {  	v0 =	vld.idx.msk [tilespmem:v56+s4+$0x0], $0xffff;
	_ =	sdelay $0x3  }
0x3c: {  	v58 =	vld [tilespmem:$0x34C0]  }
0x3d: {  	[tilespmem:$0x36A0] =	vst v0  }
0x3e: {  	v0 =	vld.idx.msk [tilespmem:v57+s4+$0x0], $0xffff;
	_ =	sdelay $0x3  }
0x3f: {  	v59 =	vld [tilespmem:$0x34D0]  }
0x40: {  	[tilespmem:$0x36B0] =	vst v0  }
0x41: {  	v0 =	vld.idx.msk [tilespmem:v58+s4+$0x0], $0xffff;
	_ =	sdelay $0x3  }
0x42: {  	v60 =	vld [tilespmem:$0x34E0]  }
0x43: {  	[tilespmem:$0x36C0] =	vst v0  }
0x44: {  	v0 =	vld.idx.msk [tilespmem:v59+s4+$0x0], $0xffff;
	_ =	sdelay $0x3  }
0x45: {  	v61 =	vld [tilespmem:$0x34F0]  }
0x46: {  	[tilespmem:$0x36D0] =	vst v0  }
0x47: {  	v0 =	vld.idx.msk [tilespmem:v60+s4+$0x0], $0xffff;
	_ =	sdelay $0x3  }
0x48: {  	v62 =	vld [tilespmem:$0x3500]  }
0x49: {  	[tilespmem:$0x36E0] =	vst v0  }
0x4a: {  	v0 =	vld.idx.msk [tilespmem:v61+s4+$0x0], $0xffff;
	_ =	sdelay $0x3  }
0x4b: {  	v63 =	vld [tilespmem:$0x3510]  }
0x4c: {  	[tilespmem:$0x36F0] =	vst v0  }
0x4d: {  	v0 =	vld.idx.msk [tilespmem:v62+s4+$0x0], $0xffff;
	_ =	sdelay $0x3  }
0x4e: {  	v4 =	vld [tilespmem:$0x3520]  }
0x4f: {  	[tilespmem:$0x3700] =	vst v0  }
0x50: {  	v0 =	vld.idx.msk [tilespmem:v63+s4+$0x0], $0xffff;
	_ =	sdelay $0x3  }
0x51: {  	v5 =	vld [tilespmem:$0x3530]  }
0x52: {  	[tilespmem:$0x3710] =	vst v0  }
0x53: {  	v0 =	vld.idx.msk [tilespmem:v4+s4+$0x0], $0xffff;
	_ =	sdelay $0x3  }
0x54: {  	v6 =	vld [tilespmem:$0x3540]  }
0x55: {  	[tilespmem:$0x3720] =	vst v0  }
0x56: {  	v0 =	vld.idx.msk [tilespmem:v5+s4+$0x0], $0xffff;
	_ =	sdelay $0x4  }
0x57: {  	[tilespmem:$0x3730] =	vst v0  }
0x58: {  	v0 =	vld.idx.msk [tilespmem:v6+s4+$0x0], $0xffff;
	_ =	sdelay $0x4  }
0x59: {  	[tilespmem:$0x3740] =	vst v0  }
0x5a: {  	[hbm4b:s11+s4] =	stream.linear.scatter [tilespmem:s21], [sflag:$0x1], $0x150, $0x38;
	[tilespmem:$0x3800] =	vst v63  }
0x5b: {  	_ =	swait.ge [sflag:s19], $0x150  }
0x5c: {  	[sflag:s19] =	ssyncset.done $0x0  }
0x5d: {  	[sflag:s19] =	ssyncadd.s32 $0xFFFFFEB0  }
0x5e: {  	[tilespmem:s4], [sflag:$0x1] =	stream.linear.gather [hbm4b:s6+s4], $0x2A00, $0x38;
	[tilespmem:$0x3800] =	vst v63  }
0x5f: {  	_ =	swait.ge [sflag:s19], $0x2A00  }
0x60: {  	[sflag:s19] =	ssyncset.done $0x0  }
0x61: {  	[sflag:s19] =	ssyncadd.s32 $0xFFFFD600  }
0x62: {  	v7 =	vld [tilespmem:$0x3400];
	_ =	sdelay $0x5  }
0x63: {  	v8 =	vld [tilespmem:$0x3410];
	_ =	sdelay $0x1  }
0x64: {  	v0 =	vld.idx.msk [tilespmem:v7+s4+$0x0], $0xffff;
	_ =	sdelay $0x3  }
0x65: {  	v9 =	vld [tilespmem:$0x3420]  }
0x66: {  	[tilespmem:$0x3600] =	vst v0  }
0x67: {  	v0 =	vld.idx.msk [tilespmem:v8+s4+$0x0], $0xffff;
	_ =	sdelay $0x3  }
0x68: {  	v10 =	vld [tilespmem:$0x3430]  }
0x69: {  	[tilespmem:$0x3610] =	vst v0  }
0x6a: {  	v0 =	vld.idx.msk [tilespmem:v9+s4+$0x0], $0xffff;
	_ =	sdelay $0x3  }
0x6b: {  	v11 =	vld [tilespmem:$0x3440]  }
0x6c: {  	[tilespmem:$0x3620] =	vst v0  }
0x6d: {  	v0 =	vld.idx.msk [tilespmem:v10+s4+$0x0], $0xffff;
	_ =	sdelay $0x3  }
0x6e: {  	v12 =	vld [tilespmem:$0x3450]  }
0x6f: {  	[tilespmem:$0x3630] =	vst v0  }
0x70: {  	v0 =	vld.idx.msk [tilespmem:v11+s4+$0x0], $0xffff;
	_ =	sdelay $0x3  }
0x71: {  	v13 =	vld [tilespmem:$0x3460]  }
0x72: {  	[tilespmem:$0x3640] =	vst v0  }
0x73: {  	v0 =	vld.idx.msk [tilespmem:v12+s4+$0x0], $0xffff;
	_ =	sdelay $0x3  }
0x74: {  	v14 =	vld [tilespmem:$0x3470]  }
0x75: {  	[tilespmem:$0x3650] =	vst v0  }
0x76: {  	v0 =	vld.idx.msk [tilespmem:v13+s4+$0x0], $0xffff;
	_ =	sdelay $0x3  }
0x77: {  	v15 =	vld [tilespmem:$0x3480]  }
0x78: {  	[tilespmem:$0x3660] =	vst v0  }
0x79: {  	v0 =	vld.idx.msk [tilespmem:v14+s4+$0x0], $0xffff;
	_ =	sdelay $0x3  }
0x7a: {  	v16 =	vld [tilespmem:$0x3490]  }
0x7b: {  	[tilespmem:$0x3670] =	vst v0  }
0x7c: {  	v0 =	vld.idx.msk [tilespmem:v15+s4+$0x0], $0xffff;
	_ =	sdelay $0x3  }
0x7d: {  	v17 =	vld [tilespmem:$0x34A0]  }
0x7e: {  	[tilespmem:$0x3680] =	vst v0  }
0x7f: {  	v0 =	vld.idx.msk [tilespmem:v16+s4+$0x0], $0xffff;
	_ =	sdelay $0x3  }
0x80: {  	v18 =	vld [tilespmem:$0x34B0]  }
0x81: {  	[tilespmem:$0x3690] =	vst v0  }
0x82: {  	v0 =	vld.idx.msk [tilespmem:v17+s4+$0x0], $0xffff;
	_ =	sdelay $0x3  }
0x83: {  	v19 =	vld [tilespmem:$0x34C0]  }
0x84: {  	[tilespmem:$0x36A0] =	vst v0  }
0x85: {  	v0 =	vld.idx.msk [tilespmem:v18+s4+$0x0], $0xffff;
	_ =	sdelay $0x3  }
0x86: {  	v20 =	vld [tilespmem:$0x34D0]  }
0x87: {  	[tilespmem:$0x36B0] =	vst v0  }
0x88: {  	v0 =	vld.idx.msk [tilespmem:v19+s4+$0x0], $0xffff;
	_ =	sdelay $0x3  }
0x89: {  	v21 =	vld [tilespmem:$0x34E0]  }
0x8a: {  	[tilespmem:$0x36C0] =	vst v0  }
0x8b: {  	v0 =	vld.idx.msk [tilespmem:v20+s4+$0x0], $0xffff;
	_ =	sdelay $0x3  }
0x8c: {  	v22 =	vld [tilespmem:$0x34F0]  }
0x8d: {  	[tilespmem:$0x36D0] =	vst v0  }
0x8e: {  	v0 =	vld.idx.msk [tilespmem:v21+s4+$0x0], $0xffff;
	_ =	sdelay $0x3  }
0x8f: {  	v23 =	vld [tilespmem:$0x3500]  }
0x90: {  	[tilespmem:$0x36E0] =	vst v0  }
0x91: {  	v0 =	vld.idx.msk [tilespmem:v22+s4+$0x0], $0xffff;
	_ =	sdelay $0x3  }
0x92: {  	v24 =	vld [tilespmem:$0x3510]  }
0x93: {  	[tilespmem:$0x36F0] =	vst v0  }
0x94: {  	v0 =	vld.idx.msk [tilespmem:v23+s4+$0x0], $0xffff;
	_ =	sdelay $0x3  }
0x95: {  	v25 =	vld [tilespmem:$0x3520]  }
0x96: {  	[tilespmem:$0x3700] =	vst v0  }
0x97: {  	v0 =	vld.idx.msk [tilespmem:v24+s4+$0x0], $0xffff;
	_ =	sdelay $0x3  }
0x98: {  	v26 =	vld [tilespmem:$0x3530]  }
0x99: {  	[tilespmem:$0x3710] =	vst v0  }
0x9a: {  	v0 =	vld.idx.msk [tilespmem:v25+s4+$0x0], $0xffff;
	_ =	sdelay $0x3  }
0x9b: {  	v27 =	vld [tilespmem:$0x3540]  }
0x9c: {  	[tilespmem:$0x3720] =	vst v0  }
0x9d: {  	v0 =	vld.idx.msk [tilespmem:v26+s4+$0x0], $0xffff;
	_ =	sdelay $0x4  }
0x9e: {  	[tilespmem:$0x3730] =	vst v0  }
0x9f: {  	v0 =	vld.idx.msk [tilespmem:v27+s4+$0x0], $0xffff;
	_ =	sdelay $0x4  }
0xa0: {  	[tilespmem:$0x3740] =	vst v0  }
0xa1: {  	[hbm4b:s12+s4] =	stream.linear.scatter [tilespmem:s21], [sflag:$0x1], $0x150, $0x38;
	[tilespmem:$0x3800] =	vst v63  }
0xa2: {  	_ =	swait.ge [sflag:s19], $0x150  }
0xa3: {  	[sflag:s19] =	ssyncset.done $0x0  }
0xa4: {  	[sflag:s19] =	ssyncadd.s32 $0xFFFFFEB0  }
0xa5: {  	[tilespmem:s4], [sflag:$0x1] =	stream.linear.gather [hbm4b:s7+s4], $0x2A00, $0x38;
	[tilespmem:$0x3800] =	vst v63  }
0xa6: {  	_ =	swait.ge [sflag:s19], $0x2A00  }
0xa7: {  	[sflag:s19] =	ssyncset.done $0x0  }
0xa8: {  	[sflag:s19] =	ssyncadd.s32 $0xFFFFD600  }
0xa9: {  	v28 =	vld [tilespmem:$0x3400];
	_ =	sdelay $0x5  }
0xaa: {  	v29 =	vld [tilespmem:$0x3410];
	_ =	sdelay $0x1  }
0xab: {  	v0 =	vld.idx.msk [tilespmem:v28+s4+$0x0], $0xffff;
	_ =	sdelay $0x3  }
0xac: {  	v30 =	vld [tilespmem:$0x3420]  }
0xad: {  	[tilespmem:$0x3600] =	vst v0  }
0xae: {  	v0 =	vld.idx.msk [tilespmem:v29+s4+$0x0], $0xffff;
	_ =	sdelay $0x3  }
0xaf: {  	v31 =	vld [tilespmem:$0x3430]  }
0xb0: {  	[tilespmem:$0x3610] =	vst v0  }
0xb1: {  	v0 =	vld.idx.msk [tilespmem:v30+s4+$0x0], $0xffff;
	_ =	sdelay $0x3  }
0xb2: {  	v32 =	vld [tilespmem:$0x3440]  }
0xb3: {  	[tilespmem:$0x3620] =	vst v0  }
0xb4: {  	v0 =	vld.idx.msk [tilespmem:v31+s4+$0x0], $0xffff;
	_ =	sdelay $0x3  }
0xb5: {  	v33 =	vld [tilespmem:$0x3450]  }
0xb6: {  	[tilespmem:$0x3630] =	vst v0  }
0xb7: {  	v0 =	vld.idx.msk [tilespmem:v32+s4+$0x0], $0xffff;
	_ =	sdelay $0x3  }
0xb8: {  	v34 =	vld [tilespmem:$0x3460]  }
0xb9: {  	[tilespmem:$0x3640] =	vst v0  }
0xba: {  	v0 =	vld.idx.msk [tilespmem:v33+s4+$0x0], $0xffff;
	_ =	sdelay $0x3  }
0xbb: {  	v35 =	vld [tilespmem:$0x3470]  }
0xbc: {  	[tilespmem:$0x3650] =	vst v0  }
0xbd: {  	v0 =	vld.idx.msk [tilespmem:v34+s4+$0x0], $0xffff;
	_ =	sdelay $0x3  }
0xbe: {  	v36 =	vld [tilespmem:$0x3480]  }
0xbf: {  	[tilespmem:$0x3660] =	vst v0  }
0xc0: {  	v0 =	vld.idx.msk [tilespmem:v35+s4+$0x0], $0xffff;
	_ =	sdelay $0x3  }
0xc1: {  	v37 =	vld [tilespmem:$0x3490]  }
0xc2: {  	[tilespmem:$0x3670] =	vst v0  }
0xc3: {  	v0 =	vld.idx.msk [tilespmem:v36+s4+$0x0], $0xffff;
	_ =	sdelay $0x3  }
0xc4: {  	v38 =	vld [tilespmem:$0x34A0]  }
0xc5: {  	[tilespmem:$0x3680] =	vst v0  }
0xc6: {  	v0 =	vld.idx.msk [tilespmem:v37+s4+$0x0], $0xffff;
	_ =	sdelay $0x3  }
0xc7: {  	v39 =	vld [tilespmem:$0x34B0]  }
0xc8: {  	[tilespmem:$0x3690] =	vst v0  }
0xc9: {  	v0 =	vld.idx.msk [tilespmem:v38+s4+$0x0], $0xffff;
	_ =	sdelay $0x3  }
0xca: {  	v40 =	vld [tilespmem:$0x34C0]  }
0xcb: {  	[tilespmem:$0x36A0] =	vst v0  }
0xcc: {  	v0 =	vld.idx.msk [tilespmem:v39+s4+$0x0], $0xffff;
	_ =	sdelay $0x3  }
0xcd: {  	v41 =	vld [tilespmem:$0x34D0]  }
0xce: {  	[tilespmem:$0x36B0] =	vst v0  }
0xcf: {  	v0 =	vld.idx.msk [tilespmem:v40+s4+$0x0], $0xffff;
	_ =	sdelay $0x3  }
0xd0: {  	v42 =	vld [tilespmem:$0x34E0]  }
0xd1: {  	[tilespmem:$0x36C0] =	vst v0  }
0xd2: {  	v0 =	vld.idx.msk [tilespmem:v41+s4+$0x0], $0xffff;
	_ =	sdelay $0x3  }
0xd3: {  	v43 =	vld [tilespmem:$0x34F0]  }
0xd4: {  	[tilespmem:$0x36D0] =	vst v0  }
0xd5: {  	v0 =	vld.idx.msk [tilespmem:v42+s4+$0x0], $0xffff;
	_ =	sdelay $0x3  }
0xd6: {  	v44 =	vld [tilespmem:$0x3500]  }
0xd7: {  	[tilespmem:$0x36E0] =	vst v0  }
0xd8: {  	v0 =	vld.idx.msk [tilespmem:v43+s4+$0x0], $0xffff;
	_ =	sdelay $0x3  }
0xd9: {  	v45 =	vld [tilespmem:$0x3510]  }
0xda: {  	[tilespmem:$0x36F0] =	vst v0  }
0xdb: {  	v0 =	vld.idx.msk [tilespmem:v44+s4+$0x0], $0xffff;
	_ =	sdelay $0x3  }
0xdc: {  	v46 =	vld [tilespmem:$0x3520]  }
0xdd: {  	[tilespmem:$0x3700] =	vst v0  }
0xde: {  	v0 =	vld.idx.msk [tilespmem:v45+s4+$0x0], $0xffff;
	_ =	sdelay $0x3  }
0xdf: {  	v47 =	vld [tilespmem:$0x3530]  }
0xe0: {  	[tilespmem:$0x3710] =	vst v0  }
0xe1: {  	v0 =	vld.idx.msk [tilespmem:v46+s4+$0x0], $0xffff;
	_ =	sdelay $0x3  }
0xe2: {  	v48 =	vld [tilespmem:$0x3540]  }
0xe3: {  	[tilespmem:$0x3720] =	vst v0  }
0xe4: {  	v0 =	vld.idx.msk [tilespmem:v47+s4+$0x0], $0xffff;
	_ =	sdelay $0x4  }
0xe5: {  	[tilespmem:$0x3730] =	vst v0  }
0xe6: {  	v0 =	vld.idx.msk [tilespmem:v48+s4+$0x0], $0xffff;
	_ =	sdelay $0x4  }
0xe7: {  	[tilespmem:$0x3740] =	vst v0  }
0xe8: {  	[hbm4b:s13+s4] =	stream.linear.scatter [tilespmem:s21], [sflag:$0x1], $0x150, $0x38;
	[tilespmem:$0x3800] =	vst v63  }
0xe9: {  	_ =	swait.ge [sflag:s19], $0x150  }
0xea: {  	[sflag:s19] =	ssyncset.done $0x0  }
0xeb: {  	[sflag:s19] =	ssyncadd.s32 $0xFFFFFEB0  }
0xec: {  	[tilespmem:s22], [sflag:$0x1] =	stream.linear.gather [hbm4b:s3+s4], $0xA00, $0x38;
	[tilespmem:$0x3800] =	vst v63  }
0xed: {  	_ =	swait.ge [sflag:s19], $0xA00  }
0xee: {  	[sflag:s19] =	ssyncset.done $0x0  }
0xef: {  	[sflag:s19] =	ssyncadd.s32 $0xFFFFF600  }
0xf0: {  	v49 =	vld [tilespmem:$0x3580];
	_ =	sdelay $0x5  }
0xf1: {  	v50 =	vld [tilespmem:$0x3590];
	_ =	sdelay $0x1  }
0xf2: {  	v0 =	vld.idx.msk [tilespmem:v49+s22+$0x0], $0xffff;
	_ =	sdelay $0x3  }
0xf3: {  	v51 =	vld [tilespmem:$0x35A0]  }
0xf4: {  	[tilespmem:$0x3780] =	vst v0  }
0xf5: {  	v0 =	vld.idx.msk [tilespmem:v50+s22+$0x0], $0xffff;
	_ =	sdelay $0x3  }
0xf6: {  	v52 =	vld [tilespmem:$0x35B0]  }
0xf7: {  	[tilespmem:$0x3790] =	vst v0  }
0xf8: {  	v0 =	vld.idx.msk [tilespmem:v51+s22+$0x0], $0xffff;
	_ =	sdelay $0x3  }
0xf9: {  	v53 =	vld [tilespmem:$0x35C0]  }
0xfa: {  	[tilespmem:$0x37A0] =	vst v0  }
0xfb: {  	v0 =	vld.idx.msk [tilespmem:v52+s22+$0x0], $0xffff;
	_ =	sdelay $0x4  }
0xfc: {  	[tilespmem:$0x37B0] =	vst v0  }
0xfd: {  	v0 =	vld.idx.msk [tilespmem:v53+s22+$0x0], $0xffff;
	_ =	sdelay $0x4  }
0xfe: {  	[tilespmem:$0x37C0] =	vst v0  }
0xff: {  	[hbm4b:s14+s4] =	stream.linear.scatter [tilespmem:s23], [sflag:$0x1], $0x50, $0x38;
	[tilespmem:$0x3800] =	vst v63  }
0x100: {  	_ =	swait.ge [sflag:s19], $0x50  }
0x101: {  	[sflag:s19] =	ssyncset.done $0x0  }
0x102: {  	[sflag:s19] =	ssyncadd.s32 $0xFFFFFFB0  }
0x103: {  	[tilespmem:s22], [sflag:$0x1] =	stream.linear.gather [hbm4b:s8+s4], $0xA00, $0x38;
	[tilespmem:$0x3800] =	vst v63  }
0x104: {  	_ =	swait.ge [sflag:s19], $0xA00  }
0x105: {  	[sflag:s19] =	ssyncset.done $0x0  }
0x106: {  	[sflag:s19] =	ssyncadd.s32 $0xFFFFF600  }
0x107: {  	v54 =	vld [tilespmem:$0x3580];
	_ =	sdelay $0x5  }
0x108: {  	v55 =	vld [tilespmem:$0x3590];
	_ =	sdelay $0x1  }
0x109: {  	v0 =	vld.idx.msk [tilespmem:v54+s22+$0x0], $0xffff;
	_ =	sdelay $0x3  }
0x10a: {  	v56 =	vld [tilespmem:$0x35A0]  }
0x10b: {  	[tilespmem:$0x3780] =	vst v0  }
0x10c: {  	v0 =	vld.idx.msk [tilespmem:v55+s22+$0x0], $0xffff;
	_ =	sdelay $0x3  }
0x10d: {  	v57 =	vld [tilespmem:$0x35B0]  }
0x10e: {  	[tilespmem:$0x3790] =	vst v0  }
0x10f: {  	v0 =	vld.idx.msk [tilespmem:v56+s22+$0x0], $0xffff;
	_ =	sdelay $0x3  }
0x110: {  	v58 =	vld [tilespmem:$0x35C0]  }
0x111: {  	[tilespmem:$0x37A0] =	vst v0  }
0x112: {  	v0 =	vld.idx.msk [tilespmem:v57+s22+$0x0], $0xffff;
	_ =	sdelay $0x4  }
0x113: {  	[tilespmem:$0x37B0] =	vst v0  }
0x114: {  	v0 =	vld.idx.msk [tilespmem:v58+s22+$0x0], $0xffff;
	_ =	sdelay $0x4  }
0x115: {  	[tilespmem:$0x37C0] =	vst v0  }
0x116: {  	[hbm4b:s15+s4] =	stream.linear.scatter [tilespmem:s23], [sflag:$0x1], $0x50, $0x38;
	[tilespmem:$0x3800] =	vst v63  }
0x117: {  	_ =	swait.ge [sflag:s19], $0x50  }
0x118: {  	[sflag:s19] =	ssyncset.done $0x0  }
0x119: {  	[sflag:s19] =	ssyncadd.s32 $0xFFFFFFB0  }
0x11a: {  	[tilespmem:s22], [sflag:$0x1] =	stream.linear.gather [hbm4b:s2+s4], $0xA00, $0x38;
	[tilespmem:$0x3800] =	vst v63  }
0x11b: {  	_ =	swait.ge [sflag:s19], $0xA00  }
0x11c: {  	[sflag:s19] =	ssyncset.done $0x0  }
0x11d: {  	[sflag:s19] =	ssyncadd.s32 $0xFFFFF600  }
0x11e: {  	v59 =	vld [tilespmem:$0x3580];
	_ =	sdelay $0x5  }
0x11f: {  	v60 =	vld [tilespmem:$0x3590];
	_ =	sdelay $0x1  }
0x120: {  	v0 =	vld.idx.msk [tilespmem:v59+s22+$0x0], $0xffff;
	_ =	sdelay $0x3  }
0x121: {  	v61 =	vld [tilespmem:$0x35A0]  }
0x122: {  	[tilespmem:$0x3780] =	vst v0  }
0x123: {  	v0 =	vld.idx.msk [tilespmem:v60+s22+$0x0], $0xffff;
	_ =	sdelay $0x3  }
0x124: {  	v62 =	vld [tilespmem:$0x35B0]  }
0x125: {  	[tilespmem:$0x3790] =	vst v0  }
0x126: {  	v0 =	vld.idx.msk [tilespmem:v61+s22+$0x0], $0xffff;
	_ =	sdelay $0x3  }
0x127: {  	v63 =	vld [tilespmem:$0x35C0]  }
0x128: {  	[tilespmem:$0x37A0] =	vst v0  }
0x129: {  	v0 =	vld.idx.msk [tilespmem:v62+s22+$0x0], $0xffff;
	_ =	sdelay $0x4  }
0x12a: {  	[tilespmem:$0x37B0] =	vst v0  }
0x12b: {  	v0 =	vld.idx.msk [tilespmem:v63+s22+$0x0], $0xffff;
	_ =	sdelay $0x3  }
0x12c: {  	p0 =	sne.s32 s17, $0x1  }
.Ltmp0:
0x12d: {  	[tilespmem:$0x37C0] =	vst v0;
	(pc) =	sbr.rel @p0 .LBB2_1-.Ltmp0, $4  }
0x12e: {  	[hbm4b:s16+s4] =	stream.linear.scatter [tilespmem:s23], [sflag:$0x1], $0x50, $0x38;
	[tilespmem:$0x3800] =	vst v63  }
0x12f: {  	_ =	swait.ge [sflag:s19], $0x50  }
0x130: {  	[sflag:s19] =	ssyncset.done $0x0  }
0x131: {  	s17 =	sadd.s32 $0xFFFFFFFF, s17;
	[sflag:s19] =	ssyncadd.s32 $0xFFFFFFB0  }
0x132: {  	_ =	sfence.sel $0x180000  }
0x133: {  	[bflag:$0x0] =	sbarrier.arrive $0xFFFF  }
0x134: {  	p0 =	sne.s32 s1, $0x0;
	_ =	strace $0x90000047  }
0x135: {  	s0 =	sadd.s32 @!p0 $0x100000, s0;
	[bflag:$0x2] =	sbarrier.arrive $0xFFFF  }
0x136: {  	[sflag:s0] =	ssyncadd.tile.s32 @!p0 $0x1;
	_ =	shalt  }
.Lfunc_end2:
_tile_overlayer_lowered:
.L_overlay_start_2:
0x137: {  	(tag) =	ssettag $0x2  }
0x138: {  	s0 =	rddreg [dreg:$0x0];
	s2 =	stileid.u32  }
0x139: {  	s1 =	rddreg [dreg:$0x1];
	p0 =	sne.s32 s2, $0x0  }
0x13a: {  	s3 =	rddreg [dreg:$0x2];
	[bflag:$0x3] =	sbarrier.arrive $0xFFFF;
	s2 =	simm.s32 @!p0 $0x1C01  }
0x13b: {  	[timem:s3], [sflag:s2] =	dma.local @!p0 [hbm:s0], s1  }
0x13c: {  	s0 =	simm.s32 @!p0 $0x1  }
0x13d: {  	_ =	swait.ge @!p0 [sflag:s0], s1  }
0x13e: {  	s1 =	ssub.s32 @!p0 $0x0, s1;
	[sflag:s0] =	ssyncset.done @!p0 $0x0  }
0x13f: {  	[sflag:s0] =	ssyncadd.s32 @!p0 s1  }
0x140: {  	[bflag:$0x3] =	sbarrier.arrive $0xFFFF  }
0x141: {  	_ =	shalt  }

</sc_bundles>
